<compile_context>
chip_gen: v7x
topology: tpu7x:2x2x1
jax: 0.10.2.dev20260603
libtpu: 0.0.44.dev20260713+nightly
codegen_flags: <defaults>
</compile_context>

<pallas_src>
import jax
import jax.numpy as jnp
import numpy as np
from jax import lax
from jax.experimental import pallas as pl
from jax.experimental.pallas import tpu as pltpu
from jax.experimental.pallas import tpu_sc as plsc

_LOSS_WEIGHT = 1.0
_B, _C, _H, _W = 8, 3, 512, 512
_N = _H * _W
_PAIRS = 1000
_WPB = 4
_PPW = _PAIRS // _WPB
_PPW_PAD = 256
_NW = 32
_ELEMS_PER_SIDE = _C * _PPW_PAD
_IDX_CHUNK = 128
_N_CHUNKS = _ELEMS_PER_SIDE // _IDX_CHUNK
_FLAT = _B * _C * _N


def _tf2x32(k1, k2, x1, x2):
    rot = ((13, 15, 26, 6), (17, 29, 16, 24))
    ks = (np.uint32(k1), np.uint32(k2),
          np.uint32(np.uint32(k1) ^ np.uint32(k2) ^ np.uint32(0x1BD11BDA)))
    x1 = (x1 + ks[0]).astype(np.uint32)
    x2 = (x2 + ks[1]).astype(np.uint32)
    for i in range(5):
        for r in rot[i % 2]:
            x1 = (x1 + x2).astype(np.uint32)
            x2 = ((x2 << np.uint32(r)) | (x2 >> np.uint32(32 - r))).astype(
                np.uint32)
            x2 = x2 ^ x1
        x1 = (x1 + ks[(i + 1) % 3]).astype(np.uint32)
        x2 = (x2 + ks[(i + 2) % 3] + np.uint32(i + 1)).astype(np.uint32)
    return x1, x2


def _np_randint(key, n, maxval):
    b1, b2 = _tf2x32(key[0], key[1], np.zeros(2, np.uint32),
                     np.arange(2, dtype=np.uint32))
    out = np.empty((2, n), np.uint32)
    for i, sub in enumerate(((b1[0], b2[0]), (b1[1], b2[1]))):
        h, l = _tf2x32(sub[0], sub[1], np.zeros(n, np.uint32),
                       np.arange(n, dtype=np.uint32))
        out[i] = h ^ l
    span = maxval
    mult = (((2 ** 16 % span) * (2 ** 16 % span)) & 0xFFFFFFFF) % span
    off = ((out[0] % span) * np.uint64(mult) + out[1] % span) % span
    return off.astype(np.int32)


def _fold_in(key, data):
    o1, o2 = _tf2x32(key[0], key[1], np.zeros(1, np.uint32),
                     np.full(1, data, np.uint32))
    return (o1[0], o2[0])


def _build_index_tables():
    base = (np.uint32(0), np.uint32(42))
    idx1 = np.stack([_np_randint(_fold_in(base, 2 * b), _PAIRS, _N)
                     for b in range(_B)])
    idx2 = np.stack([_np_randint(_fold_in(base, 2 * b + 1), _PAIRS, _N)
                     for b in range(_B)])
    b_of_w = np.arange(_NW, dtype=np.int32) // _WPB
    chan = np.arange(_C, dtype=np.int32)

    def tables(idx):
        pixw = np.zeros((_NW, _PPW_PAD), np.int32)
        pixw[:, :_PPW] = idx.reshape(_NW, _PPW)
        flat = ((b_of_w[:, None, None] * _C + chan[None, :, None]) * _N
                + pixw[:, None, :])
        return np.ascontiguousarray(
            flat.reshape(_NW, _N_CHUNKS, _IDX_CHUNK).astype(np.int32))

    return tables(idx1), tables(idx2)


_F1, _F2 = _build_index_tables()


def _sqrt16(x):
    i = plsc.bitcast(x, jnp.int32)
    y = plsc.bitcast((i >> 1) + 0x1FBD1DF5, jnp.float32)
    for _ in range(3):
        y = 0.5 * (y + x / y)
    return y


def _sc_body(diff_hbm, ich_hbm, f1_hbm, f2_hbm, out_hbm,
             f1_v, f2_v, gi1, gi2, gd1, gd2, out_v, sem):
    wid = lax.axis_index("s") * 2 + lax.axis_index("c")

    pltpu.sync_copy(f1_hbm.at[wid], f1_v)
    pltpu.sync_copy(f2_hbm.at[wid], f2_v)

    copies = []
    for i in range(_N_CHUNKS):
        dst = pl.ds(i * _IDX_CHUNK, _IDX_CHUNK)
        copies.append(pltpu.async_copy(ich_hbm.at[f1_v.at[i]], gi1.at[dst], sem))
        copies.append(pltpu.async_copy(ich_hbm.at[f2_v.at[i]], gi2.at[dst], sem))
        copies.append(pltpu.async_copy(diff_hbm.at[f1_v.at[i]], gd1.at[dst], sem))
        copies.append(pltpu.async_copy(diff_hbm.at[f2_v.at[i]], gd2.at[dst], sem))
    for cp in copies:
        cp.wait()

    lane_iota = lax.iota(jnp.int32, 16)
    acc_s = jnp.zeros((16,), jnp.float32)
    acc_c = jnp.zeros((16,), jnp.float32)
    for j in range(_PPW_PAD // 16):
        d2_chro = jnp.zeros((16,), jnp.float32)
        d2_diff = jnp.zeros((16,), jnp.float32)
        for c in range(_C):
            sl = pl.ds(c * _PPW_PAD + j * 16, 16)
            d = gi1[sl] - gi2[sl]
            d2_chro = d2_chro + d * d
            e = gd1[sl] - gd2[sl]
            d2_diff = d2_diff + e * e
        same = d2_chro < 0.25
        valid = (j * 16 + lane_iota) < _PPW
        m = jnp.logical_and(same, valid)
        acc_s = acc_s + jnp.where(m, _sqrt16(d2_diff), 0.0)
        acc_c = acc_c + jnp.where(m, 1.0, 0.0)

    s = jnp.sum(acc_s)
    cnt = jnp.sum(acc_c)
    out_v[...] = jnp.where(lane_iota == 0, s,
                           jnp.where(lane_iota == 1, cnt, 0.0))
    pltpu.sync_copy(out_v, out_hbm.at[wid])


def _cluster_loss_impl(diffuse, Ichro):
    diff_flat = diffuse.reshape(_FLAT)
    ich_flat = Ichro.reshape(_FLAT)
    mesh = plsc.VectorSubcoreMesh(core_axis_name="c", subcore_axis_name="s",
                                  num_cores=2, num_subcores=16)
    fn = pl.kernel(
        _sc_body,
        out_type=jax.ShapeDtypeStruct((_NW, 16), jnp.float32),
        mesh=mesh,
        scratch_types=[
            pltpu.VMEM((_N_CHUNKS, _IDX_CHUNK), jnp.int32),
            pltpu.VMEM((_N_CHUNKS, _IDX_CHUNK), jnp.int32),
            pltpu.VMEM((_ELEMS_PER_SIDE,), jnp.float32),
            pltpu.VMEM((_ELEMS_PER_SIDE,), jnp.float32),
            pltpu.VMEM((_ELEMS_PER_SIDE,), jnp.float32),
            pltpu.VMEM((_ELEMS_PER_SIDE,), jnp.float32),
            pltpu.VMEM((16,), jnp.float32),
            pltpu.SemaphoreType.DMA,
        ],
        compiler_params=pltpu.CompilerParams(needs_layout_passes=False,
                                             skip_device_barrier=True),
    )
    partials = fn(diff_flat, ich_flat, jnp.asarray(_F1), jnp.asarray(_F2))
    s_b = partials[:, 0].reshape(_B, _WPB).sum(axis=1)
    c_b = partials[:, 1].reshape(_B, _WPB).sum(axis=1)
    loss_b = jnp.where(c_b > 0, s_b / jnp.maximum(c_b, 1.0), 0.0)
    return (_LOSS_WEIGHT * jnp.sum(loss_b) / _B).astype(jnp.float32)


_cluster_loss = jax.jit(_cluster_loss_impl)


def kernel(diffuse, Ichro):
    return _cluster_loss(diffuse, Ichro)

# --- scband reference (transcript-rebuilt; emitter-appended) ---
"""Pipeline reference for scband-cluster-consistency-loss-37005438222487 (READ-ONLY COPY).

The authoritative reference and input builder live on the scoring server;
editing this copy changes nothing except your own understanding.
"""

import jax, jax.numpy as jnp
import numpy as np

LOSS_WEIGHT = 1.0
THRESHOLD = 0.5
NUM_SAMPLES = 1000


def setup_inputs(seed: int = 0) -> dict:
    key = jax.random.key(seed)
    k1, k2 = jax.random.split(key)
    diffuse = jax.random.uniform(k1, (8, 3, 512, 512), dtype=jnp.float32)
    Ichro = jax.random.uniform(k2, (8, 3, 512, 512), dtype=jnp.float32)
    return {"diffuse": diffuse, "Ichro": Ichro}


def reference(diffuse, Ichro):
    B, C, H, W = diffuse.shape
    N = H * W
    diffuse_flat = diffuse.reshape(B, C, N)
    Ichro_flat = Ichro.reshape(B, C, N)
    num_pairs = min(NUM_SAMPLES, N * (N - 1) // 2)
    base = jax.random.key(42)
    total = jnp.float32(0.0)
    for b in range(B):
        kb1 = jax.random.fold_in(base, 2 * b)
        kb2 = jax.random.fold_in(base, 2 * b + 1)
        idx1 = jax.random.randint(kb1, (num_pairs,), 0, N)
        idx2 = jax.random.randint(kb2, (num_pairs,), 0, N)
        chro1 = jnp.take(Ichro_flat[b], idx1, axis=1)
        chro2 = jnp.take(Ichro_flat[b], idx2, axis=1)
        chro_dist = jnp.linalg.norm(chro1 - chro2, axis=0)
        same_cluster = chro_dist < THRESHOLD
        diff1 = jnp.take(diffuse_flat[b], idx1, axis=1)
        diff2 = jnp.take(diffuse_flat[b], idx2, axis=1)
        diff_dist = jnp.linalg.norm(diff1 - diff2, axis=0)
        cnt = jnp.sum(same_cluster)
        cluster_loss = jnp.where(
            cnt > 0,
            jnp.sum(jnp.where(same_cluster, diff_dist, 0.0)) / jnp.maximum(cnt, 1).astype(jnp.float32),
            0.0,
        )
        total = total + cluster_loss
    return LOSS_WEIGHT * total / B

if __name__ == "__main__":
    import jax
    _d = setup_inputs()
    print(jax.jit(kernel)(*tuple(_d.values())))

</pallas_src>

<mosaic_0001>
#map = affine_map<(d0, d1) -> (0)>
#map1 = affine_map<(d0, d1) -> (0, 0, 0)>
#map2 = affine_map<(d0, d1) -> (0, 0)>
module attributes {stable_mosaic.version = 14 : i64} {
  func.func @_sc_body(%arg0: i32, %arg1: i32, %arg2: memref<6291456xf32, #tpu.memory_space<hbm>>, %arg3: memref<6291456xf32, #tpu.memory_space<hbm>>, %arg4: memref<32x6x128xi32, #tpu.memory_space<hbm>>, %arg5: memref<32x6x128xi32, #tpu.memory_space<hbm>>, %arg6: memref<32x16xf32, #tpu.memory_space<hbm>>, %arg7: memref<6x128xi32, #tpu.memory_space<vmem>>, %arg8: memref<6x128xi32, #tpu.memory_space<vmem>>, %arg9: memref<768xf32, #tpu.memory_space<vmem>>, %arg10: memref<768xf32, #tpu.memory_space<vmem>>, %arg11: memref<768xf32, #tpu.memory_space<vmem>>, %arg12: memref<768xf32, #tpu.memory_space<vmem>>, %arg13: memref<16xf32, #tpu.memory_space<vmem>>, %arg14: memref<!tpu.dma_semaphore, #tpu.memory_space<semaphore_mem>>) attributes {dimension_semantics = [#tpu.dimension_semantics<core_parallel>, #tpu.dimension_semantics<subcore_parallel>], iteration_bounds = array<i64: 2, 16>, scalar_prefetch = 0 : i64, scratch_operands = 8 : i64, tpu.core_type = #tpu.core_type<sc_vector_subcore>, window_params = [{transform_indices = #map}, {transform_indices = #map}, {transform_indices = #map1}, {transform_indices = #map1}, {transform_indices = #map2}]} {
    %mul3A = arith.constant 2 : i32
    %mul3A_0 = arith.muli %arg1, %mul3A : i32
    %add3A = arith.addi %mul3A_0, %arg0 : i32
    "tpu.region"() ({
      %run_scoped3A = tpu.sem_alloc : memref<!tpu.dma_semaphore, #tpu.memory_space<semaphore_mem>>
      %dma_start3A_1820 = arith.constant 0 : i32
      %dma_start3A_1821 = arith.constant 0 : i32
      %dma_start3A_1822 = tpu.memref_slice %arg4[%add3A, %dma_start3A_1820, %dma_start3A_1821] : memref<32x6x128xi32, #tpu.memory_space<hbm>> -> memref<1x6x128xi32, #tpu.memory_space<hbm>>
      %dma_start3A_1823 = tpu.memref_squeeze %dma_start3A_1822 : memref<1x6x128xi32, #tpu.memory_space<hbm>> -> memref<6x128xi32, #tpu.memory_space<hbm>>
      %dma_start3A_1824 = arith.constant 0 : i32
      %dma_start3A_1825 = arith.constant 0 : i32
      %dma_start3A_1826 = tpu.memref_slice %arg4[%add3A, %dma_start3A_1824, %dma_start3A_1825] : memref<32x6x128xi32, #tpu.memory_space<hbm>> -> memref<1x6x128xi32, #tpu.memory_space<hbm>>
      %dma_start3A_1827 = tpu.memref_squeeze %dma_start3A_1826 : memref<1x6x128xi32, #tpu.memory_space<hbm>> -> memref<6x128xi32, #tpu.memory_space<hbm>>
      tpu.enqueue_dma source(%dma_start3A_1827 : memref<6x128xi32, #tpu.memory_space<hbm>>) target(%arg7 : memref<6x128xi32, #tpu.memory_space<vmem>>) target_semaphore(%run_scoped3A : memref<!tpu.dma_semaphore, #tpu.memory_space<semaphore_mem>>)
      %dma_wait3A_1828 = arith.constant 0 : i32
      %dma_wait3A_1829 = arith.constant 0 : i32
      %dma_wait3A_1830 = tpu.memref_slice %arg4[%add3A, %dma_wait3A_1828, %dma_wait3A_1829] : memref<32x6x128xi32, #tpu.memory_space<hbm>> -> memref<1x6x128xi32, #tpu.memory_space<hbm>>
      %dma_wait3A_1831 = tpu.memref_squeeze %dma_wait3A_1830 : memref<1x6x128xi32, #tpu.memory_space<hbm>> -> memref<6x128xi32, #tpu.memory_space<hbm>>
      %dma_wait3A_1832 = arith.constant 0 : i32
      %dma_wait3A_1833 = arith.constant 0 : i32
      %dma_wait3A_1834 = tpu.memref_slice %arg4[%add3A, %dma_wait3A_1832, %dma_wait3A_1833] : memref<32x6x128xi32, #tpu.memory_space<hbm>> -> memref<1x6x128xi32, #tpu.memory_space<hbm>>
      %dma_wait3A_1835 = tpu.memref_squeeze %dma_wait3A_1834 : memref<1x6x128xi32, #tpu.memory_space<hbm>> -> memref<6x128xi32, #tpu.memory_space<hbm>>
      tpu.wait_dma2 semaphore(%run_scoped3A : memref<!tpu.dma_semaphore, #tpu.memory_space<semaphore_mem>>) src(%dma_wait3A_1835 : memref<6x128xi32, #tpu.memory_space<hbm>>) dst(%arg7 : memref<6x128xi32, #tpu.memory_space<vmem>>)
      tpu.yield
    }) : () -> ()
    "tpu.region"() ({
      %run_scoped3A = tpu.sem_alloc : memref<!tpu.dma_semaphore, #tpu.memory_space<semaphore_mem>>
      %dma_start3A_1820 = arith.constant 0 : i32
      %dma_start3A_1821 = arith.constant 0 : i32
      %dma_start3A_1822 = tpu.memref_slice %arg5[%add3A, %dma_start3A_1820, %dma_start3A_1821] : memref<32x6x128xi32, #tpu.memory_space<hbm>> -> memref<1x6x128xi32, #tpu.memory_space<hbm>>
      %dma_start3A_1823 = tpu.memref_squeeze %dma_start3A_1822 : memref<1x6x128xi32, #tpu.memory_space<hbm>> -> memref<6x128xi32, #tpu.memory_space<hbm>>
      %dma_start3A_1824 = arith.constant 0 : i32
      %dma_start3A_1825 = arith.constant 0 : i32
      %dma_start3A_1826 = tpu.memref_slice %arg5[%add3A, %dma_start3A_1824, %dma_start3A_1825] : memref<32x6x128xi32, #tpu.memory_space<hbm>> -> memref<1x6x128xi32, #tpu.memory_space<hbm>>
      %dma_start3A_1827 = tpu.memref_squeeze %dma_start3A_1826 : memref<1x6x128xi32, #tpu.memory_space<hbm>> -> memref<6x128xi32, #tpu.memory_space<hbm>>
      tpu.enqueue_dma source(%dma_start3A_1827 : memref<6x128xi32, #tpu.memory_space<hbm>>) target(%arg8 : memref<6x128xi32, #tpu.memory_space<vmem>>) target_semaphore(%run_scoped3A : memref<!tpu.dma_semaphore, #tpu.memory_space<semaphore_mem>>)
      %dma_wait3A_1828 = arith.constant 0 : i32
      %dma_wait3A_1829 = arith.constant 0 : i32
      %dma_wait3A_1830 = tpu.memref_slice %arg5[%add3A, %dma_wait3A_1828, %dma_wait3A_1829] : memref<32x6x128xi32, #tpu.memory_space<hbm>> -> memref<1x6x128xi32, #tpu.memory_space<hbm>>
      %dma_wait3A_1831 = tpu.memref_squeeze %dma_wait3A_1830 : memref<1x6x128xi32, #tpu.memory_space<hbm>> -> memref<6x128xi32, #tpu.memory_space<hbm>>
      %dma_wait3A_1832 = arith.constant 0 : i32
      %dma_wait3A_1833 = arith.constant 0 : i32
      %dma_wait3A_1834 = tpu.memref_slice %arg5[%add3A, %dma_wait3A_1832, %dma_wait3A_1833] : memref<32x6x128xi32, #tpu.memory_space<hbm>> -> memref<1x6x128xi32, #tpu.memory_space<hbm>>
      %dma_wait3A_1835 = tpu.memref_squeeze %dma_wait3A_1834 : memref<1x6x128xi32, #tpu.memory_space<hbm>> -> memref<6x128xi32, #tpu.memory_space<hbm>>
      tpu.wait_dma2 semaphore(%run_scoped3A : memref<!tpu.dma_semaphore, #tpu.memory_space<semaphore_mem>>) src(%dma_wait3A_1835 : memref<6x128xi32, #tpu.memory_space<hbm>>) dst(%arg8 : memref<6x128xi32, #tpu.memory_space<vmem>>)
      tpu.yield
    }) : () -> ()
    %dma_start3A = arith.constant 0 : i32
    %dma_start3A_1 = arith.constant 0 : i32
    %dma_start3A_2 = tpu.memref_slice %arg9[%dma_start3A_1] : memref<768xf32, #tpu.memory_space<vmem>> -> memref<128xf32, #tpu.memory_space<vmem>>
    %dma_start3A_3 = arith.constant 0 : i32
    %dma_start3A_4 = tpu.memref_slice %arg7[%dma_start3A, %dma_start3A_3] : memref<6x128xi32, #tpu.memory_space<vmem>> -> memref<1x128xi32, #tpu.memory_space<vmem>>
    %dma_start3A_5 = tpu.memref_squeeze %dma_start3A_4 : memref<1x128xi32, #tpu.memory_space<vmem>> -> memref<128xi32, #tpu.memory_space<vmem>>
    %dma_start3A_6 = arith.constant 0 : i32
    %dma_start3A_7 = tpu.memref_slice %arg3[%dma_start3A_6] : memref<6291456xf32, #tpu.memory_space<hbm>> -> memref<6291456xf32, #tpu.memory_space<hbm>>
    tpu.enqueue_indirect_dma source(%dma_start3A_7 : memref<6291456xf32, #tpu.memory_space<hbm>>) target(%dma_start3A_2 : memref<128xf32, #tpu.memory_space<vmem>>) offsets(%dma_start3A_5 : memref<128xi32, #tpu.memory_space<vmem>>) semaphore(%arg14 : memref<!tpu.dma_semaphore, #tpu.memory_space<semaphore_mem>>)
    %dma_start3A_8 = arith.constant 0 : i32
    %dma_start3A_9 = arith.constant 0 : i32
    %dma_start3A_10 = tpu.memref_slice %arg10[%dma_start3A_9] : memref<768xf32, #tpu.memory_space<vmem>> -> memref<128xf32, #tpu.memory_space<vmem>>
    %dma_start3A_11 = arith.constant 0 : i32
    %dma_start3A_12 = tpu.memref_slice %arg8[%dma_start3A_8, %dma_start3A_11] : memref<6x128xi32, #tpu.memory_space<vmem>> -> memref<1x128xi32, #tpu.memory_space<vmem>>
    %dma_start3A_13 = tpu.memref_squeeze %dma_start3A_12 : memref<1x128xi32, #tpu.memory_space<vmem>> -> memref<128xi32, #tpu.memory_space<vmem>>
    %dma_start3A_14 = arith.constant 0 : i32
    %dma_start3A_15 = tpu.memref_slice %arg3[%dma_start3A_14] : memref<6291456xf32, #tpu.memory_space<hbm>> -> memref<6291456xf32, #tpu.memory_space<hbm>>
    tpu.enqueue_indirect_dma source(%dma_start3A_15 : memref<6291456xf32, #tpu.memory_space<hbm>>) target(%dma_start3A_10 : memref<128xf32, #tpu.memory_space<vmem>>) offsets(%dma_start3A_13 : memref<128xi32, #tpu.memory_space<vmem>>) semaphore(%arg14 : memref<!tpu.dma_semaphore, #tpu.memory_space<semaphore_mem>>)
    %dma_start3A_16 = arith.constant 0 : i32
    %dma_start3A_17 = arith.constant 0 : i32
    %dma_start3A_18 = tpu.memref_slice %arg11[%dma_start3A_17] : memref<768xf32, #tpu.memory_space<vmem>> -> memref<128xf32, #tpu.memory_space<vmem>>
    %dma_start3A_19 = arith.constant 0 : i32
    %dma_start3A_20 = tpu.memref_slice %arg7[%dma_start3A_16, %dma_start3A_19] : memref<6x128xi32, #tpu.memory_space<vmem>> -> memref<1x128xi32, #tpu.memory_space<vmem>>
    %dma_start3A_21 = tpu.memref_squeeze %dma_start3A_20 : memref<1x128xi32, #tpu.memory_space<vmem>> -> memref<128xi32, #tpu.memory_space<vmem>>
    %dma_start3A_22 = arith.constant 0 : i32
    %dma_start3A_23 = tpu.memref_slice %arg2[%dma_start3A_22] : memref<6291456xf32, #tpu.memory_space<hbm>> -> memref<6291456xf32, #tpu.memory_space<hbm>>
    tpu.enqueue_indirect_dma source(%dma_start3A_23 : memref<6291456xf32, #tpu.memory_space<hbm>>) target(%dma_start3A_18 : memref<128xf32, #tpu.memory_space<vmem>>) offsets(%dma_start3A_21 : memref<128xi32, #tpu.memory_space<vmem>>) semaphore(%arg14 : memref<!tpu.dma_semaphore, #tpu.memory_space<semaphore_mem>>)
    %dma_start3A_24 = arith.constant 0 : i32
    %dma_start3A_25 = arith.constant 0 : i32
    %dma_start3A_26 = tpu.memref_slice %arg12[%dma_start3A_25] : memref<768xf32, #tpu.memory_space<vmem>> -> memref<128xf32, #tpu.memory_space<vmem>>
    %dma_start3A_27 = arith.constant 0 : i32
    %dma_start3A_28 = tpu.memref_slice %arg8[%dma_start3A_24, %dma_start3A_27] : memref<6x128xi32, #tpu.memory_space<vmem>> -> memref<1x128xi32, #tpu.memory_space<vmem>>
    %dma_start3A_29 = tpu.memref_squeeze %dma_start3A_28 : memref<1x128xi32, #tpu.memory_space<vmem>> -> memref<128xi32, #tpu.memory_space<vmem>>
    %dma_start3A_30 = arith.constant 0 : i32
    %dma_start3A_31 = tpu.memref_slice %arg2[%dma_start3A_30] : memref<6291456xf32, #tpu.memory_space<hbm>> -> memref<6291456xf32, #tpu.memory_space<hbm>>
    tpu.enqueue_indirect_dma source(%dma_start3A_31 : memref<6291456xf32, #tpu.memory_space<hbm>>) target(%dma_start3A_26 : memref<128xf32, #tpu.memory_space<vmem>>) offsets(%dma_start3A_29 : memref<128xi32, #tpu.memory_space<vmem>>) semaphore(%arg14 : memref<!tpu.dma_semaphore, #tpu.memory_space<semaphore_mem>>)
    %dma_start3A_32 = arith.constant 1 : i32
    %dma_start3A_33 = arith.constant 128 : i32
    %dma_start3A_34 = tpu.memref_slice %arg9[%dma_start3A_33] : memref<768xf32, #tpu.memory_space<vmem>> -> memref<128xf32, #tpu.memory_space<vmem>>
    %dma_start3A_35 = arith.constant 0 : i32
    %dma_start3A_36 = tpu.memref_slice %arg7[%dma_start3A_32, %dma_start3A_35] : memref<6x128xi32, #tpu.memory_space<vmem>> -> memref<1x128xi32, #tpu.memory_space<vmem>>
    %dma_start3A_37 = tpu.memref_squeeze %dma_start3A_36 : memref<1x128xi32, #tpu.memory_space<vmem>> -> memref<128xi32, #tpu.memory_space<vmem>>
    %dma_start3A_38 = arith.constant 0 : i32
    %dma_start3A_39 = tpu.memref_slice %arg3[%dma_start3A_38] : memref<6291456xf32, #tpu.memory_space<hbm>> -> memref<6291456xf32, #tpu.memory_space<hbm>>
    tpu.enqueue_indirect_dma source(%dma_start3A_39 : memref<6291456xf32, #tpu.memory_space<hbm>>) target(%dma_start3A_34 : memref<128xf32, #tpu.memory_space<vmem>>) offsets(%dma_start3A_37 : memref<128xi32, #tpu.memory_space<vmem>>) semaphore(%arg14 : memref<!tpu.dma_semaphore, #tpu.memory_space<semaphore_mem>>)
    %dma_start3A_40 = arith.constant 1 : i32
    %dma_start3A_41 = arith.constant 128 : i32
    %dma_start3A_42 = tpu.memref_slice %arg10[%dma_start3A_41] : memref<768xf32, #tpu.memory_space<vmem>> -> memref<128xf32, #tpu.memory_space<vmem>>
    %dma_start3A_43 = arith.constant 0 : i32
    %dma_start3A_44 = tpu.memref_slice %arg8[%dma_start3A_40, %dma_start3A_43] : memref<6x128xi32, #tpu.memory_space<vmem>> -> memref<1x128xi32, #tpu.memory_space<vmem>>
    %dma_start3A_45 = tpu.memref_squeeze %dma_start3A_44 : memref<1x128xi32, #tpu.memory_space<vmem>> -> memref<128xi32, #tpu.memory_space<vmem>>
    %dma_start3A_46 = arith.constant 0 : i32
    %dma_start3A_47 = tpu.memref_slice %arg3[%dma_start3A_46] : memref<6291456xf32, #tpu.memory_space<hbm>> -> memref<6291456xf32, #tpu.memory_space<hbm>>
    tpu.enqueue_indirect_dma source(%dma_start3A_47 : memref<6291456xf32, #tpu.memory_space<hbm>>) target(%dma_start3A_42 : memref<128xf32, #tpu.memory_space<vmem>>) offsets(%dma_start3A_45 : memref<128xi32, #tpu.memory_space<vmem>>) semaphore(%arg14 : memref<!tpu.dma_semaphore, #tpu.memory_space<semaphore_mem>>)
    %dma_start3A_48 = arith.constant 1 : i32
    %dma_start3A_49 = arith.constant 128 : i32
    %dma_start3A_50 = tpu.memref_slice %arg11[%dma_start3A_49] : memref<768xf32, #tpu.memory_space<vmem>> -> memref<128xf32, #tpu.memory_space<vmem>>
    %dma_start3A_51 = arith.constant 0 : i32
    %dma_start3A_52 = tpu.memref_slice %arg7[%dma_start3A_48, %dma_start3A_51] : memref<6x128xi32, #tpu.memory_space<vmem>> -> memref<1x128xi32, #tpu.memory_space<vmem>>
    %dma_start3A_53 = tpu.memref_squeeze %dma_start3A_52 : memref<1x128xi32, #tpu.memory_space<vmem>> -> memref<128xi32, #tpu.memory_space<vmem>>
    %dma_start3A_54 = arith.constant 0 : i32
    %dma_start3A_55 = tpu.memref_slice %arg2[%dma_start3A_54] : memref<6291456xf32, #tpu.memory_space<hbm>> -> memref<6291456xf32, #tpu.memory_space<hbm>>
    tpu.enqueue_indirect_dma source(%dma_start3A_55 : memref<6291456xf32, #tpu.memory_space<hbm>>) target(%dma_start3A_50 : memref<128xf32, #tpu.memory_space<vmem>>) offsets(%dma_start3A_53 : memref<128xi32, #tpu.memory_space<vmem>>) semaphore(%arg14 : memref<!tpu.dma_semaphore, #tpu.memory_space<semaphore_mem>>)
    %dma_start3A_56 = arith.constant 1 : i32
    %dma_start3A_57 = arith.constant 128 : i32
    %dma_start3A_58 = tpu.memref_slice %arg12[%dma_start3A_57] : memref<768xf32, #tpu.memory_space<vmem>> -> memref<128xf32, #tpu.memory_space<vmem>>
    %dma_start3A_59 = arith.constant 0 : i32
    %dma_start3A_60 = tpu.memref_slice %arg8[%dma_start3A_56, %dma_start3A_59] : memref<6x128xi32, #tpu.memory_space<vmem>> -> memref<1x128xi32, #tpu.memory_space<vmem>>
    %dma_start3A_61 = tpu.memref_squeeze %dma_start3A_60 : memref<1x128xi32, #tpu.memory_space<vmem>> -> memref<128xi32, #tpu.memory_space<vmem>>
    %dma_start3A_62 = arith.constant 0 : i32
    %dma_start3A_63 = tpu.memref_slice %arg2[%dma_start3A_62] : memref<6291456xf32, #tpu.memory_space<hbm>> -> memref<6291456xf32, #tpu.memory_space<hbm>>
    tpu.enqueue_indirect_dma source(%dma_start3A_63 : memref<6291456xf32, #tpu.memory_space<hbm>>) target(%dma_start3A_58 : memref<128xf32, #tpu.memory_space<vmem>>) offsets(%dma_start3A_61 : memref<128xi32, #tpu.memory_space<vmem>>) semaphore(%arg14 : memref<!tpu.dma_semaphore, #tpu.memory_space<semaphore_mem>>)
    %dma_start3A_64 = arith.constant 2 : i32
    %dma_start3A_65 = arith.constant 256 : i32
    %dma_start3A_66 = tpu.memref_slice %arg9[%dma_start3A_65] : memref<768xf32, #tpu.memory_space<vmem>> -> memref<128xf32, #tpu.memory_space<vmem>>
    %dma_start3A_67 = arith.constant 0 : i32
    %dma_start3A_68 = tpu.memref_slice %arg7[%dma_start3A_64, %dma_start3A_67] : memref<6x128xi32, #tpu.memory_space<vmem>> -> memref<1x128xi32, #tpu.memory_space<vmem>>
    %dma_start3A_69 = tpu.memref_squeeze %dma_start3A_68 : memref<1x128xi32, #tpu.memory_space<vmem>> -> memref<128xi32, #tpu.memory_space<vmem>>
    %dma_start3A_70 = arith.constant 0 : i32
    %dma_start3A_71 = tpu.memref_slice %arg3[%dma_start3A_70] : memref<6291456xf32, #tpu.memory_space<hbm>> -> memref<6291456xf32, #tpu.memory_space<hbm>>
    tpu.enqueue_indirect_dma source(%dma_start3A_71 : memref<6291456xf32, #tpu.memory_space<hbm>>) target(%dma_start3A_66 : memref<128xf32, #tpu.memory_space<vmem>>) offsets(%dma_start3A_69 : memref<128xi32, #tpu.memory_space<vmem>>) semaphore(%arg14 : memref<!tpu.dma_semaphore, #tpu.memory_space<semaphore_mem>>)
    %dma_start3A_72 = arith.constant 2 : i32
    %dma_start3A_73 = arith.constant 256 : i32
    %dma_start3A_74 = tpu.memref_slice %arg10[%dma_start3A_73] : memref<768xf32, #tpu.memory_space<vmem>> -> memref<128xf32, #tpu.memory_space<vmem>>
    %dma_start3A_75 = arith.constant 0 : i32
    %dma_start3A_76 = tpu.memref_slice %arg8[%dma_start3A_72, %dma_start3A_75] : memref<6x128xi32, #tpu.memory_space<vmem>> -> memref<1x128xi32, #tpu.memory_space<vmem>>
    %dma_start3A_77 = tpu.memref_squeeze %dma_start3A_76 : memref<1x128xi32, #tpu.memory_space<vmem>> -> memref<128xi32, #tpu.memory_space<vmem>>
    %dma_start3A_78 = arith.constant 0 : i32
    %dma_start3A_79 = tpu.memref_slice %arg3[%dma_start3A_78] : memref<6291456xf32, #tpu.memory_space<hbm>> -> memref<6291456xf32, #tpu.memory_space<hbm>>
    tpu.enqueue_indirect_dma source(%dma_start3A_79 : memref<6291456xf32, #tpu.memory_space<hbm>>) target(%dma_start3A_74 : memref<128xf32, #tpu.memory_space<vmem>>) offsets(%dma_start3A_77 : memref<128xi32, #tpu.memory_space<vmem>>) semaphore(%arg14 : memref<!tpu.dma_semaphore, #tpu.memory_space<semaphore_mem>>)
    %dma_start3A_80 = arith.constant 2 : i32
    %dma_start3A_81 = arith.constant 256 : i32
    %dma_start3A_82 = tpu.memref_slice %arg11[%dma_start3A_81] : memref<768xf32, #tpu.memory_space<vmem>> -> memref<128xf32, #tpu.memory_space<vmem>>
    %dma_start3A_83 = arith.constant 0 : i32
    %dma_start3A_84 = tpu.memref_slice %arg7[%dma_start3A_80, %dma_start3A_83] : memref<6x128xi32, #tpu.memory_space<vmem>> -> memref<1x128xi32, #tpu.memory_space<vmem>>
    %dma_start3A_85 = tpu.memref_squeeze %dma_start3A_84 : memref<1x128xi32, #tpu.memory_space<vmem>> -> memref<128xi32, #tpu.memory_space<vmem>>
    %dma_start3A_86 = arith.constant 0 : i32
    %dma_start3A_87 = tpu.memref_slice %arg2[%dma_start3A_86] : memref<6291456xf32, #tpu.memory_space<hbm>> -> memref<6291456xf32, #tpu.memory_space<hbm>>
    tpu.enqueue_indirect_dma source(%dma_start3A_87 : memref<6291456xf32, #tpu.memory_space<hbm>>) target(%dma_start3A_82 : memref<128xf32, #tpu.memory_space<vmem>>) offsets(%dma_start3A_85 : memref<128xi32, #tpu.memory_space<vmem>>) semaphore(%arg14 : memref<!tpu.dma_semaphore, #tpu.memory_space<semaphore_mem>>)
    %dma_start3A_88 = arith.constant 2 : i32
    %dma_start3A_89 = arith.constant 256 : i32
    %dma_start3A_90 = tpu.memref_slice %arg12[%dma_start3A_89] : memref<768xf32, #tpu.memory_space<vmem>> -> memref<128xf32, #tpu.memory_space<vmem>>
    %dma_start3A_91 = arith.constant 0 : i32
    %dma_start3A_92 = tpu.memref_slice %arg8[%dma_start3A_88, %dma_start3A_91] : memref<6x128xi32, #tpu.memory_space<vmem>> -> memref<1x128xi32, #tpu.memory_space<vmem>>
    %dma_start3A_93 = tpu.memref_squeeze %dma_start3A_92 : memref<1x128xi32, #tpu.memory_space<vmem>> -> memref<128xi32, #tpu.memory_space<vmem>>
    %dma_start3A_94 = arith.constant 0 : i32
    %dma_start3A_95 = tpu.memref_slice %arg2[%dma_start3A_94] : memref<6291456xf32, #tpu.memory_space<hbm>> -> memref<6291456xf32, #tpu.memory_space<hbm>>
    tpu.enqueue_indirect_dma source(%dma_start3A_95 : memref<6291456xf32, #tpu.memory_space<hbm>>) target(%dma_start3A_90 : memref<128xf32, #tpu.memory_space<vmem>>) offsets(%dma_start3A_93 : memref<128xi32, #tpu.memory_space<vmem>>) semaphore(%arg14 : memref<!tpu.dma_semaphore, #tpu.memory_space<semaphore_mem>>)
    %dma_start3A_96 = arith.constant 3 : i32
    %dma_start3A_97 = arith.constant 384 : i32
    %dma_start3A_98 = tpu.memref_slice %arg9[%dma_start3A_97] : memref<768xf32, #tpu.memory_space<vmem>> -> memref<128xf32, #tpu.memory_space<vmem>>
    %dma_start3A_99 = arith.constant 0 : i32
    %dma_start3A_100 = tpu.memref_slice %arg7[%dma_start3A_96, %dma_start3A_99] : memref<6x128xi32, #tpu.memory_space<vmem>> -> memref<1x128xi32, #tpu.memory_space<vmem>>
    %dma_start3A_101 = tpu.memref_squeeze %dma_start3A_100 : memref<1x128xi32, #tpu.memory_space<vmem>> -> memref<128xi32, #tpu.memory_space<vmem>>
    %dma_start3A_102 = arith.constant 0 : i32
    %dma_start3A_103 = tpu.memref_slice %arg3[%dma_start3A_102] : memref<6291456xf32, #tpu.memory_space<hbm>> -> memref<6291456xf32, #tpu.memory_space<hbm>>
    tpu.enqueue_indirect_dma source(%dma_start3A_103 : memref<6291456xf32, #tpu.memory_space<hbm>>) target(%dma_start3A_98 : memref<128xf32, #tpu.memory_space<vmem>>) offsets(%dma_start3A_101 : memref<128xi32, #tpu.memory_space<vmem>>) semaphore(%arg14 : memref<!tpu.dma_semaphore, #tpu.memory_space<semaphore_mem>>)
    %dma_start3A_104 = arith.constant 3 : i32
    %dma_start3A_105 = arith.constant 384 : i32
    %dma_start3A_106 = tpu.memref_slice %arg10[%dma_start3A_105] : memref<768xf32, #tpu.memory_space<vmem>> -> memref<128xf32, #tpu.memory_space<vmem>>
    %dma_start3A_107 = arith.constant 0 : i32
    %dma_start3A_108 = tpu.memref_slice %arg8[%dma_start3A_104, %dma_start3A_107] : memref<6x128xi32, #tpu.memory_space<vmem>> -> memref<1x128xi32, #tpu.memory_space<vmem>>
    %dma_start3A_109 = tpu.memref_squeeze %dma_start3A_108 : memref<1x128xi32, #tpu.memory_space<vmem>> -> memref<128xi32, #tpu.memory_space<vmem>>
    %dma_start3A_110 = arith.constant 0 : i32
    %dma_start3A_111 = tpu.memref_slice %arg3[%dma_start3A_110] : memref<6291456xf32, #tpu.memory_space<hbm>> -> memref<6291456xf32, #tpu.memory_space<hbm>>
    tpu.enqueue_indirect_dma source(%dma_start3A_111 : memref<6291456xf32, #tpu.memory_space<hbm>>) target(%dma_start3A_106 : memref<128xf32, #tpu.memory_space<vmem>>) offsets(%dma_start3A_109 : memref<128xi32, #tpu.memory_space<vmem>>) semaphore(%arg14 : memref<!tpu.dma_semaphore, #tpu.memory_space<semaphore_mem>>)
    %dma_start3A_112 = arith.constant 3 : i32
    %dma_start3A_113 = arith.constant 384 : i32
    %dma_start3A_114 = tpu.memref_slice %arg11[%dma_start3A_113] : memref<768xf32, #tpu.memory_space<vmem>> -> memref<128xf32, #tpu.memory_space<vmem>>
    %dma_start3A_115 = arith.constant 0 : i32
    %dma_start3A_116 = tpu.memref_slice %arg7[%dma_start3A_112, %dma_start3A_115] : memref<6x128xi32, #tpu.memory_space<vmem>> -> memref<1x128xi32, #tpu.memory_space<vmem>>
    %dma_start3A_117 = tpu.memref_squeeze %dma_start3A_116 : memref<1x128xi32, #tpu.memory_space<vmem>> -> memref<128xi32, #tpu.memory_space<vmem>>
    %dma_start3A_118 = arith.constant 0 : i32
    %dma_start3A_119 = tpu.memref_slice %arg2[%dma_start3A_118] : memref<6291456xf32, #tpu.memory_space<hbm>> -> memref<6291456xf32, #tpu.memory_space<hbm>>
    tpu.enqueue_indirect_dma source(%dma_start3A_119 : memref<6291456xf32, #tpu.memory_space<hbm>>) target(%dma_start3A_114 : memref<128xf32, #tpu.memory_space<vmem>>) offsets(%dma_start3A_117 : memref<128xi32, #tpu.memory_space<vmem>>) semaphore(%arg14 : memref<!tpu.dma_semaphore, #tpu.memory_space<semaphore_mem>>)
    %dma_start3A_120 = arith.constant 3 : i32
    %dma_start3A_121 = arith.constant 384 : i32
    %dma_start3A_122 = tpu.memref_slice %arg12[%dma_start3A_121] : memref<768xf32, #tpu.memory_space<vmem>> -> memref<128xf32, #tpu.memory_space<vmem>>
    %dma_start3A_123 = arith.constant 0 : i32
    %dma_start3A_124 = tpu.memref_slice %arg8[%dma_start3A_120, %dma_start3A_123] : memref<6x128xi32, #tpu.memory_space<vmem>> -> memref<1x128xi32, #tpu.memory_space<vmem>>
    %dma_start3A_125 = tpu.memref_squeeze %dma_start3A_124 : memref<1x128xi32, #tpu.memory_space<vmem>> -> memref<128xi32, #tpu.memory_space<vmem>>
    %dma_start3A_126 = arith.constant 0 : i32
    %dma_start3A_127 = tpu.memref_slice %arg2[%dma_start3A_126] : memref<6291456xf32, #tpu.memory_space<hbm>> -> memref<6291456xf32, #tpu.memory_space<hbm>>
    tpu.enqueue_indirect_dma source(%dma_start3A_127 : memref<6291456xf32, #tpu.memory_space<hbm>>) target(%dma_start3A_122 : memref<128xf32, #tpu.memory_space<vmem>>) offsets(%dma_start3A_125 : memref<128xi32, #tpu.memory_space<vmem>>) semaphore(%arg14 : memref<!tpu.dma_semaphore, #tpu.memory_space<semaphore_mem>>)
    %dma_start3A_128 = arith.constant 4 : i32
    %dma_start3A_129 = arith.constant 512 : i32
    %dma_start3A_130 = tpu.memref_slice %arg9[%dma_start3A_129] : memref<768xf32, #tpu.memory_space<vmem>> -> memref<128xf32, #tpu.memory_space<vmem>>
    %dma_start3A_131 = arith.constant 0 : i32
    %dma_start3A_132 = tpu.memref_slice %arg7[%dma_start3A_128, %dma_start3A_131] : memref<6x128xi32, #tpu.memory_space<vmem>> -> memref<1x128xi32, #tpu.memory_space<vmem>>
    %dma_start3A_133 = tpu.memref_squeeze %dma_start3A_132 : memref<1x128xi32, #tpu.memory_space<vmem>> -> memref<128xi32, #tpu.memory_space<vmem>>
    %dma_start3A_134 = arith.constant 0 : i32
    %dma_start3A_135 = tpu.memref_slice %arg3[%dma_start3A_134] : memref<6291456xf32, #tpu.memory_space<hbm>> -> memref<6291456xf32, #tpu.memory_space<hbm>>
    tpu.enqueue_indirect_dma source(%dma_start3A_135 : memref<6291456xf32, #tpu.memory_space<hbm>>) target(%dma_start3A_130 : memref<128xf32, #tpu.memory_space<vmem>>) offsets(%dma_start3A_133 : memref<128xi32, #tpu.memory_space<vmem>>) semaphore(%arg14 : memref<!tpu.dma_semaphore, #tpu.memory_space<semaphore_mem>>)
    %dma_start3A_136 = arith.constant 4 : i32
    %dma_start3A_137 = arith.constant 512 : i32
    %dma_start3A_138 = tpu.memref_slice %arg10[%dma_start3A_137] : memref<768xf32, #tpu.memory_space<vmem>> -> memref<128xf32, #tpu.memory_space<vmem>>
    %dma_start3A_139 = arith.constant 0 : i32
    %dma_start3A_140 = tpu.memref_slice %arg8[%dma_start3A_136, %dma_start3A_139] : memref<6x128xi32, #tpu.memory_space<vmem>> -> memref<1x128xi32, #tpu.memory_space<vmem>>
    %dma_start3A_141 = tpu.memref_squeeze %dma_start3A_140 : memref<1x128xi32, #tpu.memory_space<vmem>> -> memref<128xi32, #tpu.memory_space<vmem>>
    %dma_start3A_142 = arith.constant 0 : i32
    %dma_start3A_143 = tpu.memref_slice %arg3[%dma_start3A_142] : memref<6291456xf32, #tpu.memory_space<hbm>> -> memref<6291456xf32, #tpu.memory_space<hbm>>
    tpu.enqueue_indirect_dma source(%dma_start3A_143 : memref<6291456xf32, #tpu.memory_space<hbm>>) target(%dma_start3A_138 : memref<128xf32, #tpu.memory_space<vmem>>) offsets(%dma_start3A_141 : memref<128xi32, #tpu.memory_space<vmem>>) semaphore(%arg14 : memref<!tpu.dma_semaphore, #tpu.memory_space<semaphore_mem>>)
    %dma_start3A_144 = arith.constant 4 : i32
    %dma_start3A_145 = arith.constant 512 : i32
    %dma_start3A_146 = tpu.memref_slice %arg11[%dma_start3A_145] : memref<768xf32, #tpu.memory_space<vmem>> -> memref<128xf32, #tpu.memory_space<vmem>>
    %dma_start3A_147 = arith.constant 0 : i32
    %dma_start3A_148 = tpu.memref_slice %arg7[%dma_start3A_144, %dma_start3A_147] : memref<6x128xi32, #tpu.memory_space<vmem>> -> memref<1x128xi32, #tpu.memory_space<vmem>>
    %dma_start3A_149 = tpu.memref_squeeze %dma_start3A_148 : memref<1x128xi32, #tpu.memory_space<vmem>> -> memref<128xi32, #tpu.memory_space<vmem>>
    %dma_start3A_150 = arith.constant 0 : i32
    %dma_start3A_151 = tpu.memref_slice %arg2[%dma_start3A_150] : memref<6291456xf32, #tpu.memory_space<hbm>> -> memref<6291456xf32, #tpu.memory_space<hbm>>
    tpu.enqueue_indirect_dma source(%dma_start3A_151 : memref<6291456xf32, #tpu.memory_space<hbm>>) target(%dma_start3A_146 : memref<128xf32, #tpu.memory_space<vmem>>) offsets(%dma_start3A_149 : memref<128xi32, #tpu.memory_space<vmem>>) semaphore(%arg14 : memref<!tpu.dma_semaphore, #tpu.memory_space<semaphore_mem>>)
    %dma_start3A_152 = arith.constant 4 : i32
    %dma_start3A_153 = arith.constant 512 : i32
    %dma_start3A_154 = tpu.memref_slice %arg12[%dma_start3A_153] : memref<768xf32, #tpu.memory_space<vmem>> -> memref<128xf32, #tpu.memory_space<vmem>>
    %dma_start3A_155 = arith.constant 0 : i32
    %dma_start3A_156 = tpu.memref_slice %arg8[%dma_start3A_152, %dma_start3A_155] : memref<6x128xi32, #tpu.memory_space<vmem>> -> memref<1x128xi32, #tpu.memory_space<vmem>>
    %dma_start3A_157 = tpu.memref_squeeze %dma_start3A_156 : memref<1x128xi32, #tpu.memory_space<vmem>> -> memref<128xi32, #tpu.memory_space<vmem>>
    %dma_start3A_158 = arith.constant 0 : i32
    %dma_start3A_159 = tpu.memref_slice %arg2[%dma_start3A_158] : memref<6291456xf32, #tpu.memory_space<hbm>> -> memref<6291456xf32, #tpu.memory_space<hbm>>
    tpu.enqueue_indirect_dma source(%dma_start3A_159 : memref<6291456xf32, #tpu.memory_space<hbm>>) target(%dma_start3A_154 : memref<128xf32, #tpu.memory_space<vmem>>) offsets(%dma_start3A_157 : memref<128xi32, #tpu.memory_space<vmem>>) semaphore(%arg14 : memref<!tpu.dma_semaphore, #tpu.memory_space<semaphore_mem>>)
    %dma_start3A_160 = arith.constant 5 : i32
    %dma_start3A_161 = arith.constant 640 : i32
    %dma_start3A_162 = tpu.memref_slice %arg9[%dma_start3A_161] : memref<768xf32, #tpu.memory_space<vmem>> -> memref<128xf32, #tpu.memory_space<vmem>>
    %dma_start3A_163 = arith.constant 0 : i32
    %dma_start3A_164 = tpu.memref_slice %arg7[%dma_start3A_160, %dma_start3A_163] : memref<6x128xi32, #tpu.memory_space<vmem>> -> memref<1x128xi32, #tpu.memory_space<vmem>>
    %dma_start3A_165 = tpu.memref_squeeze %dma_start3A_164 : memref<1x128xi32, #tpu.memory_space<vmem>> -> memref<128xi32, #tpu.memory_space<vmem>>
    %dma_start3A_166 = arith.constant 0 : i32
    %dma_start3A_167 = tpu.memref_slice %arg3[%dma_start3A_166] : memref<6291456xf32, #tpu.memory_space<hbm>> -> memref<6291456xf32, #tpu.memory_space<hbm>>
    tpu.enqueue_indirect_dma source(%dma_start3A_167 : memref<6291456xf32, #tpu.memory_space<hbm>>) target(%dma_start3A_162 : memref<128xf32, #tpu.memory_space<vmem>>) offsets(%dma_start3A_165 : memref<128xi32, #tpu.memory_space<vmem>>) semaphore(%arg14 : memref<!tpu.dma_semaphore, #tpu.memory_space<semaphore_mem>>)
    %dma_start3A_168 = arith.constant 5 : i32
    %dma_start3A_169 = arith.constant 640 : i32
    %dma_start3A_170 = tpu.memref_slice %arg10[%dma_start3A_169] : memref<768xf32, #tpu.memory_space<vmem>> -> memref<128xf32, #tpu.memory_space<vmem>>
    %dma_start3A_171 = arith.constant 0 : i32
    %dma_start3A_172 = tpu.memref_slice %arg8[%dma_start3A_168, %dma_start3A_171] : memref<6x128xi32, #tpu.memory_space<vmem>> -> memref<1x128xi32, #tpu.memory_space<vmem>>
    %dma_start3A_173 = tpu.memref_squeeze %dma_start3A_172 : memref<1x128xi32, #tpu.memory_space<vmem>> -> memref<128xi32, #tpu.memory_space<vmem>>
    %dma_start3A_174 = arith.constant 0 : i32
    %dma_start3A_175 = tpu.memref_slice %arg3[%dma_start3A_174] : memref<6291456xf32, #tpu.memory_space<hbm>> -> memref<6291456xf32, #tpu.memory_space<hbm>>
    tpu.enqueue_indirect_dma source(%dma_start3A_175 : memref<6291456xf32, #tpu.memory_space<hbm>>) target(%dma_start3A_170 : memref<128xf32, #tpu.memory_space<vmem>>) offsets(%dma_start3A_173 : memref<128xi32, #tpu.memory_space<vmem>>) semaphore(%arg14 : memref<!tpu.dma_semaphore, #tpu.memory_space<semaphore_mem>>)
    %dma_start3A_176 = arith.constant 5 : i32
    %dma_start3A_177 = arith.constant 640 : i32
    %dma_start3A_178 = tpu.memref_slice %arg11[%dma_start3A_177] : memref<768xf32, #tpu.memory_space<vmem>> -> memref<128xf32, #tpu.memory_space<vmem>>
    %dma_start3A_179 = arith.constant 0 : i32
    %dma_start3A_180 = tpu.memref_slice %arg7[%dma_start3A_176, %dma_start3A_179] : memref<6x128xi32, #tpu.memory_space<vmem>> -> memref<1x128xi32, #tpu.memory_space<vmem>>
    %dma_start3A_181 = tpu.memref_squeeze %dma_start3A_180 : memref<1x128xi32, #tpu.memory_space<vmem>> -> memref<128xi32, #tpu.memory_space<vmem>>
    %dma_start3A_182 = arith.constant 0 : i32
    %dma_start3A_183 = tpu.memref_slice %arg2[%dma_start3A_182] : memref<6291456xf32, #tpu.memory_space<hbm>> -> memref<6291456xf32, #tpu.memory_space<hbm>>
    tpu.enqueue_indirect_dma source(%dma_start3A_183 : memref<6291456xf32, #tpu.memory_space<hbm>>) target(%dma_start3A_178 : memref<128xf32, #tpu.memory_space<vmem>>) offsets(%dma_start3A_181 : memref<128xi32, #tpu.memory_space<vmem>>) semaphore(%arg14 : memref<!tpu.dma_semaphore, #tpu.memory_space<semaphore_mem>>)
    %dma_start3A_184 = arith.constant 5 : i32
    %dma_start3A_185 = arith.constant 640 : i32
    %dma_start3A_186 = tpu.memref_slice %arg12[%dma_start3A_185] : memref<768xf32, #tpu.memory_space<vmem>> -> memref<128xf32, #tpu.memory_space<vmem>>
    %dma_start3A_187 = arith.constant 0 : i32
    %dma_start3A_188 = tpu.memref_slice %arg8[%dma_start3A_184, %dma_start3A_187] : memref<6x128xi32, #tpu.memory_space<vmem>> -> memref<1x128xi32, #tpu.memory_space<vmem>>
    %dma_start3A_189 = tpu.memref_squeeze %dma_start3A_188 : memref<1x128xi32, #tpu.memory_space<vmem>> -> memref<128xi32, #tpu.memory_space<vmem>>
    %dma_start3A_190 = arith.constant 0 : i32
    %dma_start3A_191 = tpu.memref_slice %arg2[%dma_start3A_190] : memref<6291456xf32, #tpu.memory_space<hbm>> -> memref<6291456xf32, #tpu.memory_space<hbm>>
    tpu.enqueue_indirect_dma source(%dma_start3A_191 : memref<6291456xf32, #tpu.memory_space<hbm>>) target(%dma_start3A_186 : memref<128xf32, #tpu.memory_space<vmem>>) offsets(%dma_start3A_189 : memref<128xi32, #tpu.memory_space<vmem>>) semaphore(%arg14 : memref<!tpu.dma_semaphore, #tpu.memory_space<semaphore_mem>>)
    %dma_wait3A = arith.constant 0 : i32
    %dma_wait3A_192 = arith.constant 0 : i32
    %dma_wait3A_193 = tpu.memref_slice %arg9[%dma_wait3A_192] : memref<768xf32, #tpu.memory_space<vmem>> -> memref<128xf32, #tpu.memory_space<vmem>>
    %dma_wait3A_194 = arith.constant 0 : i32
    %dma_wait3A_195 = tpu.memref_slice %arg7[%dma_wait3A, %dma_wait3A_194] : memref<6x128xi32, #tpu.memory_space<vmem>> -> memref<1x128xi32, #tpu.memory_space<vmem>>
    %dma_wait3A_196 = tpu.memref_squeeze %dma_wait3A_195 : memref<1x128xi32, #tpu.memory_space<vmem>> -> memref<128xi32, #tpu.memory_space<vmem>>
    %dma_wait3A_197 = arith.constant 0 : i32
    %dma_wait3A_198 = tpu.memref_slice %arg3[%dma_wait3A_197] : memref<6291456xf32, #tpu.memory_space<hbm>> -> memref<6291456xf32, #tpu.memory_space<hbm>>
    tpu.wait_indirect_dma semaphore(%arg14 : memref<!tpu.dma_semaphore, #tpu.memory_space<semaphore_mem>>) src(%dma_wait3A_198 : memref<6291456xf32, #tpu.memory_space<hbm>>) dst(%dma_wait3A_193 : memref<128xf32, #tpu.memory_space<vmem>>)
    %dma_wait3A_199 = arith.constant 0 : i32
    %dma_wait3A_200 = arith.constant 0 : i32
    %dma_wait3A_201 = tpu.memref_slice %arg10[%dma_wait3A_200] : memref<768xf32, #tpu.memory_space<vmem>> -> memref<128xf32, #tpu.memory_space<vmem>>
    %dma_wait3A_202 = arith.constant 0 : i32
    %dma_wait3A_203 = tpu.memref_slice %arg8[%dma_wait3A_199, %dma_wait3A_202] : memref<6x128xi32, #tpu.memory_space<vmem>> -> memref<1x128xi32, #tpu.memory_space<vmem>>
    %dma_wait3A_204 = tpu.memref_squeeze %dma_wait3A_203 : memref<1x128xi32, #tpu.memory_space<vmem>> -> memref<128xi32, #tpu.memory_space<vmem>>
    %dma_wait3A_205 = arith.constant 0 : i32
    %dma_wait3A_206 = tpu.memref_slice %arg3[%dma_wait3A_205] : memref<6291456xf32, #tpu.memory_space<hbm>> -> memref<6291456xf32, #tpu.memory_space<hbm>>
    tpu.wait_indirect_dma semaphore(%arg14 : memref<!tpu.dma_semaphore, #tpu.memory_space<semaphore_mem>>) src(%dma_wait3A_206 : memref<6291456xf32, #tpu.memory_space<hbm>>) dst(%dma_wait3A_201 : memref<128xf32, #tpu.memory_space<vmem>>)
    %dma_wait3A_207 = arith.constant 0 : i32
    %dma_wait3A_208 = arith.constant 0 : i32
    %dma_wait3A_209 = tpu.memref_slice %arg11[%dma_wait3A_208] : memref<768xf32, #tpu.memory_space<vmem>> -> memref<128xf32, #tpu.memory_space<vmem>>
    %dma_wait3A_210 = arith.constant 0 : i32
    %dma_wait3A_211 = tpu.memref_slice %arg7[%dma_wait3A_207, %dma_wait3A_210] : memref<6x128xi32, #tpu.memory_space<vmem>> -> memref<1x128xi32, #tpu.memory_space<vmem>>
    %dma_wait3A_212 = tpu.memref_squeeze %dma_wait3A_211 : memref<1x128xi32, #tpu.memory_space<vmem>> -> memref<128xi32, #tpu.memory_space<vmem>>
    %dma_wait3A_213 = arith.constant 0 : i32
    %dma_wait3A_214 = tpu.memref_slice %arg2[%dma_wait3A_213] : memref<6291456xf32, #tpu.memory_space<hbm>> -> memref<6291456xf32, #tpu.memory_space<hbm>>
    tpu.wait_indirect_dma semaphore(%arg14 : memref<!tpu.dma_semaphore, #tpu.memory_space<semaphore_mem>>) src(%dma_wait3A_214 : memref<6291456xf32, #tpu.memory_space<hbm>>) dst(%dma_wait3A_209 : memref<128xf32, #tpu.memory_space<vmem>>)
    %dma_wait3A_215 = arith.constant 0 : i32
    %dma_wait3A_216 = arith.constant 0 : i32
    %dma_wait3A_217 = tpu.memref_slice %arg12[%dma_wait3A_216] : memref<768xf32, #tpu.memory_space<vmem>> -> memref<128xf32, #tpu.memory_space<vmem>>
    %dma_wait3A_218 = arith.constant 0 : i32
    %dma_wait3A_219 = tpu.memref_slice %arg8[%dma_wait3A_215, %dma_wait3A_218] : memref<6x128xi32, #tpu.memory_space<vmem>> -> memref<1x128xi32, #tpu.memory_space<vmem>>
    %dma_wait3A_220 = tpu.memref_squeeze %dma_wait3A_219 : memref<1x128xi32, #tpu.memory_space<vmem>> -> memref<128xi32, #tpu.memory_space<vmem>>
    %dma_wait3A_221 = arith.constant 0 : i32
    %dma_wait3A_222 = tpu.memref_slice %arg2[%dma_wait3A_221] : memref<6291456xf32, #tpu.memory_space<hbm>> -> memref<6291456xf32, #tpu.memory_space<hbm>>
    tpu.wait_indirect_dma semaphore(%arg14 : memref<!tpu.dma_semaphore, #tpu.memory_space<semaphore_mem>>) src(%dma_wait3A_222 : memref<6291456xf32, #tpu.memory_space<hbm>>) dst(%dma_wait3A_217 : memref<128xf32, #tpu.memory_space<vmem>>)
    %dma_wait3A_223 = arith.constant 1 : i32
    %dma_wait3A_224 = arith.constant 128 : i32
    %dma_wait3A_225 = tpu.memref_slice %arg9[%dma_wait3A_224] : memref<768xf32, #tpu.memory_space<vmem>> -> memref<128xf32, #tpu.memory_space<vmem>>
    %dma_wait3A_226 = arith.constant 0 : i32
    %dma_wait3A_227 = tpu.memref_slice %arg7[%dma_wait3A_223, %dma_wait3A_226] : memref<6x128xi32, #tpu.memory_space<vmem>> -> memref<1x128xi32, #tpu.memory_space<vmem>>
    %dma_wait3A_228 = tpu.memref_squeeze %dma_wait3A_227 : memref<1x128xi32, #tpu.memory_space<vmem>> -> memref<128xi32, #tpu.memory_space<vmem>>
    %dma_wait3A_229 = arith.constant 0 : i32
    %dma_wait3A_230 = tpu.memref_slice %arg3[%dma_wait3A_229] : memref<6291456xf32, #tpu.memory_space<hbm>> -> memref<6291456xf32, #tpu.memory_space<hbm>>
    tpu.wait_indirect_dma semaphore(%arg14 : memref<!tpu.dma_semaphore, #tpu.memory_space<semaphore_mem>>) src(%dma_wait3A_230 : memref<6291456xf32, #tpu.memory_space<hbm>>) dst(%dma_wait3A_225 : memref<128xf32, #tpu.memory_space<vmem>>)
    %dma_wait3A_231 = arith.constant 1 : i32
    %dma_wait3A_232 = arith.constant 128 : i32
    %dma_wait3A_233 = tpu.memref_slice %arg10[%dma_wait3A_232] : memref<768xf32, #tpu.memory_space<vmem>> -> memref<128xf32, #tpu.memory_space<vmem>>
    %dma_wait3A_234 = arith.constant 0 : i32
    %dma_wait3A_235 = tpu.memref_slice %arg8[%dma_wait3A_231, %dma_wait3A_234] : memref<6x128xi32, #tpu.memory_space<vmem>> -> memref<1x128xi32, #tpu.memory_space<vmem>>
    %dma_wait3A_236 = tpu.memref_squeeze %dma_wait3A_235 : memref<1x128xi32, #tpu.memory_space<vmem>> -> memref<128xi32, #tpu.memory_space<vmem>>
    %dma_wait3A_237 = arith.constant 0 : i32
    %dma_wait3A_238 = tpu.memref_slice %arg3[%dma_wait3A_237] : memref<6291456xf32, #tpu.memory_space<hbm>> -> memref<6291456xf32, #tpu.memory_space<hbm>>
    tpu.wait_indirect_dma semaphore(%arg14 : memref<!tpu.dma_semaphore, #tpu.memory_space<semaphore_mem>>) src(%dma_wait3A_238 : memref<6291456xf32, #tpu.memory_space<hbm>>) dst(%dma_wait3A_233 : memref<128xf32, #tpu.memory_space<vmem>>)
    %dma_wait3A_239 = arith.constant 1 : i32
    %dma_wait3A_240 = arith.constant 128 : i32
    %dma_wait3A_241 = tpu.memref_slice %arg11[%dma_wait3A_240] : memref<768xf32, #tpu.memory_space<vmem>> -> memref<128xf32, #tpu.memory_space<vmem>>
    %dma_wait3A_242 = arith.constant 0 : i32
    %dma_wait3A_243 = tpu.memref_slice %arg7[%dma_wait3A_239, %dma_wait3A_242] : memref<6x128xi32, #tpu.memory_space<vmem>> -> memref<1x128xi32, #tpu.memory_space<vmem>>
    %dma_wait3A_244 = tpu.memref_squeeze %dma_wait3A_243 : memref<1x128xi32, #tpu.memory_space<vmem>> -> memref<128xi32, #tpu.memory_space<vmem>>
    %dma_wait3A_245 = arith.constant 0 : i32
    %dma_wait3A_246 = tpu.memref_slice %arg2[%dma_wait3A_245] : memref<6291456xf32, #tpu.memory_space<hbm>> -> memref<6291456xf32, #tpu.memory_space<hbm>>
    tpu.wait_indirect_dma semaphore(%arg14 : memref<!tpu.dma_semaphore, #tpu.memory_space<semaphore_mem>>) src(%dma_wait3A_246 : memref<6291456xf32, #tpu.memory_space<hbm>>) dst(%dma_wait3A_241 : memref<128xf32, #tpu.memory_space<vmem>>)
    %dma_wait3A_247 = arith.constant 1 : i32
    %dma_wait3A_248 = arith.constant 128 : i32
    %dma_wait3A_249 = tpu.memref_slice %arg12[%dma_wait3A_248] : memref<768xf32, #tpu.memory_space<vmem>> -> memref<128xf32, #tpu.memory_space<vmem>>
    %dma_wait3A_250 = arith.constant 0 : i32
    %dma_wait3A_251 = tpu.memref_slice %arg8[%dma_wait3A_247, %dma_wait3A_250] : memref<6x128xi32, #tpu.memory_space<vmem>> -> memref<1x128xi32, #tpu.memory_space<vmem>>
    %dma_wait3A_252 = tpu.memref_squeeze %dma_wait3A_251 : memref<1x128xi32, #tpu.memory_space<vmem>> -> memref<128xi32, #tpu.memory_space<vmem>>
    %dma_wait3A_253 = arith.constant 0 : i32
    %dma_wait3A_254 = tpu.memref_slice %arg2[%dma_wait3A_253] : memref<6291456xf32, #tpu.memory_space<hbm>> -> memref<6291456xf32, #tpu.memory_space<hbm>>
    tpu.wait_indirect_dma semaphore(%arg14 : memref<!tpu.dma_semaphore, #tpu.memory_space<semaphore_mem>>) src(%dma_wait3A_254 : memref<6291456xf32, #tpu.memory_space<hbm>>) dst(%dma_wait3A_249 : memref<128xf32, #tpu.memory_space<vmem>>)
    %dma_wait3A_255 = arith.constant 2 : i32
    %dma_wait3A_256 = arith.constant 256 : i32
    %dma_wait3A_257 = tpu.memref_slice %arg9[%dma_wait3A_256] : memref<768xf32, #tpu.memory_space<vmem>> -> memref<128xf32, #tpu.memory_space<vmem>>
    %dma_wait3A_258 = arith.constant 0 : i32
    %dma_wait3A_259 = tpu.memref_slice %arg7[%dma_wait3A_255, %dma_wait3A_258] : memref<6x128xi32, #tpu.memory_space<vmem>> -> memref<1x128xi32, #tpu.memory_space<vmem>>
    %dma_wait3A_260 = tpu.memref_squeeze %dma_wait3A_259 : memref<1x128xi32, #tpu.memory_space<vmem>> -> memref<128xi32, #tpu.memory_space<vmem>>
    %dma_wait3A_261 = arith.constant 0 : i32
    %dma_wait3A_262 = tpu.memref_slice %arg3[%dma_wait3A_261] : memref<6291456xf32, #tpu.memory_space<hbm>> -> memref<6291456xf32, #tpu.memory_space<hbm>>
    tpu.wait_indirect_dma semaphore(%arg14 : memref<!tpu.dma_semaphore, #tpu.memory_space<semaphore_mem>>) src(%dma_wait3A_262 : memref<6291456xf32, #tpu.memory_space<hbm>>) dst(%dma_wait3A_257 : memref<128xf32, #tpu.memory_space<vmem>>)
    %dma_wait3A_263 = arith.constant 2 : i32
    %dma_wait3A_264 = arith.constant 256 : i32
    %dma_wait3A_265 = tpu.memref_slice %arg10[%dma_wait3A_264] : memref<768xf32, #tpu.memory_space<vmem>> -> memref<128xf32, #tpu.memory_space<vmem>>
    %dma_wait3A_266 = arith.constant 0 : i32
    %dma_wait3A_267 = tpu.memref_slice %arg8[%dma_wait3A_263, %dma_wait3A_266] : memref<6x128xi32, #tpu.memory_space<vmem>> -> memref<1x128xi32, #tpu.memory_space<vmem>>
    %dma_wait3A_268 = tpu.memref_squeeze %dma_wait3A_267 : memref<1x128xi32, #tpu.memory_space<vmem>> -> memref<128xi32, #tpu.memory_space<vmem>>
    %dma_wait3A_269 = arith.constant 0 : i32
    %dma_wait3A_270 = tpu.memref_slice %arg3[%dma_wait3A_269] : memref<6291456xf32, #tpu.memory_space<hbm>> -> memref<6291456xf32, #tpu.memory_space<hbm>>
    tpu.wait_indirect_dma semaphore(%arg14 : memref<!tpu.dma_semaphore, #tpu.memory_space<semaphore_mem>>) src(%dma_wait3A_270 : memref<6291456xf32, #tpu.memory_space<hbm>>) dst(%dma_wait3A_265 : memref<128xf32, #tpu.memory_space<vmem>>)
    %dma_wait3A_271 = arith.constant 2 : i32
    %dma_wait3A_272 = arith.constant 256 : i32
    %dma_wait3A_273 = tpu.memref_slice %arg11[%dma_wait3A_272] : memref<768xf32, #tpu.memory_space<vmem>> -> memref<128xf32, #tpu.memory_space<vmem>>
    %dma_wait3A_274 = arith.constant 0 : i32
    %dma_wait3A_275 = tpu.memref_slice %arg7[%dma_wait3A_271, %dma_wait3A_274] : memref<6x128xi32, #tpu.memory_space<vmem>> -> memref<1x128xi32, #tpu.memory_space<vmem>>
    %dma_wait3A_276 = tpu.memref_squeeze %dma_wait3A_275 : memref<1x128xi32, #tpu.memory_space<vmem>> -> memref<128xi32, #tpu.memory_space<vmem>>
    %dma_wait3A_277 = arith.constant 0 : i32
    %dma_wait3A_278 = tpu.memref_slice %arg2[%dma_wait3A_277] : memref<6291456xf32, #tpu.memory_space<hbm>> -> memref<6291456xf32, #tpu.memory_space<hbm>>
    tpu.wait_indirect_dma semaphore(%arg14 : memref<!tpu.dma_semaphore, #tpu.memory_space<semaphore_mem>>) src(%dma_wait3A_278 : memref<6291456xf32, #tpu.memory_space<hbm>>) dst(%dma_wait3A_273 : memref<128xf32, #tpu.memory_space<vmem>>)
    %dma_wait3A_279 = arith.constant 2 : i32
    %dma_wait3A_280 = arith.constant 256 : i32
    %dma_wait3A_281 = tpu.memref_slice %arg12[%dma_wait3A_280] : memref<768xf32, #tpu.memory_space<vmem>> -> memref<128xf32, #tpu.memory_space<vmem>>
    %dma_wait3A_282 = arith.constant 0 : i32
    %dma_wait3A_283 = tpu.memref_slice %arg8[%dma_wait3A_279, %dma_wait3A_282] : memref<6x128xi32, #tpu.memory_space<vmem>> -> memref<1x128xi32, #tpu.memory_space<vmem>>
    %dma_wait3A_284 = tpu.memref_squeeze %dma_wait3A_283 : memref<1x128xi32, #tpu.memory_space<vmem>> -> memref<128xi32, #tpu.memory_space<vmem>>
    %dma_wait3A_285 = arith.constant 0 : i32
    %dma_wait3A_286 = tpu.memref_slice %arg2[%dma_wait3A_285] : memref<6291456xf32, #tpu.memory_space<hbm>> -> memref<6291456xf32, #tpu.memory_space<hbm>>
    tpu.wait_indirect_dma semaphore(%arg14 : memref<!tpu.dma_semaphore, #tpu.memory_space<semaphore_mem>>) src(%dma_wait3A_286 : memref<6291456xf32, #tpu.memory_space<hbm>>) dst(%dma_wait3A_281 : memref<128xf32, #tpu.memory_space<vmem>>)
    %dma_wait3A_287 = arith.constant 3 : i32
    %dma_wait3A_288 = arith.constant 384 : i32
    %dma_wait3A_289 = tpu.memref_slice %arg9[%dma_wait3A_288] : memref<768xf32, #tpu.memory_space<vmem>> -> memref<128xf32, #tpu.memory_space<vmem>>
    %dma_wait3A_290 = arith.constant 0 : i32
    %dma_wait3A_291 = tpu.memref_slice %arg7[%dma_wait3A_287, %dma_wait3A_290] : memref<6x128xi32, #tpu.memory_space<vmem>> -> memref<1x128xi32, #tpu.memory_space<vmem>>
    %dma_wait3A_292 = tpu.memref_squeeze %dma_wait3A_291 : memref<1x128xi32, #tpu.memory_space<vmem>> -> memref<128xi32, #tpu.memory_space<vmem>>
    %dma_wait3A_293 = arith.constant 0 : i32
    %dma_wait3A_294 = tpu.memref_slice %arg3[%dma_wait3A_293] : memref<6291456xf32, #tpu.memory_space<hbm>> -> memref<6291456xf32, #tpu.memory_space<hbm>>
    tpu.wait_indirect_dma semaphore(%arg14 : memref<!tpu.dma_semaphore, #tpu.memory_space<semaphore_mem>>) src(%dma_wait3A_294 : memref<6291456xf32, #tpu.memory_space<hbm>>) dst(%dma_wait3A_289 : memref<128xf32, #tpu.memory_space<vmem>>)
    %dma_wait3A_295 = arith.constant 3 : i32
    %dma_wait3A_296 = arith.constant 384 : i32
    %dma_wait3A_297 = tpu.memref_slice %arg10[%dma_wait3A_296] : memref<768xf32, #tpu.memory_space<vmem>> -> memref<128xf32, #tpu.memory_space<vmem>>
    %dma_wait3A_298 = arith.constant 0 : i32
    %dma_wait3A_299 = tpu.memref_slice %arg8[%dma_wait3A_295, %dma_wait3A_298] : memref<6x128xi32, #tpu.memory_space<vmem>> -> memref<1x128xi32, #tpu.memory_space<vmem>>
    %dma_wait3A_300 = tpu.memref_squeeze %dma_wait3A_299 : memref<1x128xi32, #tpu.memory_space<vmem>> -> memref<128xi32, #tpu.memory_space<vmem>>
    %dma_wait3A_301 = arith.constant 0 : i32
    %dma_wait3A_302 = tpu.memref_slice %arg3[%dma_wait3A_301] : memref<6291456xf32, #tpu.memory_space<hbm>> -> memref<6291456xf32, #tpu.memory_space<hbm>>
    tpu.wait_indirect_dma semaphore(%arg14 : memref<!tpu.dma_semaphore, #tpu.memory_space<semaphore_mem>>) src(%dma_wait3A_302 : memref<6291456xf32, #tpu.memory_space<hbm>>) dst(%dma_wait3A_297 : memref<128xf32, #tpu.memory_space<vmem>>)
    %dma_wait3A_303 = arith.constant 3 : i32
    %dma_wait3A_304 = arith.constant 384 : i32
    %dma_wait3A_305 = tpu.memref_slice %arg11[%dma_wait3A_304] : memref<768xf32, #tpu.memory_space<vmem>> -> memref<128xf32, #tpu.memory_space<vmem>>
    %dma_wait3A_306 = arith.constant 0 : i32
    %dma_wait3A_307 = tpu.memref_slice %arg7[%dma_wait3A_303, %dma_wait3A_306] : memref<6x128xi32, #tpu.memory_space<vmem>> -> memref<1x128xi32, #tpu.memory_space<vmem>>
    %dma_wait3A_308 = tpu.memref_squeeze %dma_wait3A_307 : memref<1x128xi32, #tpu.memory_space<vmem>> -> memref<128xi32, #tpu.memory_space<vmem>>
    %dma_wait3A_309 = arith.constant 0 : i32
    %dma_wait3A_310 = tpu.memref_slice %arg2[%dma_wait3A_309] : memref<6291456xf32, #tpu.memory_space<hbm>> -> memref<6291456xf32, #tpu.memory_space<hbm>>
    tpu.wait_indirect_dma semaphore(%arg14 : memref<!tpu.dma_semaphore, #tpu.memory_space<semaphore_mem>>) src(%dma_wait3A_310 : memref<6291456xf32, #tpu.memory_space<hbm>>) dst(%dma_wait3A_305 : memref<128xf32, #tpu.memory_space<vmem>>)
    %dma_wait3A_311 = arith.constant 3 : i32
    %dma_wait3A_312 = arith.constant 384 : i32
    %dma_wait3A_313 = tpu.memref_slice %arg12[%dma_wait3A_312] : memref<768xf32, #tpu.memory_space<vmem>> -> memref<128xf32, #tpu.memory_space<vmem>>
    %dma_wait3A_314 = arith.constant 0 : i32
    %dma_wait3A_315 = tpu.memref_slice %arg8[%dma_wait3A_311, %dma_wait3A_314] : memref<6x128xi32, #tpu.memory_space<vmem>> -> memref<1x128xi32, #tpu.memory_space<vmem>>
    %dma_wait3A_316 = tpu.memref_squeeze %dma_wait3A_315 : memref<1x128xi32, #tpu.memory_space<vmem>> -> memref<128xi32, #tpu.memory_space<vmem>>
    %dma_wait3A_317 = arith.constant 0 : i32
    %dma_wait3A_318 = tpu.memref_slice %arg2[%dma_wait3A_317] : memref<6291456xf32, #tpu.memory_space<hbm>> -> memref<6291456xf32, #tpu.memory_space<hbm>>
    tpu.wait_indirect_dma semaphore(%arg14 : memref<!tpu.dma_semaphore, #tpu.memory_space<semaphore_mem>>) src(%dma_wait3A_318 : memref<6291456xf32, #tpu.memory_space<hbm>>) dst(%dma_wait3A_313 : memref<128xf32, #tpu.memory_space<vmem>>)
    %dma_wait3A_319 = arith.constant 4 : i32
    %dma_wait3A_320 = arith.constant 512 : i32
    %dma_wait3A_321 = tpu.memref_slice %arg9[%dma_wait3A_320] : memref<768xf32, #tpu.memory_space<vmem>> -> memref<128xf32, #tpu.memory_space<vmem>>
    %dma_wait3A_322 = arith.constant 0 : i32
    %dma_wait3A_323 = tpu.memref_slice %arg7[%dma_wait3A_319, %dma_wait3A_322] : memref<6x128xi32, #tpu.memory_space<vmem>> -> memref<1x128xi32, #tpu.memory_space<vmem>>
    %dma_wait3A_324 = tpu.memref_squeeze %dma_wait3A_323 : memref<1x128xi32, #tpu.memory_space<vmem>> -> memref<128xi32, #tpu.memory_space<vmem>>
    %dma_wait3A_325 = arith.constant 0 : i32
    %dma_wait3A_326 = tpu.memref_slice %arg3[%dma_wait3A_325] : memref<6291456xf32, #tpu.memory_space<hbm>> -> memref<6291456xf32, #tpu.memory_space<hbm>>
    tpu.wait_indirect_dma semaphore(%arg14 : memref<!tpu.dma_semaphore, #tpu.memory_space<semaphore_mem>>) src(%dma_wait3A_326 : memref<6291456xf32, #tpu.memory_space<hbm>>) dst(%dma_wait3A_321 : memref<128xf32, #tpu.memory_space<vmem>>)
    %dma_wait3A_327 = arith.constant 4 : i32
    %dma_wait3A_328 = arith.constant 512 : i32
    %dma_wait3A_329 = tpu.memref_slice %arg10[%dma_wait3A_328] : memref<768xf32, #tpu.memory_space<vmem>> -> memref<128xf32, #tpu.memory_space<vmem>>
    %dma_wait3A_330 = arith.constant 0 : i32
    %dma_wait3A_331 = tpu.memref_slice %arg8[%dma_wait3A_327, %dma_wait3A_330] : memref<6x128xi32, #tpu.memory_space<vmem>> -> memref<1x128xi32, #tpu.memory_space<vmem>>
    %dma_wait3A_332 = tpu.memref_squeeze %dma_wait3A_331 : memref<1x128xi32, #tpu.memory_space<vmem>> -> memref<128xi32, #tpu.memory_space<vmem>>
    %dma_wait3A_333 = arith.constant 0 : i32
    %dma_wait3A_334 = tpu.memref_slice %arg3[%dma_wait3A_333] : memref<6291456xf32, #tpu.memory_space<hbm>> -> memref<6291456xf32, #tpu.memory_space<hbm>>
    tpu.wait_indirect_dma semaphore(%arg14 : memref<!tpu.dma_semaphore, #tpu.memory_space<semaphore_mem>>) src(%dma_wait3A_334 : memref<6291456xf32, #tpu.memory_space<hbm>>) dst(%dma_wait3A_329 : memref<128xf32, #tpu.memory_space<vmem>>)
    %dma_wait3A_335 = arith.constant 4 : i32
    %dma_wait3A_336 = arith.constant 512 : i32
    %dma_wait3A_337 = tpu.memref_slice %arg11[%dma_wait3A_336] : memref<768xf32, #tpu.memory_space<vmem>> -> memref<128xf32, #tpu.memory_space<vmem>>
    %dma_wait3A_338 = arith.constant 0 : i32
    %dma_wait3A_339 = tpu.memref_slice %arg7[%dma_wait3A_335, %dma_wait3A_338] : memref<6x128xi32, #tpu.memory_space<vmem>> -> memref<1x128xi32, #tpu.memory_space<vmem>>
    %dma_wait3A_340 = tpu.memref_squeeze %dma_wait3A_339 : memref<1x128xi32, #tpu.memory_space<vmem>> -> memref<128xi32, #tpu.memory_space<vmem>>
    %dma_wait3A_341 = arith.constant 0 : i32
    %dma_wait3A_342 = tpu.memref_slice %arg2[%dma_wait3A_341] : memref<6291456xf32, #tpu.memory_space<hbm>> -> memref<6291456xf32, #tpu.memory_space<hbm>>
    tpu.wait_indirect_dma semaphore(%arg14 : memref<!tpu.dma_semaphore, #tpu.memory_space<semaphore_mem>>) src(%dma_wait3A_342 : memref<6291456xf32, #tpu.memory_space<hbm>>) dst(%dma_wait3A_337 : memref<128xf32, #tpu.memory_space<vmem>>)
    %dma_wait3A_343 = arith.constant 4 : i32
    %dma_wait3A_344 = arith.constant 512 : i32
    %dma_wait3A_345 = tpu.memref_slice %arg12[%dma_wait3A_344] : memref<768xf32, #tpu.memory_space<vmem>> -> memref<128xf32, #tpu.memory_space<vmem>>
    %dma_wait3A_346 = arith.constant 0 : i32
    %dma_wait3A_347 = tpu.memref_slice %arg8[%dma_wait3A_343, %dma_wait3A_346] : memref<6x128xi32, #tpu.memory_space<vmem>> -> memref<1x128xi32, #tpu.memory_space<vmem>>
    %dma_wait3A_348 = tpu.memref_squeeze %dma_wait3A_347 : memref<1x128xi32, #tpu.memory_space<vmem>> -> memref<128xi32, #tpu.memory_space<vmem>>
    %dma_wait3A_349 = arith.constant 0 : i32
    %dma_wait3A_350 = tpu.memref_slice %arg2[%dma_wait3A_349] : memref<6291456xf32, #tpu.memory_space<hbm>> -> memref<6291456xf32, #tpu.memory_space<hbm>>
    tpu.wait_indirect_dma semaphore(%arg14 : memref<!tpu.dma_semaphore, #tpu.memory_space<semaphore_mem>>) src(%dma_wait3A_350 : memref<6291456xf32, #tpu.memory_space<hbm>>) dst(%dma_wait3A_345 : memref<128xf32, #tpu.memory_space<vmem>>)
    %dma_wait3A_351 = arith.constant 5 : i32
    %dma_wait3A_352 = arith.constant 640 : i32
    %dma_wait3A_353 = tpu.memref_slice %arg9[%dma_wait3A_352] : memref<768xf32, #tpu.memory_space<vmem>> -> memref<128xf32, #tpu.memory_space<vmem>>
    %dma_wait3A_354 = arith.constant 0 : i32
    %dma_wait3A_355 = tpu.memref_slice %arg7[%dma_wait3A_351, %dma_wait3A_354] : memref<6x128xi32, #tpu.memory_space<vmem>> -> memref<1x128xi32, #tpu.memory_space<vmem>>
    %dma_wait3A_356 = tpu.memref_squeeze %dma_wait3A_355 : memref<1x128xi32, #tpu.memory_space<vmem>> -> memref<128xi32, #tpu.memory_space<vmem>>
    %dma_wait3A_357 = arith.constant 0 : i32
    %dma_wait3A_358 = tpu.memref_slice %arg3[%dma_wait3A_357] : memref<6291456xf32, #tpu.memory_space<hbm>> -> memref<6291456xf32, #tpu.memory_space<hbm>>
    tpu.wait_indirect_dma semaphore(%arg14 : memref<!tpu.dma_semaphore, #tpu.memory_space<semaphore_mem>>) src(%dma_wait3A_358 : memref<6291456xf32, #tpu.memory_space<hbm>>) dst(%dma_wait3A_353 : memref<128xf32, #tpu.memory_space<vmem>>)
    %dma_wait3A_359 = arith.constant 5 : i32
    %dma_wait3A_360 = arith.constant 640 : i32
    %dma_wait3A_361 = tpu.memref_slice %arg10[%dma_wait3A_360] : memref<768xf32, #tpu.memory_space<vmem>> -> memref<128xf32, #tpu.memory_space<vmem>>
    %dma_wait3A_362 = arith.constant 0 : i32
    %dma_wait3A_363 = tpu.memref_slice %arg8[%dma_wait3A_359, %dma_wait3A_362] : memref<6x128xi32, #tpu.memory_space<vmem>> -> memref<1x128xi32, #tpu.memory_space<vmem>>
    %dma_wait3A_364 = tpu.memref_squeeze %dma_wait3A_363 : memref<1x128xi32, #tpu.memory_space<vmem>> -> memref<128xi32, #tpu.memory_space<vmem>>
    %dma_wait3A_365 = arith.constant 0 : i32
    %dma_wait3A_366 = tpu.memref_slice %arg3[%dma_wait3A_365] : memref<6291456xf32, #tpu.memory_space<hbm>> -> memref<6291456xf32, #tpu.memory_space<hbm>>
    tpu.wait_indirect_dma semaphore(%arg14 : memref<!tpu.dma_semaphore, #tpu.memory_space<semaphore_mem>>) src(%dma_wait3A_366 : memref<6291456xf32, #tpu.memory_space<hbm>>) dst(%dma_wait3A_361 : memref<128xf32, #tpu.memory_space<vmem>>)
    %dma_wait3A_367 = arith.constant 5 : i32
    %dma_wait3A_368 = arith.constant 640 : i32
    %dma_wait3A_369 = tpu.memref_slice %arg11[%dma_wait3A_368] : memref<768xf32, #tpu.memory_space<vmem>> -> memref<128xf32, #tpu.memory_space<vmem>>
    %dma_wait3A_370 = arith.constant 0 : i32
    %dma_wait3A_371 = tpu.memref_slice %arg7[%dma_wait3A_367, %dma_wait3A_370] : memref<6x128xi32, #tpu.memory_space<vmem>> -> memref<1x128xi32, #tpu.memory_space<vmem>>
    %dma_wait3A_372 = tpu.memref_squeeze %dma_wait3A_371 : memref<1x128xi32, #tpu.memory_space<vmem>> -> memref<128xi32, #tpu.memory_space<vmem>>
    %dma_wait3A_373 = arith.constant 0 : i32
    %dma_wait3A_374 = tpu.memref_slice %arg2[%dma_wait3A_373] : memref<6291456xf32, #tpu.memory_space<hbm>> -> memref<6291456xf32, #tpu.memory_space<hbm>>
    tpu.wait_indirect_dma semaphore(%arg14 : memref<!tpu.dma_semaphore, #tpu.memory_space<semaphore_mem>>) src(%dma_wait3A_374 : memref<6291456xf32, #tpu.memory_space<hbm>>) dst(%dma_wait3A_369 : memref<128xf32, #tpu.memory_space<vmem>>)
    %dma_wait3A_375 = arith.constant 5 : i32
    %dma_wait3A_376 = arith.constant 640 : i32
    %dma_wait3A_377 = tpu.memref_slice %arg12[%dma_wait3A_376] : memref<768xf32, #tpu.memory_space<vmem>> -> memref<128xf32, #tpu.memory_space<vmem>>
    %dma_wait3A_378 = arith.constant 0 : i32
    %dma_wait3A_379 = tpu.memref_slice %arg8[%dma_wait3A_375, %dma_wait3A_378] : memref<6x128xi32, #tpu.memory_space<vmem>> -> memref<1x128xi32, #tpu.memory_space<vmem>>
    %dma_wait3A_380 = tpu.memref_squeeze %dma_wait3A_379 : memref<1x128xi32, #tpu.memory_space<vmem>> -> memref<128xi32, #tpu.memory_space<vmem>>
    %dma_wait3A_381 = arith.constant 0 : i32
    %dma_wait3A_382 = tpu.memref_slice %arg2[%dma_wait3A_381] : memref<6291456xf32, #tpu.memory_space<hbm>> -> memref<6291456xf32, #tpu.memory_space<hbm>>
    tpu.wait_indirect_dma semaphore(%arg14 : memref<!tpu.dma_semaphore, #tpu.memory_space<semaphore_mem>>) src(%dma_wait3A_382 : memref<6291456xf32, #tpu.memory_space<hbm>>) dst(%dma_wait3A_377 : memref<128xf32, #tpu.memory_space<vmem>>)
    %iota3A = tpu.iota {dimensions = array<i32: 0>} : vector<16xi32>
    %broadcast_in_dim3A = arith.constant 0.000000e+00 : f32
    %broadcast_in_dim3A_383 = vector.broadcast %broadcast_in_dim3A : f32 to vector<16xf32>
    %broadcast_in_dim3A_384 = arith.constant 0.000000e+00 : f32
    %broadcast_in_dim3A_385 = vector.broadcast %broadcast_in_dim3A_384 : f32 to vector<16xf32>
    %broadcast_in_dim3A_386 = arith.constant 0.000000e+00 : f32
    %broadcast_in_dim3A_387 = vector.broadcast %broadcast_in_dim3A_386 : f32 to vector<16xf32>
    %broadcast_in_dim3A_388 = arith.constant 0.000000e+00 : f32
    %broadcast_in_dim3A_389 = vector.broadcast %broadcast_in_dim3A_388 : f32 to vector<16xf32>
    %get3A = arith.constant 0 : index
    %get3A_390 = tpu.vector_load %arg9[%get3A] {strides = array<i32>} : memref<768xf32, #tpu.memory_space<vmem>>, vector<16xf32>,
    %get3A_391 = arith.constant 0 : index
    %get3A_392 = tpu.vector_load %arg10[%get3A_391] {strides = array<i32>} : memref<768xf32, #tpu.memory_space<vmem>>, vector<16xf32>,
    %sub3A = arith.subf %get3A_390, %get3A_392 : vector<16xf32>
    %mul3A_393 = arith.mulf %sub3A, %sub3A : vector<16xf32>
    %add3A_394 = arith.addf %broadcast_in_dim3A_387, %mul3A_393 : vector<16xf32>
    %get3A_395 = arith.constant 0 : index
    %get3A_396 = tpu.vector_load %arg11[%get3A_395] {strides = array<i32>} : memref<768xf32, #tpu.memory_space<vmem>>, vector<16xf32>,
    %get3A_397 = arith.constant 0 : index
    %get3A_398 = tpu.vector_load %arg12[%get3A_397] {strides = array<i32>} : memref<768xf32, #tpu.memory_space<vmem>>, vector<16xf32>,
    %sub3A_399 = arith.subf %get3A_396, %get3A_398 : vector<16xf32>
    %mul3A_400 = arith.mulf %sub3A_399, %sub3A_399 : vector<16xf32>
    %add3A_401 = arith.addf %broadcast_in_dim3A_389, %mul3A_400 : vector<16xf32>
    %get3A_402 = arith.constant 256 : index
    %get3A_403 = tpu.vector_load %arg9[%get3A_402] {strides = array<i32>} : memref<768xf32, #tpu.memory_space<vmem>>, vector<16xf32>,
    %get3A_404 = arith.constant 256 : index
    %get3A_405 = tpu.vector_load %arg10[%get3A_404] {strides = array<i32>} : memref<768xf32, #tpu.memory_space<vmem>>, vector<16xf32>,
    %sub3A_406 = arith.subf %get3A_403, %get3A_405 : vector<16xf32>
    %mul3A_407 = arith.mulf %sub3A_406, %sub3A_406 : vector<16xf32>
    %add3A_408 = arith.addf %add3A_394, %mul3A_407 : vector<16xf32>
    %get3A_409 = arith.constant 256 : index
    %get3A_410 = tpu.vector_load %arg11[%get3A_409] {strides = array<i32>} : memref<768xf32, #tpu.memory_space<vmem>>, vector<16xf32>,
    %get3A_411 = arith.constant 256 : index
    %get3A_412 = tpu.vector_load %arg12[%get3A_411] {strides = array<i32>} : memref<768xf32, #tpu.memory_space<vmem>>, vector<16xf32>,
    %sub3A_413 = arith.subf %get3A_410, %get3A_412 : vector<16xf32>
    %mul3A_414 = arith.mulf %sub3A_413, %sub3A_413 : vector<16xf32>
    %add3A_415 = arith.addf %add3A_401, %mul3A_414 : vector<16xf32>
    %get3A_416 = arith.constant 512 : index
    %get3A_417 = tpu.vector_load %arg9[%get3A_416] {strides = array<i32>} : memref<768xf32, #tpu.memory_space<vmem>>, vector<16xf32>,
    %get3A_418 = arith.constant 512 : index
    %get3A_419 = tpu.vector_load %arg10[%get3A_418] {strides = array<i32>} : memref<768xf32, #tpu.memory_space<vmem>>, vector<16xf32>,
    %sub3A_420 = arith.subf %get3A_417, %get3A_419 : vector<16xf32>
    %mul3A_421 = arith.mulf %sub3A_420, %sub3A_420 : vector<16xf32>
    %add3A_422 = arith.addf %add3A_408, %mul3A_421 : vector<16xf32>
    %get3A_423 = arith.constant 512 : index
    %get3A_424 = tpu.vector_load %arg11[%get3A_423] {strides = array<i32>} : memref<768xf32, #tpu.memory_space<vmem>>, vector<16xf32>,
    %get3A_425 = arith.constant 512 : index
    %get3A_426 = tpu.vector_load %arg12[%get3A_425] {strides = array<i32>} : memref<768xf32, #tpu.memory_space<vmem>>, vector<16xf32>,
    %sub3A_427 = arith.subf %get3A_424, %get3A_426 : vector<16xf32>
    %mul3A_428 = arith.mulf %sub3A_427, %sub3A_427 : vector<16xf32>
    %add3A_429 = arith.addf %add3A_415, %mul3A_428 : vector<16xf32>
    %lt3A = arith.constant 2.500000e-01 : f32
    %lt3A_430 = vector.broadcast %lt3A : f32 to vector<16xf32>
    %lt3A_431 = arith.cmpf olt, %add3A_422, %lt3A_430 : vector<16xf32>
    %add3A_432 = arith.constant 0 : i32
    %add3A_433 = vector.broadcast %add3A_432 : i32 to vector<16xi32>
    %add3A_434 = arith.addi %add3A_433, %iota3A : vector<16xi32>
    %lt3A_435 = arith.constant 250 : i32
    %lt3A_436 = vector.broadcast %lt3A_435 : i32 to vector<16xi32>
    %lt3A_437 = arith.cmpi slt, %add3A_434, %lt3A_436 : vector<16xi32>
    %and3A = arith.andi %lt3A_431, %lt3A_437 : vector<16xi1>
    %bitcast3A = vector.bitcast %add3A_429 : vector<16xf32> to vector<16xi32>
    %shift_right_arithmetic3A = arith.constant 1 : i32
    %shift_right_arithmetic3A_438 = vector.broadcast %shift_right_arithmetic3A : i32 to vector<16xi32>
    %shift_right_arithmetic3A_439 = arith.shrsi %bitcast3A, %shift_right_arithmetic3A_438 : vector<16xi32>
    %add3A_440 = arith.constant 532487669 : i32
    %add3A_441 = vector.broadcast %add3A_440 : i32 to vector<16xi32>
    %add3A_442 = arith.addi %shift_right_arithmetic3A_439, %add3A_441 : vector<16xi32>
    %bitcast3A_443 = vector.bitcast %add3A_442 : vector<16xi32> to vector<16xf32>
    %div3A = arith.divf %add3A_429, %bitcast3A_443 : vector<16xf32>
    %add3A_444 = arith.addf %bitcast3A_443, %div3A : vector<16xf32>
    %mul3A_445 = arith.constant 5.000000e-01 : f32
    %mul3A_446 = vector.broadcast %mul3A_445 : f32 to vector<16xf32>
    %mul3A_447 = arith.mulf %mul3A_446, %add3A_444 : vector<16xf32>
    %div3A_448 = arith.divf %add3A_429, %mul3A_447 : vector<16xf32>
    %add3A_449 = arith.addf %mul3A_447, %div3A_448 : vector<16xf32>
    %mul3A_450 = arith.constant 5.000000e-01 : f32
    %mul3A_451 = vector.broadcast %mul3A_450 : f32 to vector<16xf32>
    %mul3A_452 = arith.mulf %mul3A_451, %add3A_449 : vector<16xf32>
    %div3A_453 = arith.divf %add3A_429, %mul3A_452 : vector<16xf32>
    %add3A_454 = arith.addf %mul3A_452, %div3A_453 : vector<16xf32>
    %mul3A_455 = arith.constant 5.000000e-01 : f32
    %mul3A_456 = vector.broadcast %mul3A_455 : f32 to vector<16xf32>
    %mul3A_457 = arith.mulf %mul3A_456, %add3A_454 : vector<16xf32>
    %jit3A = arith.constant 0.000000e+00 : f32
    %broadcast_in_dim3A_458 = vector.broadcast %jit3A : f32 to vector<16xf32>
    %select_n3A = arith.select %and3A, %mul3A_457, %broadcast_in_dim3A_458 : vector<16xi1>, vector<16xf32>
    %add3A_459 = arith.addf %broadcast_in_dim3A_383, %select_n3A : vector<16xf32>
    %jit3A_460 = arith.constant 1.000000e+00 : f32
    %jit3A_461 = arith.constant 0.000000e+00 : f32
    %broadcast_in_dim3A_462 = vector.broadcast %jit3A_460 : f32 to vector<16xf32>
    %broadcast_in_dim3A_463 = vector.broadcast %jit3A_461 : f32 to vector<16xf32>
    %select_n3A_464 = arith.select %and3A, %broadcast_in_dim3A_462, %broadcast_in_dim3A_463 : vector<16xi1>, vector<16xf32>
    %add3A_465 = arith.addf %broadcast_in_dim3A_385, %select_n3A_464 : vector<16xf32>
    %broadcast_in_dim3A_466 = arith.constant 0.000000e+00 : f32
    %broadcast_in_dim3A_467 = vector.broadcast %broadcast_in_dim3A_466 : f32 to vector<16xf32>
    %broadcast_in_dim3A_468 = arith.constant 0.000000e+00 : f32
    %broadcast_in_dim3A_469 = vector.broadcast %broadcast_in_dim3A_468 : f32 to vector<16xf32>
    %get3A_470 = arith.constant 16 : index
    %get3A_471 = tpu.vector_load %arg9[%get3A_470] {strides = array<i32>} : memref<768xf32, #tpu.memory_space<vmem>>, vector<16xf32>,
    %get3A_472 = arith.constant 16 : index
    %get3A_473 = tpu.vector_load %arg10[%get3A_472] {strides = array<i32>} : memref<768xf32, #tpu.memory_space<vmem>>, vector<16xf32>,
    %sub3A_474 = arith.subf %get3A_471, %get3A_473 : vector<16xf32>
    %mul3A_475 = arith.mulf %sub3A_474, %sub3A_474 : vector<16xf32>
    %add3A_476 = arith.addf %broadcast_in_dim3A_467, %mul3A_475 : vector<16xf32>
    %get3A_477 = arith.constant 16 : index
    %get3A_478 = tpu.vector_load %arg11[%get3A_477] {strides = array<i32>} : memref<768xf32, #tpu.memory_space<vmem>>, vector<16xf32>,
    %get3A_479 = arith.constant 16 : index
    %get3A_480 = tpu.vector_load %arg12[%get3A_479] {strides = array<i32>} : memref<768xf32, #tpu.memory_space<vmem>>, vector<16xf32>,
    %sub3A_481 = arith.subf %get3A_478, %get3A_480 : vector<16xf32>
    %mul3A_482 = arith.mulf %sub3A_481, %sub3A_481 : vector<16xf32>
    %add3A_483 = arith.addf %broadcast_in_dim3A_469, %mul3A_482 : vector<16xf32>
    %get3A_484 = arith.constant 272 : index
    %get3A_485 = tpu.vector_load %arg9[%get3A_484] {strides = array<i32>} : memref<768xf32, #tpu.memory_space<vmem>>, vector<16xf32>,
    %get3A_486 = arith.constant 272 : index
    %get3A_487 = tpu.vector_load %arg10[%get3A_486] {strides = array<i32>} : memref<768xf32, #tpu.memory_space<vmem>>, vector<16xf32>,
    %sub3A_488 = arith.subf %get3A_485, %get3A_487 : vector<16xf32>
    %mul3A_489 = arith.mulf %sub3A_488, %sub3A_488 : vector<16xf32>
    %add3A_490 = arith.addf %add3A_476, %mul3A_489 : vector<16xf32>
    %get3A_491 = arith.constant 272 : index
    %get3A_492 = tpu.vector_load %arg11[%get3A_491] {strides = array<i32>} : memref<768xf32, #tpu.memory_space<vmem>>, vector<16xf32>,
    %get3A_493 = arith.constant 272 : index
    %get3A_494 = tpu.vector_load %arg12[%get3A_493] {strides = array<i32>} : memref<768xf32, #tpu.memory_space<vmem>>, vector<16xf32>,
    %sub3A_495 = arith.subf %get3A_492, %get3A_494 : vector<16xf32>
    %mul3A_496 = arith.mulf %sub3A_495, %sub3A_495 : vector<16xf32>
    %add3A_497 = arith.addf %add3A_483, %mul3A_496 : vector<16xf32>
    %get3A_498 = arith.constant 528 : index
    %get3A_499 = tpu.vector_load %arg9[%get3A_498] {strides = array<i32>} : memref<768xf32, #tpu.memory_space<vmem>>, vector<16xf32>,
    %get3A_500 = arith.constant 528 : index
    %get3A_501 = tpu.vector_load %arg10[%get3A_500] {strides = array<i32>} : memref<768xf32, #tpu.memory_space<vmem>>, vector<16xf32>,
    %sub3A_502 = arith.subf %get3A_499, %get3A_501 : vector<16xf32>
    %mul3A_503 = arith.mulf %sub3A_502, %sub3A_502 : vector<16xf32>
    %add3A_504 = arith.addf %add3A_490, %mul3A_503 : vector<16xf32>
    %get3A_505 = arith.constant 528 : index
    %get3A_506 = tpu.vector_load %arg11[%get3A_505] {strides = array<i32>} : memref<768xf32, #tpu.memory_space<vmem>>, vector<16xf32>,
    %get3A_507 = arith.constant 528 : index
    %get3A_508 = tpu.vector_load %arg12[%get3A_507] {strides = array<i32>} : memref<768xf32, #tpu.memory_space<vmem>>, vector<16xf32>,
    %sub3A_509 = arith.subf %get3A_506, %get3A_508 : vector<16xf32>
    %mul3A_510 = arith.mulf %sub3A_509, %sub3A_509 : vector<16xf32>
    %add3A_511 = arith.addf %add3A_497, %mul3A_510 : vector<16xf32>
    %lt3A_512 = arith.constant 2.500000e-01 : f32
    %lt3A_513 = vector.broadcast %lt3A_512 : f32 to vector<16xf32>
    %lt3A_514 = arith.cmpf olt, %add3A_504, %lt3A_513 : vector<16xf32>
    %add3A_515 = arith.constant 16 : i32
    %add3A_516 = vector.broadcast %add3A_515 : i32 to vector<16xi32>
    %add3A_517 = arith.addi %add3A_516, %iota3A : vector<16xi32>
    %lt3A_518 = arith.constant 250 : i32
    %lt3A_519 = vector.broadcast %lt3A_518 : i32 to vector<16xi32>
    %lt3A_520 = arith.cmpi slt, %add3A_517, %lt3A_519 : vector<16xi32>
    %and3A_521 = arith.andi %lt3A_514, %lt3A_520 : vector<16xi1>
    %bitcast3A_522 = vector.bitcast %add3A_511 : vector<16xf32> to vector<16xi32>
    %shift_right_arithmetic3A_523 = arith.constant 1 : i32
    %shift_right_arithmetic3A_524 = vector.broadcast %shift_right_arithmetic3A_523 : i32 to vector<16xi32>
    %shift_right_arithmetic3A_525 = arith.shrsi %bitcast3A_522, %shift_right_arithmetic3A_524 : vector<16xi32>
    %add3A_526 = arith.constant 532487669 : i32
    %add3A_527 = vector.broadcast %add3A_526 : i32 to vector<16xi32>
    %add3A_528 = arith.addi %shift_right_arithmetic3A_525, %add3A_527 : vector<16xi32>
    %bitcast3A_529 = vector.bitcast %add3A_528 : vector<16xi32> to vector<16xf32>
    %div3A_530 = arith.divf %add3A_511, %bitcast3A_529 : vector<16xf32>
    %add3A_531 = arith.addf %bitcast3A_529, %div3A_530 : vector<16xf32>
    %mul3A_532 = arith.constant 5.000000e-01 : f32
    %mul3A_533 = vector.broadcast %mul3A_532 : f32 to vector<16xf32>
    %mul3A_534 = arith.mulf %mul3A_533, %add3A_531 : vector<16xf32>
    %div3A_535 = arith.divf %add3A_511, %mul3A_534 : vector<16xf32>
    %add3A_536 = arith.addf %mul3A_534, %div3A_535 : vector<16xf32>
    %mul3A_537 = arith.constant 5.000000e-01 : f32
    %mul3A_538 = vector.broadcast %mul3A_537 : f32 to vector<16xf32>
    %mul3A_539 = arith.mulf %mul3A_538, %add3A_536 : vector<16xf32>
    %div3A_540 = arith.divf %add3A_511, %mul3A_539 : vector<16xf32>
    %add3A_541 = arith.addf %mul3A_539, %div3A_540 : vector<16xf32>
    %mul3A_542 = arith.constant 5.000000e-01 : f32
    %mul3A_543 = vector.broadcast %mul3A_542 : f32 to vector<16xf32>
    %mul3A_544 = arith.mulf %mul3A_543, %add3A_541 : vector<16xf32>
    %jit3A_545 = arith.constant 0.000000e+00 : f32
    %broadcast_in_dim3A_546 = vector.broadcast %jit3A_545 : f32 to vector<16xf32>
    %select_n3A_547 = arith.select %and3A_521, %mul3A_544, %broadcast_in_dim3A_546 : vector<16xi1>, vector<16xf32>
    %add3A_548 = arith.addf %add3A_459, %select_n3A_547 : vector<16xf32>
    %jit3A_549 = arith.constant 1.000000e+00 : f32
    %jit3A_550 = arith.constant 0.000000e+00 : f32
    %broadcast_in_dim3A_551 = vector.broadcast %jit3A_549 : f32 to vector<16xf32>
    %broadcast_in_dim3A_552 = vector.broadcast %jit3A_550 : f32 to vector<16xf32>
    %select_n3A_553 = arith.select %and3A_521, %broadcast_in_dim3A_551, %broadcast_in_dim3A_552 : vector<16xi1>, vector<16xf32>
    %add3A_554 = arith.addf %add3A_465, %select_n3A_553 : vector<16xf32>
    %broadcast_in_dim3A_555 = arith.constant 0.000000e+00 : f32
    %broadcast_in_dim3A_556 = vector.broadcast %broadcast_in_dim3A_555 : f32 to vector<16xf32>
    %broadcast_in_dim3A_557 = arith.constant 0.000000e+00 : f32
    %broadcast_in_dim3A_558 = vector.broadcast %broadcast_in_dim3A_557 : f32 to vector<16xf32>
    %get3A_559 = arith.constant 32 : index
    %get3A_560 = tpu.vector_load %arg9[%get3A_559] {strides = array<i32>} : memref<768xf32, #tpu.memory_space<vmem>>, vector<16xf32>,
    %get3A_561 = arith.constant 32 : index
    %get3A_562 = tpu.vector_load %arg10[%get3A_561] {strides = array<i32>} : memref<768xf32, #tpu.memory_space<vmem>>, vector<16xf32>,
    %sub3A_563 = arith.subf %get3A_560, %get3A_562 : vector<16xf32>
    %mul3A_564 = arith.mulf %sub3A_563, %sub3A_563 : vector<16xf32>
    %add3A_565 = arith.addf %broadcast_in_dim3A_556, %mul3A_564 : vector<16xf32>
    %get3A_566 = arith.constant 32 : index
    %get3A_567 = tpu.vector_load %arg11[%get3A_566] {strides = array<i32>} : memref<768xf32, #tpu.memory_space<vmem>>, vector<16xf32>,
    %get3A_568 = arith.constant 32 : index
    %get3A_569 = tpu.vector_load %arg12[%get3A_568] {strides = array<i32>} : memref<768xf32, #tpu.memory_space<vmem>>, vector<16xf32>,
    %sub3A_570 = arith.subf %get3A_567, %get3A_569 : vector<16xf32>
    %mul3A_571 = arith.mulf %sub3A_570, %sub3A_570 : vector<16xf32>
    %add3A_572 = arith.addf %broadcast_in_dim3A_558, %mul3A_571 : vector<16xf32>
    %get3A_573 = arith.constant 288 : index
    %get3A_574 = tpu.vector_load %arg9[%get3A_573] {strides = array<i32>} : memref<768xf32, #tpu.memory_space<vmem>>, vector<16xf32>,
    %get3A_575 = arith.constant 288 : index
    %get3A_576 = tpu.vector_load %arg10[%get3A_575] {strides = array<i32>} : memref<768xf32, #tpu.memory_space<vmem>>, vector<16xf32>,
    %sub3A_577 = arith.subf %get3A_574, %get3A_576 : vector<16xf32>
    %mul3A_578 = arith.mulf %sub3A_577, %sub3A_577 : vector<16xf32>
    %add3A_579 = arith.addf %add3A_565, %mul3A_578 : vector<16xf32>
    %get3A_580 = arith.constant 288 : index
    %get3A_581 = tpu.vector_load %arg11[%get3A_580] {strides = array<i32>} : memref<768xf32, #tpu.memory_space<vmem>>, vector<16xf32>,
    %get3A_582 = arith.constant 288 : index
    %get3A_583 = tpu.vector_load %arg12[%get3A_582] {strides = array<i32>} : memref<768xf32, #tpu.memory_space<vmem>>, vector<16xf32>,
    %sub3A_584 = arith.subf %get3A_581, %get3A_583 : vector<16xf32>
    %mul3A_585 = arith.mulf %sub3A_584, %sub3A_584 : vector<16xf32>
    %add3A_586 = arith.addf %add3A_572, %mul3A_585 : vector<16xf32>
    %get3A_587 = arith.constant 544 : index
    %get3A_588 = tpu.vector_load %arg9[%get3A_587] {strides = array<i32>} : memref<768xf32, #tpu.memory_space<vmem>>, vector<16xf32>,
    %get3A_589 = arith.constant 544 : index
    %get3A_590 = tpu.vector_load %arg10[%get3A_589] {strides = array<i32>} : memref<768xf32, #tpu.memory_space<vmem>>, vector<16xf32>,
    %sub3A_591 = arith.subf %get3A_588, %get3A_590 : vector<16xf32>
    %mul3A_592 = arith.mulf %sub3A_591, %sub3A_591 : vector<16xf32>
    %add3A_593 = arith.addf %add3A_579, %mul3A_592 : vector<16xf32>
    %get3A_594 = arith.constant 544 : index
    %get3A_595 = tpu.vector_load %arg11[%get3A_594] {strides = array<i32>} : memref<768xf32, #tpu.memory_space<vmem>>, vector<16xf32>,
    %get3A_596 = arith.constant 544 : index
    %get3A_597 = tpu.vector_load %arg12[%get3A_596] {strides = array<i32>} : memref<768xf32, #tpu.memory_space<vmem>>, vector<16xf32>,
    %sub3A_598 = arith.subf %get3A_595, %get3A_597 : vector<16xf32>
    %mul3A_599 = arith.mulf %sub3A_598, %sub3A_598 : vector<16xf32>
    %add3A_600 = arith.addf %add3A_586, %mul3A_599 : vector<16xf32>
    %lt3A_601 = arith.constant 2.500000e-01 : f32
    %lt3A_602 = vector.broadcast %lt3A_601 : f32 to vector<16xf32>
    %lt3A_603 = arith.cmpf olt, %add3A_593, %lt3A_602 : vector<16xf32>
    %add3A_604 = arith.constant 32 : i32
    %add3A_605 = vector.broadcast %add3A_604 : i32 to vector<16xi32>
    %add3A_606 = arith.addi %add3A_605, %iota3A : vector<16xi32>
    %lt3A_607 = arith.constant 250 : i32
    %lt3A_608 = vector.broadcast %lt3A_607 : i32 to vector<16xi32>
    %lt3A_609 = arith.cmpi slt, %add3A_606, %lt3A_608 : vector<16xi32>
    %and3A_610 = arith.andi %lt3A_603, %lt3A_609 : vector<16xi1>
    %bitcast3A_611 = vector.bitcast %add3A_600 : vector<16xf32> to vector<16xi32>
    %shift_right_arithmetic3A_612 = arith.constant 1 : i32
    %shift_right_arithmetic3A_613 = vector.broadcast %shift_right_arithmetic3A_612 : i32 to vector<16xi32>
    %shift_right_arithmetic3A_614 = arith.shrsi %bitcast3A_611, %shift_right_arithmetic3A_613 : vector<16xi32>
    %add3A_615 = arith.constant 532487669 : i32
    %add3A_616 = vector.broadcast %add3A_615 : i32 to vector<16xi32>
    %add3A_617 = arith.addi %shift_right_arithmetic3A_614, %add3A_616 : vector<16xi32>
    %bitcast3A_618 = vector.bitcast %add3A_617 : vector<16xi32> to vector<16xf32>
    %div3A_619 = arith.divf %add3A_600, %bitcast3A_618 : vector<16xf32>
    %add3A_620 = arith.addf %bitcast3A_618, %div3A_619 : vector<16xf32>
    %mul3A_621 = arith.constant 5.000000e-01 : f32
    %mul3A_622 = vector.broadcast %mul3A_621 : f32 to vector<16xf32>
    %mul3A_623 = arith.mulf %mul3A_622, %add3A_620 : vector<16xf32>
    %div3A_624 = arith.divf %add3A_600, %mul3A_623 : vector<16xf32>
    %add3A_625 = arith.addf %mul3A_623, %div3A_624 : vector<16xf32>
    %mul3A_626 = arith.constant 5.000000e-01 : f32
    %mul3A_627 = vector.broadcast %mul3A_626 : f32 to vector<16xf32>
    %mul3A_628 = arith.mulf %mul3A_627, %add3A_625 : vector<16xf32>
    %div3A_629 = arith.divf %add3A_600, %mul3A_628 : vector<16xf32>
    %add3A_630 = arith.addf %mul3A_628, %div3A_629 : vector<16xf32>
    %mul3A_631 = arith.constant 5.000000e-01 : f32
    %mul3A_632 = vector.broadcast %mul3A_631 : f32 to vector<16xf32>
    %mul3A_633 = arith.mulf %mul3A_632, %add3A_630 : vector<16xf32>
    %jit3A_634 = arith.constant 0.000000e+00 : f32
    %broadcast_in_dim3A_635 = vector.broadcast %jit3A_634 : f32 to vector<16xf32>
    %select_n3A_636 = arith.select %and3A_610, %mul3A_633, %broadcast_in_dim3A_635 : vector<16xi1>, vector<16xf32>
    %add3A_637 = arith.addf %add3A_548, %select_n3A_636 : vector<16xf32>
    %jit3A_638 = arith.constant 1.000000e+00 : f32
    %jit3A_639 = arith.constant 0.000000e+00 : f32
    %broadcast_in_dim3A_640 = vector.broadcast %jit3A_638 : f32 to vector<16xf32>
    %broadcast_in_dim3A_641 = vector.broadcast %jit3A_639 : f32 to vector<16xf32>
    %select_n3A_642 = arith.select %and3A_610, %broadcast_in_dim3A_640, %broadcast_in_dim3A_641 : vector<16xi1>, vector<16xf32>
    %add3A_643 = arith.addf %add3A_554, %select_n3A_642 : vector<16xf32>
    %broadcast_in_dim3A_644 = arith.constant 0.000000e+00 : f32
    %broadcast_in_dim3A_645 = vector.broadcast %broadcast_in_dim3A_644 : f32 to vector<16xf32>
    %broadcast_in_dim3A_646 = arith.constant 0.000000e+00 : f32
    %broadcast_in_dim3A_647 = vector.broadcast %broadcast_in_dim3A_646 : f32 to vector<16xf32>
    %get3A_648 = arith.constant 48 : index
    %get3A_649 = tpu.vector_load %arg9[%get3A_648] {strides = array<i32>} : memref<768xf32, #tpu.memory_space<vmem>>, vector<16xf32>,
    %get3A_650 = arith.constant 48 : index
    %get3A_651 = tpu.vector_load %arg10[%get3A_650] {strides = array<i32>} : memref<768xf32, #tpu.memory_space<vmem>>, vector<16xf32>,
    %sub3A_652 = arith.subf %get3A_649, %get3A_651 : vector<16xf32>
    %mul3A_653 = arith.mulf %sub3A_652, %sub3A_652 : vector<16xf32>
    %add3A_654 = arith.addf %broadcast_in_dim3A_645, %mul3A_653 : vector<16xf32>
    %get3A_655 = arith.constant 48 : index
    %get3A_656 = tpu.vector_load %arg11[%get3A_655] {strides = array<i32>} : memref<768xf32, #tpu.memory_space<vmem>>, vector<16xf32>,
    %get3A_657 = arith.constant 48 : index
    %get3A_658 = tpu.vector_load %arg12[%get3A_657] {strides = array<i32>} : memref<768xf32, #tpu.memory_space<vmem>>, vector<16xf32>,
    %sub3A_659 = arith.subf %get3A_656, %get3A_658 : vector<16xf32>
    %mul3A_660 = arith.mulf %sub3A_659, %sub3A_659 : vector<16xf32>
    %add3A_661 = arith.addf %broadcast_in_dim3A_647, %mul3A_660 : vector<16xf32>
    %get3A_662 = arith.constant 304 : index
    %get3A_663 = tpu.vector_load %arg9[%get3A_662] {strides = array<i32>} : memref<768xf32, #tpu.memory_space<vmem>>, vector<16xf32>,
    %get3A_664 = arith.constant 304 : index
    %get3A_665 = tpu.vector_load %arg10[%get3A_664] {strides = array<i32>} : memref<768xf32, #tpu.memory_space<vmem>>, vector<16xf32>,
    %sub3A_666 = arith.subf %get3A_663, %get3A_665 : vector<16xf32>
    %mul3A_667 = arith.mulf %sub3A_666, %sub3A_666 : vector<16xf32>
    %add3A_668 = arith.addf %add3A_654, %mul3A_667 : vector<16xf32>
    %get3A_669 = arith.constant 304 : index
    %get3A_670 = tpu.vector_load %arg11[%get3A_669] {strides = array<i32>} : memref<768xf32, #tpu.memory_space<vmem>>, vector<16xf32>,
    %get3A_671 = arith.constant 304 : index
    %get3A_672 = tpu.vector_load %arg12[%get3A_671] {strides = array<i32>} : memref<768xf32, #tpu.memory_space<vmem>>, vector<16xf32>,
    %sub3A_673 = arith.subf %get3A_670, %get3A_672 : vector<16xf32>
    %mul3A_674 = arith.mulf %sub3A_673, %sub3A_673 : vector<16xf32>
    %add3A_675 = arith.addf %add3A_661, %mul3A_674 : vector<16xf32>
    %get3A_676 = arith.constant 560 : index
    %get3A_677 = tpu.vector_load %arg9[%get3A_676] {strides = array<i32>} : memref<768xf32, #tpu.memory_space<vmem>>, vector<16xf32>,
    %get3A_678 = arith.constant 560 : index
    %get3A_679 = tpu.vector_load %arg10[%get3A_678] {strides = array<i32>} : memref<768xf32, #tpu.memory_space<vmem>>, vector<16xf32>,
    %sub3A_680 = arith.subf %get3A_677, %get3A_679 : vector<16xf32>
    %mul3A_681 = arith.mulf %sub3A_680, %sub3A_680 : vector<16xf32>
    %add3A_682 = arith.addf %add3A_668, %mul3A_681 : vector<16xf32>
    %get3A_683 = arith.constant 560 : index
    %get3A_684 = tpu.vector_load %arg11[%get3A_683] {strides = array<i32>} : memref<768xf32, #tpu.memory_space<vmem>>, vector<16xf32>,
    %get3A_685 = arith.constant 560 : index
    %get3A_686 = tpu.vector_load %arg12[%get3A_685] {strides = array<i32>} : memref<768xf32, #tpu.memory_space<vmem>>, vector<16xf32>,
    %sub3A_687 = arith.subf %get3A_684, %get3A_686 : vector<16xf32>
    %mul3A_688 = arith.mulf %sub3A_687, %sub3A_687 : vector<16xf32>
    %add3A_689 = arith.addf %add3A_675, %mul3A_688 : vector<16xf32>
    %lt3A_690 = arith.constant 2.500000e-01 : f32
    %lt3A_691 = vector.broadcast %lt3A_690 : f32 to vector<16xf32>
    %lt3A_692 = arith.cmpf olt, %add3A_682, %lt3A_691 : vector<16xf32>
    %add3A_693 = arith.constant 48 : i32
    %add3A_694 = vector.broadcast %add3A_693 : i32 to vector<16xi32>
    %add3A_695 = arith.addi %add3A_694, %iota3A : vector<16xi32>
    %lt3A_696 = arith.constant 250 : i32
    %lt3A_697 = vector.broadcast %lt3A_696 : i32 to vector<16xi32>
    %lt3A_698 = arith.cmpi slt, %add3A_695, %lt3A_697 : vector<16xi32>
    %and3A_699 = arith.andi %lt3A_692, %lt3A_698 : vector<16xi1>
    %bitcast3A_700 = vector.bitcast %add3A_689 : vector<16xf32> to vector<16xi32>
    %shift_right_arithmetic3A_701 = arith.constant 1 : i32
    %shift_right_arithmetic3A_702 = vector.broadcast %shift_right_arithmetic3A_701 : i32 to vector<16xi32>
    %shift_right_arithmetic3A_703 = arith.shrsi %bitcast3A_700, %shift_right_arithmetic3A_702 : vector<16xi32>
    %add3A_704 = arith.constant 532487669 : i32
    %add3A_705 = vector.broadcast %add3A_704 : i32 to vector<16xi32>
    %add3A_706 = arith.addi %shift_right_arithmetic3A_703, %add3A_705 : vector<16xi32>
    %bitcast3A_707 = vector.bitcast %add3A_706 : vector<16xi32> to vector<16xf32>
    %div3A_708 = arith.divf %add3A_689, %bitcast3A_707 : vector<16xf32>
    %add3A_709 = arith.addf %bitcast3A_707, %div3A_708 : vector<16xf32>
    %mul3A_710 = arith.constant 5.000000e-01 : f32
    %mul3A_711 = vector.broadcast %mul3A_710 : f32 to vector<16xf32>
    %mul3A_712 = arith.mulf %mul3A_711, %add3A_709 : vector<16xf32>
    %div3A_713 = arith.divf %add3A_689, %mul3A_712 : vector<16xf32>
    %add3A_714 = arith.addf %mul3A_712, %div3A_713 : vector<16xf32>
    %mul3A_715 = arith.constant 5.000000e-01 : f32
    %mul3A_716 = vector.broadcast %mul3A_715 : f32 to vector<16xf32>
    %mul3A_717 = arith.mulf %mul3A_716, %add3A_714 : vector<16xf32>
    %div3A_718 = arith.divf %add3A_689, %mul3A_717 : vector<16xf32>
    %add3A_719 = arith.addf %mul3A_717, %div3A_718 : vector<16xf32>
    %mul3A_720 = arith.constant 5.000000e-01 : f32
    %mul3A_721 = vector.broadcast %mul3A_720 : f32 to vector<16xf32>
    %mul3A_722 = arith.mulf %mul3A_721, %add3A_719 : vector<16xf32>
    %jit3A_723 = arith.constant 0.000000e+00 : f32
    %broadcast_in_dim3A_724 = vector.broadcast %jit3A_723 : f32 to vector<16xf32>
    %select_n3A_725 = arith.select %and3A_699, %mul3A_722, %broadcast_in_dim3A_724 : vector<16xi1>, vector<16xf32>
    %add3A_726 = arith.addf %add3A_637, %select_n3A_725 : vector<16xf32>
    %jit3A_727 = arith.constant 1.000000e+00 : f32
    %jit3A_728 = arith.constant 0.000000e+00 : f32
    %broadcast_in_dim3A_729 = vector.broadcast %jit3A_727 : f32 to vector<16xf32>
    %broadcast_in_dim3A_730 = vector.broadcast %jit3A_728 : f32 to vector<16xf32>
    %select_n3A_731 = arith.select %and3A_699, %broadcast_in_dim3A_729, %broadcast_in_dim3A_730 : vector<16xi1>, vector<16xf32>
    %add3A_732 = arith.addf %add3A_643, %select_n3A_731 : vector<16xf32>
    %broadcast_in_dim3A_733 = arith.constant 0.000000e+00 : f32
    %broadcast_in_dim3A_734 = vector.broadcast %broadcast_in_dim3A_733 : f32 to vector<16xf32>
    %broadcast_in_dim3A_735 = arith.constant 0.000000e+00 : f32
    %broadcast_in_dim3A_736 = vector.broadcast %broadcast_in_dim3A_735 : f32 to vector<16xf32>
    %get3A_737 = arith.constant 64 : index
    %get3A_738 = tpu.vector_load %arg9[%get3A_737] {strides = array<i32>} : memref<768xf32, #tpu.memory_space<vmem>>, vector<16xf32>,
    %get3A_739 = arith.constant 64 : index
    %get3A_740 = tpu.vector_load %arg10[%get3A_739] {strides = array<i32>} : memref<768xf32, #tpu.memory_space<vmem>>, vector<16xf32>,
    %sub3A_741 = arith.subf %get3A_738, %get3A_740 : vector<16xf32>
    %mul3A_742 = arith.mulf %sub3A_741, %sub3A_741 : vector<16xf32>
    %add3A_743 = arith.addf %broadcast_in_dim3A_734, %mul3A_742 : vector<16xf32>
    %get3A_744 = arith.constant 64 : index
    %get3A_745 = tpu.vector_load %arg11[%get3A_744] {strides = array<i32>} : memref<768xf32, #tpu.memory_space<vmem>>, vector<16xf32>,
    %get3A_746 = arith.constant 64 : index
    %get3A_747 = tpu.vector_load %arg12[%get3A_746] {strides = array<i32>} : memref<768xf32, #tpu.memory_space<vmem>>, vector<16xf32>,
    %sub3A_748 = arith.subf %get3A_745, %get3A_747 : vector<16xf32>
    %mul3A_749 = arith.mulf %sub3A_748, %sub3A_748 : vector<16xf32>
    %add3A_750 = arith.addf %broadcast_in_dim3A_736, %mul3A_749 : vector<16xf32>
    %get3A_751 = arith.constant 320 : index
    %get3A_752 = tpu.vector_load %arg9[%get3A_751] {strides = array<i32>} : memref<768xf32, #tpu.memory_space<vmem>>, vector<16xf32>,
    %get3A_753 = arith.constant 320 : index
    %get3A_754 = tpu.vector_load %arg10[%get3A_753] {strides = array<i32>} : memref<768xf32, #tpu.memory_space<vmem>>, vector<16xf32>,
    %sub3A_755 = arith.subf %get3A_752, %get3A_754 : vector<16xf32>
    %mul3A_756 = arith.mulf %sub3A_755, %sub3A_755 : vector<16xf32>
    %add3A_757 = arith.addf %add3A_743, %mul3A_756 : vector<16xf32>
    %get3A_758 = arith.constant 320 : index
    %get3A_759 = tpu.vector_load %arg11[%get3A_758] {strides = array<i32>} : memref<768xf32, #tpu.memory_space<vmem>>, vector<16xf32>,
    %get3A_760 = arith.constant 320 : index
    %get3A_761 = tpu.vector_load %arg12[%get3A_760] {strides = array<i32>} : memref<768xf32, #tpu.memory_space<vmem>>, vector<16xf32>,
    %sub3A_762 = arith.subf %get3A_759, %get3A_761 : vector<16xf32>
    %mul3A_763 = arith.mulf %sub3A_762, %sub3A_762 : vector<16xf32>
    %add3A_764 = arith.addf %add3A_750, %mul3A_763 : vector<16xf32>
    %get3A_765 = arith.constant 576 : index
    %get3A_766 = tpu.vector_load %arg9[%get3A_765] {strides = array<i32>} : memref<768xf32, #tpu.memory_space<vmem>>, vector<16xf32>,
    %get3A_767 = arith.constant 576 : index
    %get3A_768 = tpu.vector_load %arg10[%get3A_767] {strides = array<i32>} : memref<768xf32, #tpu.memory_space<vmem>>, vector<16xf32>,
    %sub3A_769 = arith.subf %get3A_766, %get3A_768 : vector<16xf32>
    %mul3A_770 = arith.mulf %sub3A_769, %sub3A_769 : vector<16xf32>
    %add3A_771 = arith.addf %add3A_757, %mul3A_770 : vector<16xf32>
    %get3A_772 = arith.constant 576 : index
    %get3A_773 = tpu.vector_load %arg11[%get3A_772] {strides = array<i32>} : memref<768xf32, #tpu.memory_space<vmem>>, vector<16xf32>,
    %get3A_774 = arith.constant 576 : index
    %get3A_775 = tpu.vector_load %arg12[%get3A_774] {strides = array<i32>} : memref<768xf32, #tpu.memory_space<vmem>>, vector<16xf32>,
    %sub3A_776 = arith.subf %get3A_773, %get3A_775 : vector<16xf32>
    %mul3A_777 = arith.mulf %sub3A_776, %sub3A_776 : vector<16xf32>
    %add3A_778 = arith.addf %add3A_764, %mul3A_777 : vector<16xf32>
    %lt3A_779 = arith.constant 2.500000e-01 : f32
    %lt3A_780 = vector.broadcast %lt3A_779 : f32 to vector<16xf32>
    %lt3A_781 = arith.cmpf olt, %add3A_771, %lt3A_780 : vector<16xf32>
    %add3A_782 = arith.constant 64 : i32
    %add3A_783 = vector.broadcast %add3A_782 : i32 to vector<16xi32>
    %add3A_784 = arith.addi %add3A_783, %iota3A : vector<16xi32>
    %lt3A_785 = arith.constant 250 : i32
    %lt3A_786 = vector.broadcast %lt3A_785 : i32 to vector<16xi32>
    %lt3A_787 = arith.cmpi slt, %add3A_784, %lt3A_786 : vector<16xi32>
    %and3A_788 = arith.andi %lt3A_781, %lt3A_787 : vector<16xi1>
    %bitcast3A_789 = vector.bitcast %add3A_778 : vector<16xf32> to vector<16xi32>
    %shift_right_arithmetic3A_790 = arith.constant 1 : i32
    %shift_right_arithmetic3A_791 = vector.broadcast %shift_right_arithmetic3A_790 : i32 to vector<16xi32>
    %shift_right_arithmetic3A_792 = arith.shrsi %bitcast3A_789, %shift_right_arithmetic3A_791 : vector<16xi32>
    %add3A_793 = arith.constant 532487669 : i32
    %add3A_794 = vector.broadcast %add3A_793 : i32 to vector<16xi32>
    %add3A_795 = arith.addi %shift_right_arithmetic3A_792, %add3A_794 : vector<16xi32>
    %bitcast3A_796 = vector.bitcast %add3A_795 : vector<16xi32> to vector<16xf32>
    %div3A_797 = arith.divf %add3A_778, %bitcast3A_796 : vector<16xf32>
    %add3A_798 = arith.addf %bitcast3A_796, %div3A_797 : vector<16xf32>
    %mul3A_799 = arith.constant 5.000000e-01 : f32
    %mul3A_800 = vector.broadcast %mul3A_799 : f32 to vector<16xf32>
    %mul3A_801 = arith.mulf %mul3A_800, %add3A_798 : vector<16xf32>
    %div3A_802 = arith.divf %add3A_778, %mul3A_801 : vector<16xf32>
    %add3A_803 = arith.addf %mul3A_801, %div3A_802 : vector<16xf32>
    %mul3A_804 = arith.constant 5.000000e-01 : f32
    %mul3A_805 = vector.broadcast %mul3A_804 : f32 to vector<16xf32>
    %mul3A_806 = arith.mulf %mul3A_805, %add3A_803 : vector<16xf32>
    %div3A_807 = arith.divf %add3A_778, %mul3A_806 : vector<16xf32>
    %add3A_808 = arith.addf %mul3A_806, %div3A_807 : vector<16xf32>
    %mul3A_809 = arith.constant 5.000000e-01 : f32
    %mul3A_810 = vector.broadcast %mul3A_809 : f32 to vector<16xf32>
    %mul3A_811 = arith.mulf %mul3A_810, %add3A_808 : vector<16xf32>
    %jit3A_812 = arith.constant 0.000000e+00 : f32
    %broadcast_in_dim3A_813 = vector.broadcast %jit3A_812 : f32 to vector<16xf32>
    %select_n3A_814 = arith.select %and3A_788, %mul3A_811, %broadcast_in_dim3A_813 : vector<16xi1>, vector<16xf32>
    %add3A_815 = arith.addf %add3A_726, %select_n3A_814 : vector<16xf32>
    %jit3A_816 = arith.constant 1.000000e+00 : f32
    %jit3A_817 = arith.constant 0.000000e+00 : f32
    %broadcast_in_dim3A_818 = vector.broadcast %jit3A_816 : f32 to vector<16xf32>
    %broadcast_in_dim3A_819 = vector.broadcast %jit3A_817 : f32 to vector<16xf32>
    %select_n3A_820 = arith.select %and3A_788, %broadcast_in_dim3A_818, %broadcast_in_dim3A_819 : vector<16xi1>, vector<16xf32>
    %add3A_821 = arith.addf %add3A_732, %select_n3A_820 : vector<16xf32>
    %broadcast_in_dim3A_822 = arith.constant 0.000000e+00 : f32
    %broadcast_in_dim3A_823 = vector.broadcast %broadcast_in_dim3A_822 : f32 to vector<16xf32>
    %broadcast_in_dim3A_824 = arith.constant 0.000000e+00 : f32
    %broadcast_in_dim3A_825 = vector.broadcast %broadcast_in_dim3A_824 : f32 to vector<16xf32>
    %get3A_826 = arith.constant 80 : index
    %get3A_827 = tpu.vector_load %arg9[%get3A_826] {strides = array<i32>} : memref<768xf32, #tpu.memory_space<vmem>>, vector<16xf32>,
    %get3A_828 = arith.constant 80 : index
    %get3A_829 = tpu.vector_load %arg10[%get3A_828] {strides = array<i32>} : memref<768xf32, #tpu.memory_space<vmem>>, vector<16xf32>,
    %sub3A_830 = arith.subf %get3A_827, %get3A_829 : vector<16xf32>
    %mul3A_831 = arith.mulf %sub3A_830, %sub3A_830 : vector<16xf32>
    %add3A_832 = arith.addf %broadcast_in_dim3A_823, %mul3A_831 : vector<16xf32>
    %get3A_833 = arith.constant 80 : index
    %get3A_834 = tpu.vector_load %arg11[%get3A_833] {strides = array<i32>} : memref<768xf32, #tpu.memory_space<vmem>>, vector<16xf32>,
    %get3A_835 = arith.constant 80 : index
    %get3A_836 = tpu.vector_load %arg12[%get3A_835] {strides = array<i32>} : memref<768xf32, #tpu.memory_space<vmem>>, vector<16xf32>,
    %sub3A_837 = arith.subf %get3A_834, %get3A_836 : vector<16xf32>
    %mul3A_838 = arith.mulf %sub3A_837, %sub3A_837 : vector<16xf32>
    %add3A_839 = arith.addf %broadcast_in_dim3A_825, %mul3A_838 : vector<16xf32>
    %get3A_840 = arith.constant 336 : index
    %get3A_841 = tpu.vector_load %arg9[%get3A_840] {strides = array<i32>} : memref<768xf32, #tpu.memory_space<vmem>>, vector<16xf32>,
    %get3A_842 = arith.constant 336 : index
    %get3A_843 = tpu.vector_load %arg10[%get3A_842] {strides = array<i32>} : memref<768xf32, #tpu.memory_space<vmem>>, vector<16xf32>,
    %sub3A_844 = arith.subf %get3A_841, %get3A_843 : vector<16xf32>
    %mul3A_845 = arith.mulf %sub3A_844, %sub3A_844 : vector<16xf32>
    %add3A_846 = arith.addf %add3A_832, %mul3A_845 : vector<16xf32>
    %get3A_847 = arith.constant 336 : index
    %get3A_848 = tpu.vector_load %arg11[%get3A_847] {strides = array<i32>} : memref<768xf32, #tpu.memory_space<vmem>>, vector<16xf32>,
    %get3A_849 = arith.constant 336 : index
    %get3A_850 = tpu.vector_load %arg12[%get3A_849] {strides = array<i32>} : memref<768xf32, #tpu.memory_space<vmem>>, vector<16xf32>,
    %sub3A_851 = arith.subf %get3A_848, %get3A_850 : vector<16xf32>
    %mul3A_852 = arith.mulf %sub3A_851, %sub3A_851 : vector<16xf32>
    %add3A_853 = arith.addf %add3A_839, %mul3A_852 : vector<16xf32>
    %get3A_854 = arith.constant 592 : index
    %get3A_855 = tpu.vector_load %arg9[%get3A_854] {strides = array<i32>} : memref<768xf32, #tpu.memory_space<vmem>>, vector<16xf32>,
    %get3A_856 = arith.constant 592 : index
    %get3A_857 = tpu.vector_load %arg10[%get3A_856] {strides = array<i32>} : memref<768xf32, #tpu.memory_space<vmem>>, vector<16xf32>,
    %sub3A_858 = arith.subf %get3A_855, %get3A_857 : vector<16xf32>
    %mul3A_859 = arith.mulf %sub3A_858, %sub3A_858 : vector<16xf32>
    %add3A_860 = arith.addf %add3A_846, %mul3A_859 : vector<16xf32>
    %get3A_861 = arith.constant 592 : index
    %get3A_862 = tpu.vector_load %arg11[%get3A_861] {strides = array<i32>} : memref<768xf32, #tpu.memory_space<vmem>>, vector<16xf32>,
    %get3A_863 = arith.constant 592 : index
    %get3A_864 = tpu.vector_load %arg12[%get3A_863] {strides = array<i32>} : memref<768xf32, #tpu.memory_space<vmem>>, vector<16xf32>,
    %sub3A_865 = arith.subf %get3A_862, %get3A_864 : vector<16xf32>
    %mul3A_866 = arith.mulf %sub3A_865, %sub3A_865 : vector<16xf32>
    %add3A_867 = arith.addf %add3A_853, %mul3A_866 : vector<16xf32>
    %lt3A_868 = arith.constant 2.500000e-01 : f32
    %lt3A_869 = vector.broadcast %lt3A_868 : f32 to vector<16xf32>
    %lt3A_870 = arith.cmpf olt, %add3A_860, %lt3A_869 : vector<16xf32>
    %add3A_871 = arith.constant 80 : i32
    %add3A_872 = vector.broadcast %add3A_871 : i32 to vector<16xi32>
    %add3A_873 = arith.addi %add3A_872, %iota3A : vector<16xi32>
    %lt3A_874 = arith.constant 250 : i32
    %lt3A_875 = vector.broadcast %lt3A_874 : i32 to vector<16xi32>
    %lt3A_876 = arith.cmpi slt, %add3A_873, %lt3A_875 : vector<16xi32>
    %and3A_877 = arith.andi %lt3A_870, %lt3A_876 : vector<16xi1>
    %bitcast3A_878 = vector.bitcast %add3A_867 : vector<16xf32> to vector<16xi32>
    %shift_right_arithmetic3A_879 = arith.constant 1 : i32
    %shift_right_arithmetic3A_880 = vector.broadcast %shift_right_arithmetic3A_879 : i32 to vector<16xi32>
    %shift_right_arithmetic3A_881 = arith.shrsi %bitcast3A_878, %shift_right_arithmetic3A_880 : vector<16xi32>
    %add3A_882 = arith.constant 532487669 : i32
    %add3A_883 = vector.broadcast %add3A_882 : i32 to vector<16xi32>
    %add3A_884 = arith.addi %shift_right_arithmetic3A_881, %add3A_883 : vector<16xi32>
    %bitcast3A_885 = vector.bitcast %add3A_884 : vector<16xi32> to vector<16xf32>
    %div3A_886 = arith.divf %add3A_867, %bitcast3A_885 : vector<16xf32>
    %add3A_887 = arith.addf %bitcast3A_885, %div3A_886 : vector<16xf32>
    %mul3A_888 = arith.constant 5.000000e-01 : f32
    %mul3A_889 = vector.broadcast %mul3A_888 : f32 to vector<16xf32>
    %mul3A_890 = arith.mulf %mul3A_889, %add3A_887 : vector<16xf32>
    %div3A_891 = arith.divf %add3A_867, %mul3A_890 : vector<16xf32>
    %add3A_892 = arith.addf %mul3A_890, %div3A_891 : vector<16xf32>
    %mul3A_893 = arith.constant 5.000000e-01 : f32
    %mul3A_894 = vector.broadcast %mul3A_893 : f32 to vector<16xf32>
    %mul3A_895 = arith.mulf %mul3A_894, %add3A_892 : vector<16xf32>
    %div3A_896 = arith.divf %add3A_867, %mul3A_895 : vector<16xf32>
    %add3A_897 = arith.addf %mul3A_895, %div3A_896 : vector<16xf32>
    %mul3A_898 = arith.constant 5.000000e-01 : f32
    %mul3A_899 = vector.broadcast %mul3A_898 : f32 to vector<16xf32>
    %mul3A_900 = arith.mulf %mul3A_899, %add3A_897 : vector<16xf32>
    %jit3A_901 = arith.constant 0.000000e+00 : f32
    %broadcast_in_dim3A_902 = vector.broadcast %jit3A_901 : f32 to vector<16xf32>
    %select_n3A_903 = arith.select %and3A_877, %mul3A_900, %broadcast_in_dim3A_902 : vector<16xi1>, vector<16xf32>
    %add3A_904 = arith.addf %add3A_815, %select_n3A_903 : vector<16xf32>
    %jit3A_905 = arith.constant 1.000000e+00 : f32
    %jit3A_906 = arith.constant 0.000000e+00 : f32
    %broadcast_in_dim3A_907 = vector.broadcast %jit3A_905 : f32 to vector<16xf32>
    %broadcast_in_dim3A_908 = vector.broadcast %jit3A_906 : f32 to vector<16xf32>
    %select_n3A_909 = arith.select %and3A_877, %broadcast_in_dim3A_907, %broadcast_in_dim3A_908 : vector<16xi1>, vector<16xf32>
    %add3A_910 = arith.addf %add3A_821, %select_n3A_909 : vector<16xf32>
    %broadcast_in_dim3A_911 = arith.constant 0.000000e+00 : f32
    %broadcast_in_dim3A_912 = vector.broadcast %broadcast_in_dim3A_911 : f32 to vector<16xf32>
    %broadcast_in_dim3A_913 = arith.constant 0.000000e+00 : f32
    %broadcast_in_dim3A_914 = vector.broadcast %broadcast_in_dim3A_913 : f32 to vector<16xf32>
    %get3A_915 = arith.constant 96 : index
    %get3A_916 = tpu.vector_load %arg9[%get3A_915] {strides = array<i32>} : memref<768xf32, #tpu.memory_space<vmem>>, vector<16xf32>,
    %get3A_917 = arith.constant 96 : index
    %get3A_918 = tpu.vector_load %arg10[%get3A_917] {strides = array<i32>} : memref<768xf32, #tpu.memory_space<vmem>>, vector<16xf32>,
    %sub3A_919 = arith.subf %get3A_916, %get3A_918 : vector<16xf32>
    %mul3A_920 = arith.mulf %sub3A_919, %sub3A_919 : vector<16xf32>
    %add3A_921 = arith.addf %broadcast_in_dim3A_912, %mul3A_920 : vector<16xf32>
    %get3A_922 = arith.constant 96 : index
    %get3A_923 = tpu.vector_load %arg11[%get3A_922] {strides = array<i32>} : memref<768xf32, #tpu.memory_space<vmem>>, vector<16xf32>,
    %get3A_924 = arith.constant 96 : index
    %get3A_925 = tpu.vector_load %arg12[%get3A_924] {strides = array<i32>} : memref<768xf32, #tpu.memory_space<vmem>>, vector<16xf32>,
    %sub3A_926 = arith.subf %get3A_923, %get3A_925 : vector<16xf32>
    %mul3A_927 = arith.mulf %sub3A_926, %sub3A_926 : vector<16xf32>
    %add3A_928 = arith.addf %broadcast_in_dim3A_914, %mul3A_927 : vector<16xf32>
    %get3A_929 = arith.constant 352 : index
    %get3A_930 = tpu.vector_load %arg9[%get3A_929] {strides = array<i32>} : memref<768xf32, #tpu.memory_space<vmem>>, vector<16xf32>,
    %get3A_931 = arith.constant 352 : index
    %get3A_932 = tpu.vector_load %arg10[%get3A_931] {strides = array<i32>} : memref<768xf32, #tpu.memory_space<vmem>>, vector<16xf32>,
    %sub3A_933 = arith.subf %get3A_930, %get3A_932 : vector<16xf32>
    %mul3A_934 = arith.mulf %sub3A_933, %sub3A_933 : vector<16xf32>
    %add3A_935 = arith.addf %add3A_921, %mul3A_934 : vector<16xf32>
    %get3A_936 = arith.constant 352 : index
    %get3A_937 = tpu.vector_load %arg11[%get3A_936] {strides = array<i32>} : memref<768xf32, #tpu.memory_space<vmem>>, vector<16xf32>,
    %get3A_938 = arith.constant 352 : index
    %get3A_939 = tpu.vector_load %arg12[%get3A_938] {strides = array<i32>} : memref<768xf32, #tpu.memory_space<vmem>>, vector<16xf32>,
    %sub3A_940 = arith.subf %get3A_937, %get3A_939 : vector<16xf32>
    %mul3A_941 = arith.mulf %sub3A_940, %sub3A_940 : vector<16xf32>
    %add3A_942 = arith.addf %add3A_928, %mul3A_941 : vector<16xf32>
    %get3A_943 = arith.constant 608 : index
    %get3A_944 = tpu.vector_load %arg9[%get3A_943] {strides = array<i32>} : memref<768xf32, #tpu.memory_space<vmem>>, vector<16xf32>,
    %get3A_945 = arith.constant 608 : index
    %get3A_946 = tpu.vector_load %arg10[%get3A_945] {strides = array<i32>} : memref<768xf32, #tpu.memory_space<vmem>>, vector<16xf32>,
    %sub3A_947 = arith.subf %get3A_944, %get3A_946 : vector<16xf32>
    %mul3A_948 = arith.mulf %sub3A_947, %sub3A_947 : vector<16xf32>
    %add3A_949 = arith.addf %add3A_935, %mul3A_948 : vector<16xf32>
    %get3A_950 = arith.constant 608 : index
    %get3A_951 = tpu.vector_load %arg11[%get3A_950] {strides = array<i32>} : memref<768xf32, #tpu.memory_space<vmem>>, vector<16xf32>,
    %get3A_952 = arith.constant 608 : index
    %get3A_953 = tpu.vector_load %arg12[%get3A_952] {strides = array<i32>} : memref<768xf32, #tpu.memory_space<vmem>>, vector<16xf32>,
    %sub3A_954 = arith.subf %get3A_951, %get3A_953 : vector<16xf32>
    %mul3A_955 = arith.mulf %sub3A_954, %sub3A_954 : vector<16xf32>
    %add3A_956 = arith.addf %add3A_942, %mul3A_955 : vector<16xf32>
    %lt3A_957 = arith.constant 2.500000e-01 : f32
    %lt3A_958 = vector.broadcast %lt3A_957 : f32 to vector<16xf32>
    %lt3A_959 = arith.cmpf olt, %add3A_949, %lt3A_958 : vector<16xf32>
    %add3A_960 = arith.constant 96 : i32
    %add3A_961 = vector.broadcast %add3A_960 : i32 to vector<16xi32>
    %add3A_962 = arith.addi %add3A_961, %iota3A : vector<16xi32>
    %lt3A_963 = arith.constant 250 : i32
    %lt3A_964 = vector.broadcast %lt3A_963 : i32 to vector<16xi32>
    %lt3A_965 = arith.cmpi slt, %add3A_962, %lt3A_964 : vector<16xi32>
    %and3A_966 = arith.andi %lt3A_959, %lt3A_965 : vector<16xi1>
    %bitcast3A_967 = vector.bitcast %add3A_956 : vector<16xf32> to vector<16xi32>
    %shift_right_arithmetic3A_968 = arith.constant 1 : i32
    %shift_right_arithmetic3A_969 = vector.broadcast %shift_right_arithmetic3A_968 : i32 to vector<16xi32>
    %shift_right_arithmetic3A_970 = arith.shrsi %bitcast3A_967, %shift_right_arithmetic3A_969 : vector<16xi32>
    %add3A_971 = arith.constant 532487669 : i32
    %add3A_972 = vector.broadcast %add3A_971 : i32 to vector<16xi32>
    %add3A_973 = arith.addi %shift_right_arithmetic3A_970, %add3A_972 : vector<16xi32>
    %bitcast3A_974 = vector.bitcast %add3A_973 : vector<16xi32> to vector<16xf32>
    %div3A_975 = arith.divf %add3A_956, %bitcast3A_974 : vector<16xf32>
    %add3A_976 = arith.addf %bitcast3A_974, %div3A_975 : vector<16xf32>
    %mul3A_977 = arith.constant 5.000000e-01 : f32
    %mul3A_978 = vector.broadcast %mul3A_977 : f32 to vector<16xf32>
    %mul3A_979 = arith.mulf %mul3A_978, %add3A_976 : vector<16xf32>
    %div3A_980 = arith.divf %add3A_956, %mul3A_979 : vector<16xf32>
    %add3A_981 = arith.addf %mul3A_979, %div3A_980 : vector<16xf32>
    %mul3A_982 = arith.constant 5.000000e-01 : f32
    %mul3A_983 = vector.broadcast %mul3A_982 : f32 to vector<16xf32>
    %mul3A_984 = arith.mulf %mul3A_983, %add3A_981 : vector<16xf32>
    %div3A_985 = arith.divf %add3A_956, %mul3A_984 : vector<16xf32>
    %add3A_986 = arith.addf %mul3A_984, %div3A_985 : vector<16xf32>
    %mul3A_987 = arith.constant 5.000000e-01 : f32
    %mul3A_988 = vector.broadcast %mul3A_987 : f32 to vector<16xf32>
    %mul3A_989 = arith.mulf %mul3A_988, %add3A_986 : vector<16xf32>
    %jit3A_990 = arith.constant 0.000000e+00 : f32
    %broadcast_in_dim3A_991 = vector.broadcast %jit3A_990 : f32 to vector<16xf32>
    %select_n3A_992 = arith.select %and3A_966, %mul3A_989, %broadcast_in_dim3A_991 : vector<16xi1>, vector<16xf32>
    %add3A_993 = arith.addf %add3A_904, %select_n3A_992 : vector<16xf32>
    %jit3A_994 = arith.constant 1.000000e+00 : f32
    %jit3A_995 = arith.constant 0.000000e+00 : f32
    %broadcast_in_dim3A_996 = vector.broadcast %jit3A_994 : f32 to vector<16xf32>
    %broadcast_in_dim3A_997 = vector.broadcast %jit3A_995 : f32 to vector<16xf32>
    %select_n3A_998 = arith.select %and3A_966, %broadcast_in_dim3A_996, %broadcast_in_dim3A_997 : vector<16xi1>, vector<16xf32>
    %add3A_999 = arith.addf %add3A_910, %select_n3A_998 : vector<16xf32>
    %broadcast_in_dim3A_1000 = arith.constant 0.000000e+00 : f32
    %broadcast_in_dim3A_1001 = vector.broadcast %broadcast_in_dim3A_1000 : f32 to vector<16xf32>
    %broadcast_in_dim3A_1002 = arith.constant 0.000000e+00 : f32
    %broadcast_in_dim3A_1003 = vector.broadcast %broadcast_in_dim3A_1002 : f32 to vector<16xf32>
    %get3A_1004 = arith.constant 112 : index
    %get3A_1005 = tpu.vector_load %arg9[%get3A_1004] {strides = array<i32>} : memref<768xf32, #tpu.memory_space<vmem>>, vector<16xf32>,
    %get3A_1006 = arith.constant 112 : index
    %get3A_1007 = tpu.vector_load %arg10[%get3A_1006] {strides = array<i32>} : memref<768xf32, #tpu.memory_space<vmem>>, vector<16xf32>,
    %sub3A_1008 = arith.subf %get3A_1005, %get3A_1007 : vector<16xf32>
    %mul3A_1009 = arith.mulf %sub3A_1008, %sub3A_1008 : vector<16xf32>
    %add3A_1010 = arith.addf %broadcast_in_dim3A_1001, %mul3A_1009 : vector<16xf32>
    %get3A_1011 = arith.constant 112 : index
    %get3A_1012 = tpu.vector_load %arg11[%get3A_1011] {strides = array<i32>} : memref<768xf32, #tpu.memory_space<vmem>>, vector<16xf32>,
    %get3A_1013 = arith.constant 112 : index
    %get3A_1014 = tpu.vector_load %arg12[%get3A_1013] {strides = array<i32>} : memref<768xf32, #tpu.memory_space<vmem>>, vector<16xf32>,
    %sub3A_1015 = arith.subf %get3A_1012, %get3A_1014 : vector<16xf32>
    %mul3A_1016 = arith.mulf %sub3A_1015, %sub3A_1015 : vector<16xf32>
    %add3A_1017 = arith.addf %broadcast_in_dim3A_1003, %mul3A_1016 : vector<16xf32>
    %get3A_1018 = arith.constant 368 : index
    %get3A_1019 = tpu.vector_load %arg9[%get3A_1018] {strides = array<i32>} : memref<768xf32, #tpu.memory_space<vmem>>, vector<16xf32>,
    %get3A_1020 = arith.constant 368 : index
    %get3A_1021 = tpu.vector_load %arg10[%get3A_1020] {strides = array<i32>} : memref<768xf32, #tpu.memory_space<vmem>>, vector<16xf32>,
    %sub3A_1022 = arith.subf %get3A_1019, %get3A_1021 : vector<16xf32>
    %mul3A_1023 = arith.mulf %sub3A_1022, %sub3A_1022 : vector<16xf32>
    %add3A_1024 = arith.addf %add3A_1010, %mul3A_1023 : vector<16xf32>
    %get3A_1025 = arith.constant 368 : index
    %get3A_1026 = tpu.vector_load %arg11[%get3A_1025] {strides = array<i32>} : memref<768xf32, #tpu.memory_space<vmem>>, vector<16xf32>,
    %get3A_1027 = arith.constant 368 : index
    %get3A_1028 = tpu.vector_load %arg12[%get3A_1027] {strides = array<i32>} : memref<768xf32, #tpu.memory_space<vmem>>, vector<16xf32>,
    %sub3A_1029 = arith.subf %get3A_1026, %get3A_1028 : vector<16xf32>
    %mul3A_1030 = arith.mulf %sub3A_1029, %sub3A_1029 : vector<16xf32>
    %add3A_1031 = arith.addf %add3A_1017, %mul3A_1030 : vector<16xf32>
    %get3A_1032 = arith.constant 624 : index
    %get3A_1033 = tpu.vector_load %arg9[%get3A_1032] {strides = array<i32>} : memref<768xf32, #tpu.memory_space<vmem>>, vector<16xf32>,
    %get3A_1034 = arith.constant 624 : index
    %get3A_1035 = tpu.vector_load %arg10[%get3A_1034] {strides = array<i32>} : memref<768xf32, #tpu.memory_space<vmem>>, vector<16xf32>,
    %sub3A_1036 = arith.subf %get3A_1033, %get3A_1035 : vector<16xf32>
    %mul3A_1037 = arith.mulf %sub3A_1036, %sub3A_1036 : vector<16xf32>
    %add3A_1038 = arith.addf %add3A_1024, %mul3A_1037 : vector<16xf32>
    %get3A_1039 = arith.constant 624 : index
    %get3A_1040 = tpu.vector_load %arg11[%get3A_1039] {strides = array<i32>} : memref<768xf32, #tpu.memory_space<vmem>>, vector<16xf32>,
    %get3A_1041 = arith.constant 624 : index
    %get3A_1042 = tpu.vector_load %arg12[%get3A_1041] {strides = array<i32>} : memref<768xf32, #tpu.memory_space<vmem>>, vector<16xf32>,
    %sub3A_1043 = arith.subf %get3A_1040, %get3A_1042 : vector<16xf32>
    %mul3A_1044 = arith.mulf %sub3A_1043, %sub3A_1043 : vector<16xf32>
    %add3A_1045 = arith.addf %add3A_1031, %mul3A_1044 : vector<16xf32>
    %lt3A_1046 = arith.constant 2.500000e-01 : f32
    %lt3A_1047 = vector.broadcast %lt3A_1046 : f32 to vector<16xf32>
    %lt3A_1048 = arith.cmpf olt, %add3A_1038, %lt3A_1047 : vector<16xf32>
    %add3A_1049 = arith.constant 112 : i32
    %add3A_1050 = vector.broadcast %add3A_1049 : i32 to vector<16xi32>
    %add3A_1051 = arith.addi %add3A_1050, %iota3A : vector<16xi32>
    %lt3A_1052 = arith.constant 250 : i32
    %lt3A_1053 = vector.broadcast %lt3A_1052 : i32 to vector<16xi32>
    %lt3A_1054 = arith.cmpi slt, %add3A_1051, %lt3A_1053 : vector<16xi32>
    %and3A_1055 = arith.andi %lt3A_1048, %lt3A_1054 : vector<16xi1>
    %bitcast3A_1056 = vector.bitcast %add3A_1045 : vector<16xf32> to vector<16xi32>
    %shift_right_arithmetic3A_1057 = arith.constant 1 : i32
    %shift_right_arithmetic3A_1058 = vector.broadcast %shift_right_arithmetic3A_1057 : i32 to vector<16xi32>
    %shift_right_arithmetic3A_1059 = arith.shrsi %bitcast3A_1056, %shift_right_arithmetic3A_1058 : vector<16xi32>
    %add3A_1060 = arith.constant 532487669 : i32
    %add3A_1061 = vector.broadcast %add3A_1060 : i32 to vector<16xi32>
    %add3A_1062 = arith.addi %shift_right_arithmetic3A_1059, %add3A_1061 : vector<16xi32>
    %bitcast3A_1063 = vector.bitcast %add3A_1062 : vector<16xi32> to vector<16xf32>
    %div3A_1064 = arith.divf %add3A_1045, %bitcast3A_1063 : vector<16xf32>
    %add3A_1065 = arith.addf %bitcast3A_1063, %div3A_1064 : vector<16xf32>
    %mul3A_1066 = arith.constant 5.000000e-01 : f32
    %mul3A_1067 = vector.broadcast %mul3A_1066 : f32 to vector<16xf32>
    %mul3A_1068 = arith.mulf %mul3A_1067, %add3A_1065 : vector<16xf32>
    %div3A_1069 = arith.divf %add3A_1045, %mul3A_1068 : vector<16xf32>
    %add3A_1070 = arith.addf %mul3A_1068, %div3A_1069 : vector<16xf32>
    %mul3A_1071 = arith.constant 5.000000e-01 : f32
    %mul3A_1072 = vector.broadcast %mul3A_1071 : f32 to vector<16xf32>
    %mul3A_1073 = arith.mulf %mul3A_1072, %add3A_1070 : vector<16xf32>
    %div3A_1074 = arith.divf %add3A_1045, %mul3A_1073 : vector<16xf32>
    %add3A_1075 = arith.addf %mul3A_1073, %div3A_1074 : vector<16xf32>
    %mul3A_1076 = arith.constant 5.000000e-01 : f32
    %mul3A_1077 = vector.broadcast %mul3A_1076 : f32 to vector<16xf32>
    %mul3A_1078 = arith.mulf %mul3A_1077, %add3A_1075 : vector<16xf32>
    %jit3A_1079 = arith.constant 0.000000e+00 : f32
    %broadcast_in_dim3A_1080 = vector.broadcast %jit3A_1079 : f32 to vector<16xf32>
    %select_n3A_1081 = arith.select %and3A_1055, %mul3A_1078, %broadcast_in_dim3A_1080 : vector<16xi1>, vector<16xf32>
    %add3A_1082 = arith.addf %add3A_993, %select_n3A_1081 : vector<16xf32>
    %jit3A_1083 = arith.constant 1.000000e+00 : f32
    %jit3A_1084 = arith.constant 0.000000e+00 : f32
    %broadcast_in_dim3A_1085 = vector.broadcast %jit3A_1083 : f32 to vector<16xf32>
    %broadcast_in_dim3A_1086 = vector.broadcast %jit3A_1084 : f32 to vector<16xf32>
    %select_n3A_1087 = arith.select %and3A_1055, %broadcast_in_dim3A_1085, %broadcast_in_dim3A_1086 : vector<16xi1>, vector<16xf32>
    %add3A_1088 = arith.addf %add3A_999, %select_n3A_1087 : vector<16xf32>
    %broadcast_in_dim3A_1089 = arith.constant 0.000000e+00 : f32
    %broadcast_in_dim3A_1090 = vector.broadcast %broadcast_in_dim3A_1089 : f32 to vector<16xf32>
    %broadcast_in_dim3A_1091 = arith.constant 0.000000e+00 : f32
    %broadcast_in_dim3A_1092 = vector.broadcast %broadcast_in_dim3A_1091 : f32 to vector<16xf32>
    %get3A_1093 = arith.constant 128 : index
    %get3A_1094 = tpu.vector_load %arg9[%get3A_1093] {strides = array<i32>} : memref<768xf32, #tpu.memory_space<vmem>>, vector<16xf32>,
    %get3A_1095 = arith.constant 128 : index
    %get3A_1096 = tpu.vector_load %arg10[%get3A_1095] {strides = array<i32>} : memref<768xf32, #tpu.memory_space<vmem>>, vector<16xf32>,
    %sub3A_1097 = arith.subf %get3A_1094, %get3A_1096 : vector<16xf32>
    %mul3A_1098 = arith.mulf %sub3A_1097, %sub3A_1097 : vector<16xf32>
    %add3A_1099 = arith.addf %broadcast_in_dim3A_1090, %mul3A_1098 : vector<16xf32>
    %get3A_1100 = arith.constant 128 : index
    %get3A_1101 = tpu.vector_load %arg11[%get3A_1100] {strides = array<i32>} : memref<768xf32, #tpu.memory_space<vmem>>, vector<16xf32>,
    %get3A_1102 = arith.constant 128 : index
    %get3A_1103 = tpu.vector_load %arg12[%get3A_1102] {strides = array<i32>} : memref<768xf32, #tpu.memory_space<vmem>>, vector<16xf32>,
    %sub3A_1104 = arith.subf %get3A_1101, %get3A_1103 : vector<16xf32>
    %mul3A_1105 = arith.mulf %sub3A_1104, %sub3A_1104 : vector<16xf32>
    %add3A_1106 = arith.addf %broadcast_in_dim3A_1092, %mul3A_1105 : vector<16xf32>
    %get3A_1107 = arith.constant 384 : index
    %get3A_1108 = tpu.vector_load %arg9[%get3A_1107] {strides = array<i32>} : memref<768xf32, #tpu.memory_space<vmem>>, vector<16xf32>,
    %get3A_1109 = arith.constant 384 : index
    %get3A_1110 = tpu.vector_load %arg10[%get3A_1109] {strides = array<i32>} : memref<768xf32, #tpu.memory_space<vmem>>, vector<16xf32>,
    %sub3A_1111 = arith.subf %get3A_1108, %get3A_1110 : vector<16xf32>
    %mul3A_1112 = arith.mulf %sub3A_1111, %sub3A_1111 : vector<16xf32>
    %add3A_1113 = arith.addf %add3A_1099, %mul3A_1112 : vector<16xf32>
    %get3A_1114 = arith.constant 384 : index
    %get3A_1115 = tpu.vector_load %arg11[%get3A_1114] {strides = array<i32>} : memref<768xf32, #tpu.memory_space<vmem>>, vector<16xf32>,
    %get3A_1116 = arith.constant 384 : index
    %get3A_1117 = tpu.vector_load %arg12[%get3A_1116] {strides = array<i32>} : memref<768xf32, #tpu.memory_space<vmem>>, vector<16xf32>,
    %sub3A_1118 = arith.subf %get3A_1115, %get3A_1117 : vector<16xf32>
    %mul3A_1119 = arith.mulf %sub3A_1118, %sub3A_1118 : vector<16xf32>
    %add3A_1120 = arith.addf %add3A_1106, %mul3A_1119 : vector<16xf32>
    %get3A_1121 = arith.constant 640 : index
    %get3A_1122 = tpu.vector_load %arg9[%get3A_1121] {strides = array<i32>} : memref<768xf32, #tpu.memory_space<vmem>>, vector<16xf32>,
    %get3A_1123 = arith.constant 640 : index
    %get3A_1124 = tpu.vector_load %arg10[%get3A_1123] {strides = array<i32>} : memref<768xf32, #tpu.memory_space<vmem>>, vector<16xf32>,
    %sub3A_1125 = arith.subf %get3A_1122, %get3A_1124 : vector<16xf32>
    %mul3A_1126 = arith.mulf %sub3A_1125, %sub3A_1125 : vector<16xf32>
    %add3A_1127 = arith.addf %add3A_1113, %mul3A_1126 : vector<16xf32>
    %get3A_1128 = arith.constant 640 : index
    %get3A_1129 = tpu.vector_load %arg11[%get3A_1128] {strides = array<i32>} : memref<768xf32, #tpu.memory_space<vmem>>, vector<16xf32>,
    %get3A_1130 = arith.constant 640 : index
    %get3A_1131 = tpu.vector_load %arg12[%get3A_1130] {strides = array<i32>} : memref<768xf32, #tpu.memory_space<vmem>>, vector<16xf32>,
    %sub3A_1132 = arith.subf %get3A_1129, %get3A_1131 : vector<16xf32>
    %mul3A_1133 = arith.mulf %sub3A_1132, %sub3A_1132 : vector<16xf32>
    %add3A_1134 = arith.addf %add3A_1120, %mul3A_1133 : vector<16xf32>
    %lt3A_1135 = arith.constant 2.500000e-01 : f32
    %lt3A_1136 = vector.broadcast %lt3A_1135 : f32 to vector<16xf32>
    %lt3A_1137 = arith.cmpf olt, %add3A_1127, %lt3A_1136 : vector<16xf32>
    %add3A_1138 = arith.constant 128 : i32
    %add3A_1139 = vector.broadcast %add3A_1138 : i32 to vector<16xi32>
    %add3A_1140 = arith.addi %add3A_1139, %iota3A : vector<16xi32>
    %lt3A_1141 = arith.constant 250 : i32
    %lt3A_1142 = vector.broadcast %lt3A_1141 : i32 to vector<16xi32>
    %lt3A_1143 = arith.cmpi slt, %add3A_1140, %lt3A_1142 : vector<16xi32>
    %and3A_1144 = arith.andi %lt3A_1137, %lt3A_1143 : vector<16xi1>
    %bitcast3A_1145 = vector.bitcast %add3A_1134 : vector<16xf32> to vector<16xi32>
    %shift_right_arithmetic3A_1146 = arith.constant 1 : i32
    %shift_right_arithmetic3A_1147 = vector.broadcast %shift_right_arithmetic3A_1146 : i32 to vector<16xi32>
    %shift_right_arithmetic3A_1148 = arith.shrsi %bitcast3A_1145, %shift_right_arithmetic3A_1147 : vector<16xi32>
    %add3A_1149 = arith.constant 532487669 : i32
    %add3A_1150 = vector.broadcast %add3A_1149 : i32 to vector<16xi32>
    %add3A_1151 = arith.addi %shift_right_arithmetic3A_1148, %add3A_1150 : vector<16xi32>
    %bitcast3A_1152 = vector.bitcast %add3A_1151 : vector<16xi32> to vector<16xf32>
    %div3A_1153 = arith.divf %add3A_1134, %bitcast3A_1152 : vector<16xf32>
    %add3A_1154 = arith.addf %bitcast3A_1152, %div3A_1153 : vector<16xf32>
    %mul3A_1155 = arith.constant 5.000000e-01 : f32
    %mul3A_1156 = vector.broadcast %mul3A_1155 : f32 to vector<16xf32>
    %mul3A_1157 = arith.mulf %mul3A_1156, %add3A_1154 : vector<16xf32>
    %div3A_1158 = arith.divf %add3A_1134, %mul3A_1157 : vector<16xf32>
    %add3A_1159 = arith.addf %mul3A_1157, %div3A_1158 : vector<16xf32>
    %mul3A_1160 = arith.constant 5.000000e-01 : f32
    %mul3A_1161 = vector.broadcast %mul3A_1160 : f32 to vector<16xf32>
    %mul3A_1162 = arith.mulf %mul3A_1161, %add3A_1159 : vector<16xf32>
    %div3A_1163 = arith.divf %add3A_1134, %mul3A_1162 : vector<16xf32>
    %add3A_1164 = arith.addf %mul3A_1162, %div3A_1163 : vector<16xf32>
    %mul3A_1165 = arith.constant 5.000000e-01 : f32
    %mul3A_1166 = vector.broadcast %mul3A_1165 : f32 to vector<16xf32>
    %mul3A_1167 = arith.mulf %mul3A_1166, %add3A_1164 : vector<16xf32>
    %jit3A_1168 = arith.constant 0.000000e+00 : f32
    %broadcast_in_dim3A_1169 = vector.broadcast %jit3A_1168 : f32 to vector<16xf32>
    %select_n3A_1170 = arith.select %and3A_1144, %mul3A_1167, %broadcast_in_dim3A_1169 : vector<16xi1>, vector<16xf32>
    %add3A_1171 = arith.addf %add3A_1082, %select_n3A_1170 : vector<16xf32>
    %jit3A_1172 = arith.constant 1.000000e+00 : f32
    %jit3A_1173 = arith.constant 0.000000e+00 : f32
    %broadcast_in_dim3A_1174 = vector.broadcast %jit3A_1172 : f32 to vector<16xf32>
    %broadcast_in_dim3A_1175 = vector.broadcast %jit3A_1173 : f32 to vector<16xf32>
    %select_n3A_1176 = arith.select %and3A_1144, %broadcast_in_dim3A_1174, %broadcast_in_dim3A_1175 : vector<16xi1>, vector<16xf32>
    %add3A_1177 = arith.addf %add3A_1088, %select_n3A_1176 : vector<16xf32>
    %broadcast_in_dim3A_1178 = arith.constant 0.000000e+00 : f32
    %broadcast_in_dim3A_1179 = vector.broadcast %broadcast_in_dim3A_1178 : f32 to vector<16xf32>
    %broadcast_in_dim3A_1180 = arith.constant 0.000000e+00 : f32
    %broadcast_in_dim3A_1181 = vector.broadcast %broadcast_in_dim3A_1180 : f32 to vector<16xf32>
    %get3A_1182 = arith.constant 144 : index
    %get3A_1183 = tpu.vector_load %arg9[%get3A_1182] {strides = array<i32>} : memref<768xf32, #tpu.memory_space<vmem>>, vector<16xf32>,
    %get3A_1184 = arith.constant 144 : index
    %get3A_1185 = tpu.vector_load %arg10[%get3A_1184] {strides = array<i32>} : memref<768xf32, #tpu.memory_space<vmem>>, vector<16xf32>,
    %sub3A_1186 = arith.subf %get3A_1183, %get3A_1185 : vector<16xf32>
    %mul3A_1187 = arith.mulf %sub3A_1186, %sub3A_1186 : vector<16xf32>
    %add3A_1188 = arith.addf %broadcast_in_dim3A_1179, %mul3A_1187 : vector<16xf32>
    %get3A_1189 = arith.constant 144 : index
    %get3A_1190 = tpu.vector_load %arg11[%get3A_1189] {strides = array<i32>} : memref<768xf32, #tpu.memory_space<vmem>>, vector<16xf32>,
    %get3A_1191 = arith.constant 144 : index
    %get3A_1192 = tpu.vector_load %arg12[%get3A_1191] {strides = array<i32>} : memref<768xf32, #tpu.memory_space<vmem>>, vector<16xf32>,
    %sub3A_1193 = arith.subf %get3A_1190, %get3A_1192 : vector<16xf32>
    %mul3A_1194 = arith.mulf %sub3A_1193, %sub3A_1193 : vector<16xf32>
    %add3A_1195 = arith.addf %broadcast_in_dim3A_1181, %mul3A_1194 : vector<16xf32>
    %get3A_1196 = arith.constant 400 : index
    %get3A_1197 = tpu.vector_load %arg9[%get3A_1196] {strides = array<i32>} : memref<768xf32, #tpu.memory_space<vmem>>, vector<16xf32>,
    %get3A_1198 = arith.constant 400 : index
    %get3A_1199 = tpu.vector_load %arg10[%get3A_1198] {strides = array<i32>} : memref<768xf32, #tpu.memory_space<vmem>>, vector<16xf32>,
    %sub3A_1200 = arith.subf %get3A_1197, %get3A_1199 : vector<16xf32>
    %mul3A_1201 = arith.mulf %sub3A_1200, %sub3A_1200 : vector<16xf32>
    %add3A_1202 = arith.addf %add3A_1188, %mul3A_1201 : vector<16xf32>
    %get3A_1203 = arith.constant 400 : index
    %get3A_1204 = tpu.vector_load %arg11[%get3A_1203] {strides = array<i32>} : memref<768xf32, #tpu.memory_space<vmem>>, vector<16xf32>,
    %get3A_1205 = arith.constant 400 : index
    %get3A_1206 = tpu.vector_load %arg12[%get3A_1205] {strides = array<i32>} : memref<768xf32, #tpu.memory_space<vmem>>, vector<16xf32>,
    %sub3A_1207 = arith.subf %get3A_1204, %get3A_1206 : vector<16xf32>
    %mul3A_1208 = arith.mulf %sub3A_1207, %sub3A_1207 : vector<16xf32>
    %add3A_1209 = arith.addf %add3A_1195, %mul3A_1208 : vector<16xf32>
    %get3A_1210 = arith.constant 656 : index
    %get3A_1211 = tpu.vector_load %arg9[%get3A_1210] {strides = array<i32>} : memref<768xf32, #tpu.memory_space<vmem>>, vector<16xf32>,
    %get3A_1212 = arith.constant 656 : index
    %get3A_1213 = tpu.vector_load %arg10[%get3A_1212] {strides = array<i32>} : memref<768xf32, #tpu.memory_space<vmem>>, vector<16xf32>,
    %sub3A_1214 = arith.subf %get3A_1211, %get3A_1213 : vector<16xf32>
    %mul3A_1215 = arith.mulf %sub3A_1214, %sub3A_1214 : vector<16xf32>
    %add3A_1216 = arith.addf %add3A_1202, %mul3A_1215 : vector<16xf32>
    %get3A_1217 = arith.constant 656 : index
    %get3A_1218 = tpu.vector_load %arg11[%get3A_1217] {strides = array<i32>} : memref<768xf32, #tpu.memory_space<vmem>>, vector<16xf32>,
    %get3A_1219 = arith.constant 656 : index
    %get3A_1220 = tpu.vector_load %arg12[%get3A_1219] {strides = array<i32>} : memref<768xf32, #tpu.memory_space<vmem>>, vector<16xf32>,
    %sub3A_1221 = arith.subf %get3A_1218, %get3A_1220 : vector<16xf32>
    %mul3A_1222 = arith.mulf %sub3A_1221, %sub3A_1221 : vector<16xf32>
    %add3A_1223 = arith.addf %add3A_1209, %mul3A_1222 : vector<16xf32>
    %lt3A_1224 = arith.constant 2.500000e-01 : f32
    %lt3A_1225 = vector.broadcast %lt3A_1224 : f32 to vector<16xf32>
    %lt3A_1226 = arith.cmpf olt, %add3A_1216, %lt3A_1225 : vector<16xf32>
    %add3A_1227 = arith.constant 144 : i32
    %add3A_1228 = vector.broadcast %add3A_1227 : i32 to vector<16xi32>
    %add3A_1229 = arith.addi %add3A_1228, %iota3A : vector<16xi32>
    %lt3A_1230 = arith.constant 250 : i32
    %lt3A_1231 = vector.broadcast %lt3A_1230 : i32 to vector<16xi32>
    %lt3A_1232 = arith.cmpi slt, %add3A_1229, %lt3A_1231 : vector<16xi32>
    %and3A_1233 = arith.andi %lt3A_1226, %lt3A_1232 : vector<16xi1>
    %bitcast3A_1234 = vector.bitcast %add3A_1223 : vector<16xf32> to vector<16xi32>
    %shift_right_arithmetic3A_1235 = arith.constant 1 : i32
    %shift_right_arithmetic3A_1236 = vector.broadcast %shift_right_arithmetic3A_1235 : i32 to vector<16xi32>
    %shift_right_arithmetic3A_1237 = arith.shrsi %bitcast3A_1234, %shift_right_arithmetic3A_1236 : vector<16xi32>
    %add3A_1238 = arith.constant 532487669 : i32
    %add3A_1239 = vector.broadcast %add3A_1238 : i32 to vector<16xi32>
    %add3A_1240 = arith.addi %shift_right_arithmetic3A_1237, %add3A_1239 : vector<16xi32>
    %bitcast3A_1241 = vector.bitcast %add3A_1240 : vector<16xi32> to vector<16xf32>
    %div3A_1242 = arith.divf %add3A_1223, %bitcast3A_1241 : vector<16xf32>
    %add3A_1243 = arith.addf %bitcast3A_1241, %div3A_1242 : vector<16xf32>
    %mul3A_1244 = arith.constant 5.000000e-01 : f32
    %mul3A_1245 = vector.broadcast %mul3A_1244 : f32 to vector<16xf32>
    %mul3A_1246 = arith.mulf %mul3A_1245, %add3A_1243 : vector<16xf32>
    %div3A_1247 = arith.divf %add3A_1223, %mul3A_1246 : vector<16xf32>
    %add3A_1248 = arith.addf %mul3A_1246, %div3A_1247 : vector<16xf32>
    %mul3A_1249 = arith.constant 5.000000e-01 : f32
    %mul3A_1250 = vector.broadcast %mul3A_1249 : f32 to vector<16xf32>
    %mul3A_1251 = arith.mulf %mul3A_1250, %add3A_1248 : vector<16xf32>
    %div3A_1252 = arith.divf %add3A_1223, %mul3A_1251 : vector<16xf32>
    %add3A_1253 = arith.addf %mul3A_1251, %div3A_1252 : vector<16xf32>
    %mul3A_1254 = arith.constant 5.000000e-01 : f32
    %mul3A_1255 = vector.broadcast %mul3A_1254 : f32 to vector<16xf32>
    %mul3A_1256 = arith.mulf %mul3A_1255, %add3A_1253 : vector<16xf32>
    %jit3A_1257 = arith.constant 0.000000e+00 : f32
    %broadcast_in_dim3A_1258 = vector.broadcast %jit3A_1257 : f32 to vector<16xf32>
    %select_n3A_1259 = arith.select %and3A_1233, %mul3A_1256, %broadcast_in_dim3A_1258 : vector<16xi1>, vector<16xf32>
    %add3A_1260 = arith.addf %add3A_1171, %select_n3A_1259 : vector<16xf32>
    %jit3A_1261 = arith.constant 1.000000e+00 : f32
    %jit3A_1262 = arith.constant 0.000000e+00 : f32
    %broadcast_in_dim3A_1263 = vector.broadcast %jit3A_1261 : f32 to vector<16xf32>
    %broadcast_in_dim3A_1264 = vector.broadcast %jit3A_1262 : f32 to vector<16xf32>
    %select_n3A_1265 = arith.select %and3A_1233, %broadcast_in_dim3A_1263, %broadcast_in_dim3A_1264 : vector<16xi1>, vector<16xf32>
    %add3A_1266 = arith.addf %add3A_1177, %select_n3A_1265 : vector<16xf32>
    %broadcast_in_dim3A_1267 = arith.constant 0.000000e+00 : f32
    %broadcast_in_dim3A_1268 = vector.broadcast %broadcast_in_dim3A_1267 : f32 to vector<16xf32>
    %broadcast_in_dim3A_1269 = arith.constant 0.000000e+00 : f32
    %broadcast_in_dim3A_1270 = vector.broadcast %broadcast_in_dim3A_1269 : f32 to vector<16xf32>
    %get3A_1271 = arith.constant 160 : index
    %get3A_1272 = tpu.vector_load %arg9[%get3A_1271] {strides = array<i32>} : memref<768xf32, #tpu.memory_space<vmem>>, vector<16xf32>,
    %get3A_1273 = arith.constant 160 : index
    %get3A_1274 = tpu.vector_load %arg10[%get3A_1273] {strides = array<i32>} : memref<768xf32, #tpu.memory_space<vmem>>, vector<16xf32>,
    %sub3A_1275 = arith.subf %get3A_1272, %get3A_1274 : vector<16xf32>
    %mul3A_1276 = arith.mulf %sub3A_1275, %sub3A_1275 : vector<16xf32>
    %add3A_1277 = arith.addf %broadcast_in_dim3A_1268, %mul3A_1276 : vector<16xf32>
    %get3A_1278 = arith.constant 160 : index
    %get3A_1279 = tpu.vector_load %arg11[%get3A_1278] {strides = array<i32>} : memref<768xf32, #tpu.memory_space<vmem>>, vector<16xf32>,
    %get3A_1280 = arith.constant 160 : index
    %get3A_1281 = tpu.vector_load %arg12[%get3A_1280] {strides = array<i32>} : memref<768xf32, #tpu.memory_space<vmem>>, vector<16xf32>,
    %sub3A_1282 = arith.subf %get3A_1279, %get3A_1281 : vector<16xf32>
    %mul3A_1283 = arith.mulf %sub3A_1282, %sub3A_1282 : vector<16xf32>
    %add3A_1284 = arith.addf %broadcast_in_dim3A_1270, %mul3A_1283 : vector<16xf32>
    %get3A_1285 = arith.constant 416 : index
    %get3A_1286 = tpu.vector_load %arg9[%get3A_1285] {strides = array<i32>} : memref<768xf32, #tpu.memory_space<vmem>>, vector<16xf32>,
    %get3A_1287 = arith.constant 416 : index
    %get3A_1288 = tpu.vector_load %arg10[%get3A_1287] {strides = array<i32>} : memref<768xf32, #tpu.memory_space<vmem>>, vector<16xf32>,
    %sub3A_1289 = arith.subf %get3A_1286, %get3A_1288 : vector<16xf32>
    %mul3A_1290 = arith.mulf %sub3A_1289, %sub3A_1289 : vector<16xf32>
    %add3A_1291 = arith.addf %add3A_1277, %mul3A_1290 : vector<16xf32>
    %get3A_1292 = arith.constant 416 : index
    %get3A_1293 = tpu.vector_load %arg11[%get3A_1292] {strides = array<i32>} : memref<768xf32, #tpu.memory_space<vmem>>, vector<16xf32>,
    %get3A_1294 = arith.constant 416 : index
    %get3A_1295 = tpu.vector_load %arg12[%get3A_1294] {strides = array<i32>} : memref<768xf32, #tpu.memory_space<vmem>>, vector<16xf32>,
    %sub3A_1296 = arith.subf %get3A_1293, %get3A_1295 : vector<16xf32>
    %mul3A_1297 = arith.mulf %sub3A_1296, %sub3A_1296 : vector<16xf32>
    %add3A_1298 = arith.addf %add3A_1284, %mul3A_1297 : vector<16xf32>
    %get3A_1299 = arith.constant 672 : index
    %get3A_1300 = tpu.vector_load %arg9[%get3A_1299] {strides = array<i32>} : memref<768xf32, #tpu.memory_space<vmem>>, vector<16xf32>,
    %get3A_1301 = arith.constant 672 : index
    %get3A_1302 = tpu.vector_load %arg10[%get3A_1301] {strides = array<i32>} : memref<768xf32, #tpu.memory_space<vmem>>, vector<16xf32>,
    %sub3A_1303 = arith.subf %get3A_1300, %get3A_1302 : vector<16xf32>
    %mul3A_1304 = arith.mulf %sub3A_1303, %sub3A_1303 : vector<16xf32>
    %add3A_1305 = arith.addf %add3A_1291, %mul3A_1304 : vector<16xf32>
    %get3A_1306 = arith.constant 672 : index
    %get3A_1307 = tpu.vector_load %arg11[%get3A_1306] {strides = array<i32>} : memref<768xf32, #tpu.memory_space<vmem>>, vector<16xf32>,
    %get3A_1308 = arith.constant 672 : index
    %get3A_1309 = tpu.vector_load %arg12[%get3A_1308] {strides = array<i32>} : memref<768xf32, #tpu.memory_space<vmem>>, vector<16xf32>,
    %sub3A_1310 = arith.subf %get3A_1307, %get3A_1309 : vector<16xf32>
    %mul3A_1311 = arith.mulf %sub3A_1310, %sub3A_1310 : vector<16xf32>
    %add3A_1312 = arith.addf %add3A_1298, %mul3A_1311 : vector<16xf32>
    %lt3A_1313 = arith.constant 2.500000e-01 : f32
    %lt3A_1314 = vector.broadcast %lt3A_1313 : f32 to vector<16xf32>
    %lt3A_1315 = arith.cmpf olt, %add3A_1305, %lt3A_1314 : vector<16xf32>
    %add3A_1316 = arith.constant 160 : i32
    %add3A_1317 = vector.broadcast %add3A_1316 : i32 to vector<16xi32>
    %add3A_1318 = arith.addi %add3A_1317, %iota3A : vector<16xi32>
    %lt3A_1319 = arith.constant 250 : i32
    %lt3A_1320 = vector.broadcast %lt3A_1319 : i32 to vector<16xi32>
    %lt3A_1321 = arith.cmpi slt, %add3A_1318, %lt3A_1320 : vector<16xi32>
    %and3A_1322 = arith.andi %lt3A_1315, %lt3A_1321 : vector<16xi1>
    %bitcast3A_1323 = vector.bitcast %add3A_1312 : vector<16xf32> to vector<16xi32>
    %shift_right_arithmetic3A_1324 = arith.constant 1 : i32
    %shift_right_arithmetic3A_1325 = vector.broadcast %shift_right_arithmetic3A_1324 : i32 to vector<16xi32>
    %shift_right_arithmetic3A_1326 = arith.shrsi %bitcast3A_1323, %shift_right_arithmetic3A_1325 : vector<16xi32>
    %add3A_1327 = arith.constant 532487669 : i32
    %add3A_1328 = vector.broadcast %add3A_1327 : i32 to vector<16xi32>
    %add3A_1329 = arith.addi %shift_right_arithmetic3A_1326, %add3A_1328 : vector<16xi32>
    %bitcast3A_1330 = vector.bitcast %add3A_1329 : vector<16xi32> to vector<16xf32>
    %div3A_1331 = arith.divf %add3A_1312, %bitcast3A_1330 : vector<16xf32>
    %add3A_1332 = arith.addf %bitcast3A_1330, %div3A_1331 : vector<16xf32>
    %mul3A_1333 = arith.constant 5.000000e-01 : f32
    %mul3A_1334 = vector.broadcast %mul3A_1333 : f32 to vector<16xf32>
    %mul3A_1335 = arith.mulf %mul3A_1334, %add3A_1332 : vector<16xf32>
    %div3A_1336 = arith.divf %add3A_1312, %mul3A_1335 : vector<16xf32>
    %add3A_1337 = arith.addf %mul3A_1335, %div3A_1336 : vector<16xf32>
    %mul3A_1338 = arith.constant 5.000000e-01 : f32
    %mul3A_1339 = vector.broadcast %mul3A_1338 : f32 to vector<16xf32>
    %mul3A_1340 = arith.mulf %mul3A_1339, %add3A_1337 : vector<16xf32>
    %div3A_1341 = arith.divf %add3A_1312, %mul3A_1340 : vector<16xf32>
    %add3A_1342 = arith.addf %mul3A_1340, %div3A_1341 : vector<16xf32>
    %mul3A_1343 = arith.constant 5.000000e-01 : f32
    %mul3A_1344 = vector.broadcast %mul3A_1343 : f32 to vector<16xf32>
    %mul3A_1345 = arith.mulf %mul3A_1344, %add3A_1342 : vector<16xf32>
    %jit3A_1346 = arith.constant 0.000000e+00 : f32
    %broadcast_in_dim3A_1347 = vector.broadcast %jit3A_1346 : f32 to vector<16xf32>
    %select_n3A_1348 = arith.select %and3A_1322, %mul3A_1345, %broadcast_in_dim3A_1347 : vector<16xi1>, vector<16xf32>
    %add3A_1349 = arith.addf %add3A_1260, %select_n3A_1348 : vector<16xf32>
    %jit3A_1350 = arith.constant 1.000000e+00 : f32
    %jit3A_1351 = arith.constant 0.000000e+00 : f32
    %broadcast_in_dim3A_1352 = vector.broadcast %jit3A_1350 : f32 to vector<16xf32>
    %broadcast_in_dim3A_1353 = vector.broadcast %jit3A_1351 : f32 to vector<16xf32>
    %select_n3A_1354 = arith.select %and3A_1322, %broadcast_in_dim3A_1352, %broadcast_in_dim3A_1353 : vector<16xi1>, vector<16xf32>
    %add3A_1355 = arith.addf %add3A_1266, %select_n3A_1354 : vector<16xf32>
    %broadcast_in_dim3A_1356 = arith.constant 0.000000e+00 : f32
    %broadcast_in_dim3A_1357 = vector.broadcast %broadcast_in_dim3A_1356 : f32 to vector<16xf32>
    %broadcast_in_dim3A_1358 = arith.constant 0.000000e+00 : f32
    %broadcast_in_dim3A_1359 = vector.broadcast %broadcast_in_dim3A_1358 : f32 to vector<16xf32>
    %get3A_1360 = arith.constant 176 : index
    %get3A_1361 = tpu.vector_load %arg9[%get3A_1360] {strides = array<i32>} : memref<768xf32, #tpu.memory_space<vmem>>, vector<16xf32>,
    %get3A_1362 = arith.constant 176 : index
    %get3A_1363 = tpu.vector_load %arg10[%get3A_1362] {strides = array<i32>} : memref<768xf32, #tpu.memory_space<vmem>>, vector<16xf32>,
    %sub3A_1364 = arith.subf %get3A_1361, %get3A_1363 : vector<16xf32>
    %mul3A_1365 = arith.mulf %sub3A_1364, %sub3A_1364 : vector<16xf32>
    %add3A_1366 = arith.addf %broadcast_in_dim3A_1357, %mul3A_1365 : vector<16xf32>
    %get3A_1367 = arith.constant 176 : index
    %get3A_1368 = tpu.vector_load %arg11[%get3A_1367] {strides = array<i32>} : memref<768xf32, #tpu.memory_space<vmem>>, vector<16xf32>,
    %get3A_1369 = arith.constant 176 : index
    %get3A_1370 = tpu.vector_load %arg12[%get3A_1369] {strides = array<i32>} : memref<768xf32, #tpu.memory_space<vmem>>, vector<16xf32>,
    %sub3A_1371 = arith.subf %get3A_1368, %get3A_1370 : vector<16xf32>
    %mul3A_1372 = arith.mulf %sub3A_1371, %sub3A_1371 : vector<16xf32>
    %add3A_1373 = arith.addf %broadcast_in_dim3A_1359, %mul3A_1372 : vector<16xf32>
    %get3A_1374 = arith.constant 432 : index
    %get3A_1375 = tpu.vector_load %arg9[%get3A_1374] {strides = array<i32>} : memref<768xf32, #tpu.memory_space<vmem>>, vector<16xf32>,
    %get3A_1376 = arith.constant 432 : index
    %get3A_1377 = tpu.vector_load %arg10[%get3A_1376] {strides = array<i32>} : memref<768xf32, #tpu.memory_space<vmem>>, vector<16xf32>,
    %sub3A_1378 = arith.subf %get3A_1375, %get3A_1377 : vector<16xf32>
    %mul3A_1379 = arith.mulf %sub3A_1378, %sub3A_1378 : vector<16xf32>
    %add3A_1380 = arith.addf %add3A_1366, %mul3A_1379 : vector<16xf32>
    %get3A_1381 = arith.constant 432 : index
    %get3A_1382 = tpu.vector_load %arg11[%get3A_1381] {strides = array<i32>} : memref<768xf32, #tpu.memory_space<vmem>>, vector<16xf32>,
    %get3A_1383 = arith.constant 432 : index
    %get3A_1384 = tpu.vector_load %arg12[%get3A_1383] {strides = array<i32>} : memref<768xf32, #tpu.memory_space<vmem>>, vector<16xf32>,
    %sub3A_1385 = arith.subf %get3A_1382, %get3A_1384 : vector<16xf32>
    %mul3A_1386 = arith.mulf %sub3A_1385, %sub3A_1385 : vector<16xf32>
    %add3A_1387 = arith.addf %add3A_1373, %mul3A_1386 : vector<16xf32>
    %get3A_1388 = arith.constant 688 : index
    %get3A_1389 = tpu.vector_load %arg9[%get3A_1388] {strides = array<i32>} : memref<768xf32, #tpu.memory_space<vmem>>, vector<16xf32>,
    %get3A_1390 = arith.constant 688 : index
    %get3A_1391 = tpu.vector_load %arg10[%get3A_1390] {strides = array<i32>} : memref<768xf32, #tpu.memory_space<vmem>>, vector<16xf32>,
    %sub3A_1392 = arith.subf %get3A_1389, %get3A_1391 : vector<16xf32>
    %mul3A_1393 = arith.mulf %sub3A_1392, %sub3A_1392 : vector<16xf32>
    %add3A_1394 = arith.addf %add3A_1380, %mul3A_1393 : vector<16xf32>
    %get3A_1395 = arith.constant 688 : index
    %get3A_1396 = tpu.vector_load %arg11[%get3A_1395] {strides = array<i32>} : memref<768xf32, #tpu.memory_space<vmem>>, vector<16xf32>,
    %get3A_1397 = arith.constant 688 : index
    %get3A_1398 = tpu.vector_load %arg12[%get3A_1397] {strides = array<i32>} : memref<768xf32, #tpu.memory_space<vmem>>, vector<16xf32>,
    %sub3A_1399 = arith.subf %get3A_1396, %get3A_1398 : vector<16xf32>
    %mul3A_1400 = arith.mulf %sub3A_1399, %sub3A_1399 : vector<16xf32>
    %add3A_1401 = arith.addf %add3A_1387, %mul3A_1400 : vector<16xf32>
    %lt3A_1402 = arith.constant 2.500000e-01 : f32
    %lt3A_1403 = vector.broadcast %lt3A_1402 : f32 to vector<16xf32>
    %lt3A_1404 = arith.cmpf olt, %add3A_1394, %lt3A_1403 : vector<16xf32>
    %add3A_1405 = arith.constant 176 : i32
    %add3A_1406 = vector.broadcast %add3A_1405 : i32 to vector<16xi32>
    %add3A_1407 = arith.addi %add3A_1406, %iota3A : vector<16xi32>
    %lt3A_1408 = arith.constant 250 : i32
    %lt3A_1409 = vector.broadcast %lt3A_1408 : i32 to vector<16xi32>
    %lt3A_1410 = arith.cmpi slt, %add3A_1407, %lt3A_1409 : vector<16xi32>
    %and3A_1411 = arith.andi %lt3A_1404, %lt3A_1410 : vector<16xi1>
    %bitcast3A_1412 = vector.bitcast %add3A_1401 : vector<16xf32> to vector<16xi32>
    %shift_right_arithmetic3A_1413 = arith.constant 1 : i32
    %shift_right_arithmetic3A_1414 = vector.broadcast %shift_right_arithmetic3A_1413 : i32 to vector<16xi32>
    %shift_right_arithmetic3A_1415 = arith.shrsi %bitcast3A_1412, %shift_right_arithmetic3A_1414 : vector<16xi32>
    %add3A_1416 = arith.constant 532487669 : i32
    %add3A_1417 = vector.broadcast %add3A_1416 : i32 to vector<16xi32>
    %add3A_1418 = arith.addi %shift_right_arithmetic3A_1415, %add3A_1417 : vector<16xi32>
    %bitcast3A_1419 = vector.bitcast %add3A_1418 : vector<16xi32> to vector<16xf32>
    %div3A_1420 = arith.divf %add3A_1401, %bitcast3A_1419 : vector<16xf32>
    %add3A_1421 = arith.addf %bitcast3A_1419, %div3A_1420 : vector<16xf32>
    %mul3A_1422 = arith.constant 5.000000e-01 : f32
    %mul3A_1423 = vector.broadcast %mul3A_1422 : f32 to vector<16xf32>
    %mul3A_1424 = arith.mulf %mul3A_1423, %add3A_1421 : vector<16xf32>
    %div3A_1425 = arith.divf %add3A_1401, %mul3A_1424 : vector<16xf32>
    %add3A_1426 = arith.addf %mul3A_1424, %div3A_1425 : vector<16xf32>
    %mul3A_1427 = arith.constant 5.000000e-01 : f32
    %mul3A_1428 = vector.broadcast %mul3A_1427 : f32 to vector<16xf32>
    %mul3A_1429 = arith.mulf %mul3A_1428, %add3A_1426 : vector<16xf32>
    %div3A_1430 = arith.divf %add3A_1401, %mul3A_1429 : vector<16xf32>
    %add3A_1431 = arith.addf %mul3A_1429, %div3A_1430 : vector<16xf32>
    %mul3A_1432 = arith.constant 5.000000e-01 : f32
    %mul3A_1433 = vector.broadcast %mul3A_1432 : f32 to vector<16xf32>
    %mul3A_1434 = arith.mulf %mul3A_1433, %add3A_1431 : vector<16xf32>
    %jit3A_1435 = arith.constant 0.000000e+00 : f32
    %broadcast_in_dim3A_1436 = vector.broadcast %jit3A_1435 : f32 to vector<16xf32>
    %select_n3A_1437 = arith.select %and3A_1411, %mul3A_1434, %broadcast_in_dim3A_1436 : vector<16xi1>, vector<16xf32>
    %add3A_1438 = arith.addf %add3A_1349, %select_n3A_1437 : vector<16xf32>
    %jit3A_1439 = arith.constant 1.000000e+00 : f32
    %jit3A_1440 = arith.constant 0.000000e+00 : f32
    %broadcast_in_dim3A_1441 = vector.broadcast %jit3A_1439 : f32 to vector<16xf32>
    %broadcast_in_dim3A_1442 = vector.broadcast %jit3A_1440 : f32 to vector<16xf32>
    %select_n3A_1443 = arith.select %and3A_1411, %broadcast_in_dim3A_1441, %broadcast_in_dim3A_1442 : vector<16xi1>, vector<16xf32>
    %add3A_1444 = arith.addf %add3A_1355, %select_n3A_1443 : vector<16xf32>
    %broadcast_in_dim3A_1445 = arith.constant 0.000000e+00 : f32
    %broadcast_in_dim3A_1446 = vector.broadcast %broadcast_in_dim3A_1445 : f32 to vector<16xf32>
    %broadcast_in_dim3A_1447 = arith.constant 0.000000e+00 : f32
    %broadcast_in_dim3A_1448 = vector.broadcast %broadcast_in_dim3A_1447 : f32 to vector<16xf32>
    %get3A_1449 = arith.constant 192 : index
    %get3A_1450 = tpu.vector_load %arg9[%get3A_1449] {strides = array<i32>} : memref<768xf32, #tpu.memory_space<vmem>>, vector<16xf32>,
    %get3A_1451 = arith.constant 192 : index
    %get3A_1452 = tpu.vector_load %arg10[%get3A_1451] {strides = array<i32>} : memref<768xf32, #tpu.memory_space<vmem>>, vector<16xf32>,
    %sub3A_1453 = arith.subf %get3A_1450, %get3A_1452 : vector<16xf32>
    %mul3A_1454 = arith.mulf %sub3A_1453, %sub3A_1453 : vector<16xf32>
    %add3A_1455 = arith.addf %broadcast_in_dim3A_1446, %mul3A_1454 : vector<16xf32>
    %get3A_1456 = arith.constant 192 : index
    %get3A_1457 = tpu.vector_load %arg11[%get3A_1456] {strides = array<i32>} : memref<768xf32, #tpu.memory_space<vmem>>, vector<16xf32>,
    %get3A_1458 = arith.constant 192 : index
    %get3A_1459 = tpu.vector_load %arg12[%get3A_1458] {strides = array<i32>} : memref<768xf32, #tpu.memory_space<vmem>>, vector<16xf32>,
    %sub3A_1460 = arith.subf %get3A_1457, %get3A_1459 : vector<16xf32>
    %mul3A_1461 = arith.mulf %sub3A_1460, %sub3A_1460 : vector<16xf32>
    %add3A_1462 = arith.addf %broadcast_in_dim3A_1448, %mul3A_1461 : vector<16xf32>
    %get3A_1463 = arith.constant 448 : index
    %get3A_1464 = tpu.vector_load %arg9[%get3A_1463] {strides = array<i32>} : memref<768xf32, #tpu.memory_space<vmem>>, vector<16xf32>,
    %get3A_1465 = arith.constant 448 : index
    %get3A_1466 = tpu.vector_load %arg10[%get3A_1465] {strides = array<i32>} : memref<768xf32, #tpu.memory_space<vmem>>, vector<16xf32>,
    %sub3A_1467 = arith.subf %get3A_1464, %get3A_1466 : vector<16xf32>
    %mul3A_1468 = arith.mulf %sub3A_1467, %sub3A_1467 : vector<16xf32>
    %add3A_1469 = arith.addf %add3A_1455, %mul3A_1468 : vector<16xf32>
    %get3A_1470 = arith.constant 448 : index
    %get3A_1471 = tpu.vector_load %arg11[%get3A_1470] {strides = array<i32>} : memref<768xf32, #tpu.memory_space<vmem>>, vector<16xf32>,
    %get3A_1472 = arith.constant 448 : index
    %get3A_1473 = tpu.vector_load %arg12[%get3A_1472] {strides = array<i32>} : memref<768xf32, #tpu.memory_space<vmem>>, vector<16xf32>,
    %sub3A_1474 = arith.subf %get3A_1471, %get3A_1473 : vector<16xf32>
    %mul3A_1475 = arith.mulf %sub3A_1474, %sub3A_1474 : vector<16xf32>
    %add3A_1476 = arith.addf %add3A_1462, %mul3A_1475 : vector<16xf32>
    %get3A_1477 = arith.constant 704 : index
    %get3A_1478 = tpu.vector_load %arg9[%get3A_1477] {strides = array<i32>} : memref<768xf32, #tpu.memory_space<vmem>>, vector<16xf32>,
    %get3A_1479 = arith.constant 704 : index
    %get3A_1480 = tpu.vector_load %arg10[%get3A_1479] {strides = array<i32>} : memref<768xf32, #tpu.memory_space<vmem>>, vector<16xf32>,
    %sub3A_1481 = arith.subf %get3A_1478, %get3A_1480 : vector<16xf32>
    %mul3A_1482 = arith.mulf %sub3A_1481, %sub3A_1481 : vector<16xf32>
    %add3A_1483 = arith.addf %add3A_1469, %mul3A_1482 : vector<16xf32>
    %get3A_1484 = arith.constant 704 : index
    %get3A_1485 = tpu.vector_load %arg11[%get3A_1484] {strides = array<i32>} : memref<768xf32, #tpu.memory_space<vmem>>, vector<16xf32>,
    %get3A_1486 = arith.constant 704 : index
    %get3A_1487 = tpu.vector_load %arg12[%get3A_1486] {strides = array<i32>} : memref<768xf32, #tpu.memory_space<vmem>>, vector<16xf32>,
    %sub3A_1488 = arith.subf %get3A_1485, %get3A_1487 : vector<16xf32>
    %mul3A_1489 = arith.mulf %sub3A_1488, %sub3A_1488 : vector<16xf32>
    %add3A_1490 = arith.addf %add3A_1476, %mul3A_1489 : vector<16xf32>
    %lt3A_1491 = arith.constant 2.500000e-01 : f32
    %lt3A_1492 = vector.broadcast %lt3A_1491 : f32 to vector<16xf32>
    %lt3A_1493 = arith.cmpf olt, %add3A_1483, %lt3A_1492 : vector<16xf32>
    %add3A_1494 = arith.constant 192 : i32
    %add3A_1495 = vector.broadcast %add3A_1494 : i32 to vector<16xi32>
    %add3A_1496 = arith.addi %add3A_1495, %iota3A : vector<16xi32>
    %lt3A_1497 = arith.constant 250 : i32
    %lt3A_1498 = vector.broadcast %lt3A_1497 : i32 to vector<16xi32>
    %lt3A_1499 = arith.cmpi slt, %add3A_1496, %lt3A_1498 : vector<16xi32>
    %and3A_1500 = arith.andi %lt3A_1493, %lt3A_1499 : vector<16xi1>
    %bitcast3A_1501 = vector.bitcast %add3A_1490 : vector<16xf32> to vector<16xi32>
    %shift_right_arithmetic3A_1502 = arith.constant 1 : i32
    %shift_right_arithmetic3A_1503 = vector.broadcast %shift_right_arithmetic3A_1502 : i32 to vector<16xi32>
    %shift_right_arithmetic3A_1504 = arith.shrsi %bitcast3A_1501, %shift_right_arithmetic3A_1503 : vector<16xi32>
    %add3A_1505 = arith.constant 532487669 : i32
    %add3A_1506 = vector.broadcast %add3A_1505 : i32 to vector<16xi32>
    %add3A_1507 = arith.addi %shift_right_arithmetic3A_1504, %add3A_1506 : vector<16xi32>
    %bitcast3A_1508 = vector.bitcast %add3A_1507 : vector<16xi32> to vector<16xf32>
    %div3A_1509 = arith.divf %add3A_1490, %bitcast3A_1508 : vector<16xf32>
    %add3A_1510 = arith.addf %bitcast3A_1508, %div3A_1509 : vector<16xf32>
    %mul3A_1511 = arith.constant 5.000000e-01 : f32
    %mul3A_1512 = vector.broadcast %mul3A_1511 : f32 to vector<16xf32>
    %mul3A_1513 = arith.mulf %mul3A_1512, %add3A_1510 : vector<16xf32>
    %div3A_1514 = arith.divf %add3A_1490, %mul3A_1513 : vector<16xf32>
    %add3A_1515 = arith.addf %mul3A_1513, %div3A_1514 : vector<16xf32>
    %mul3A_1516 = arith.constant 5.000000e-01 : f32
    %mul3A_1517 = vector.broadcast %mul3A_1516 : f32 to vector<16xf32>
    %mul3A_1518 = arith.mulf %mul3A_1517, %add3A_1515 : vector<16xf32>
    %div3A_1519 = arith.divf %add3A_1490, %mul3A_1518 : vector<16xf32>
    %add3A_1520 = arith.addf %mul3A_1518, %div3A_1519 : vector<16xf32>
    %mul3A_1521 = arith.constant 5.000000e-01 : f32
    %mul3A_1522 = vector.broadcast %mul3A_1521 : f32 to vector<16xf32>
    %mul3A_1523 = arith.mulf %mul3A_1522, %add3A_1520 : vector<16xf32>
    %jit3A_1524 = arith.constant 0.000000e+00 : f32
    %broadcast_in_dim3A_1525 = vector.broadcast %jit3A_1524 : f32 to vector<16xf32>
    %select_n3A_1526 = arith.select %and3A_1500, %mul3A_1523, %broadcast_in_dim3A_1525 : vector<16xi1>, vector<16xf32>
    %add3A_1527 = arith.addf %add3A_1438, %select_n3A_1526 : vector<16xf32>
    %jit3A_1528 = arith.constant 1.000000e+00 : f32
    %jit3A_1529 = arith.constant 0.000000e+00 : f32
    %broadcast_in_dim3A_1530 = vector.broadcast %jit3A_1528 : f32 to vector<16xf32>
    %broadcast_in_dim3A_1531 = vector.broadcast %jit3A_1529 : f32 to vector<16xf32>
    %select_n3A_1532 = arith.select %and3A_1500, %broadcast_in_dim3A_1530, %broadcast_in_dim3A_1531 : vector<16xi1>, vector<16xf32>
    %add3A_1533 = arith.addf %add3A_1444, %select_n3A_1532 : vector<16xf32>
    %broadcast_in_dim3A_1534 = arith.constant 0.000000e+00 : f32
    %broadcast_in_dim3A_1535 = vector.broadcast %broadcast_in_dim3A_1534 : f32 to vector<16xf32>
    %broadcast_in_dim3A_1536 = arith.constant 0.000000e+00 : f32
    %broadcast_in_dim3A_1537 = vector.broadcast %broadcast_in_dim3A_1536 : f32 to vector<16xf32>
    %get3A_1538 = arith.constant 208 : index
    %get3A_1539 = tpu.vector_load %arg9[%get3A_1538] {strides = array<i32>} : memref<768xf32, #tpu.memory_space<vmem>>, vector<16xf32>,
    %get3A_1540 = arith.constant 208 : index
    %get3A_1541 = tpu.vector_load %arg10[%get3A_1540] {strides = array<i32>} : memref<768xf32, #tpu.memory_space<vmem>>, vector<16xf32>,
    %sub3A_1542 = arith.subf %get3A_1539, %get3A_1541 : vector<16xf32>
    %mul3A_1543 = arith.mulf %sub3A_1542, %sub3A_1542 : vector<16xf32>
    %add3A_1544 = arith.addf %broadcast_in_dim3A_1535, %mul3A_1543 : vector<16xf32>
    %get3A_1545 = arith.constant 208 : index
    %get3A_1546 = tpu.vector_load %arg11[%get3A_1545] {strides = array<i32>} : memref<768xf32, #tpu.memory_space<vmem>>, vector<16xf32>,
    %get3A_1547 = arith.constant 208 : index
    %get3A_1548 = tpu.vector_load %arg12[%get3A_1547] {strides = array<i32>} : memref<768xf32, #tpu.memory_space<vmem>>, vector<16xf32>,
    %sub3A_1549 = arith.subf %get3A_1546, %get3A_1548 : vector<16xf32>
    %mul3A_1550 = arith.mulf %sub3A_1549, %sub3A_1549 : vector<16xf32>
    %add3A_1551 = arith.addf %broadcast_in_dim3A_1537, %mul3A_1550 : vector<16xf32>
    %get3A_1552 = arith.constant 464 : index
    %get3A_1553 = tpu.vector_load %arg9[%get3A_1552] {strides = array<i32>} : memref<768xf32, #tpu.memory_space<vmem>>, vector<16xf32>,
    %get3A_1554 = arith.constant 464 : index
    %get3A_1555 = tpu.vector_load %arg10[%get3A_1554] {strides = array<i32>} : memref<768xf32, #tpu.memory_space<vmem>>, vector<16xf32>,
    %sub3A_1556 = arith.subf %get3A_1553, %get3A_1555 : vector<16xf32>
    %mul3A_1557 = arith.mulf %sub3A_1556, %sub3A_1556 : vector<16xf32>
    %add3A_1558 = arith.addf %add3A_1544, %mul3A_1557 : vector<16xf32>
    %get3A_1559 = arith.constant 464 : index
    %get3A_1560 = tpu.vector_load %arg11[%get3A_1559] {strides = array<i32>} : memref<768xf32, #tpu.memory_space<vmem>>, vector<16xf32>,
    %get3A_1561 = arith.constant 464 : index
    %get3A_1562 = tpu.vector_load %arg12[%get3A_1561] {strides = array<i32>} : memref<768xf32, #tpu.memory_space<vmem>>, vector<16xf32>,
    %sub3A_1563 = arith.subf %get3A_1560, %get3A_1562 : vector<16xf32>
    %mul3A_1564 = arith.mulf %sub3A_1563, %sub3A_1563 : vector<16xf32>
    %add3A_1565 = arith.addf %add3A_1551, %mul3A_1564 : vector<16xf32>
    %get3A_1566 = arith.constant 720 : index
    %get3A_1567 = tpu.vector_load %arg9[%get3A_1566] {strides = array<i32>} : memref<768xf32, #tpu.memory_space<vmem>>, vector<16xf32>,
    %get3A_1568 = arith.constant 720 : index
    %get3A_1569 = tpu.vector_load %arg10[%get3A_1568] {strides = array<i32>} : memref<768xf32, #tpu.memory_space<vmem>>, vector<16xf32>,
    %sub3A_1570 = arith.subf %get3A_1567, %get3A_1569 : vector<16xf32>
    %mul3A_1571 = arith.mulf %sub3A_1570, %sub3A_1570 : vector<16xf32>
    %add3A_1572 = arith.addf %add3A_1558, %mul3A_1571 : vector<16xf32>
    %get3A_1573 = arith.constant 720 : index
    %get3A_1574 = tpu.vector_load %arg11[%get3A_1573] {strides = array<i32>} : memref<768xf32, #tpu.memory_space<vmem>>, vector<16xf32>,
    %get3A_1575 = arith.constant 720 : index
    %get3A_1576 = tpu.vector_load %arg12[%get3A_1575] {strides = array<i32>} : memref<768xf32, #tpu.memory_space<vmem>>, vector<16xf32>,
    %sub3A_1577 = arith.subf %get3A_1574, %get3A_1576 : vector<16xf32>
    %mul3A_1578 = arith.mulf %sub3A_1577, %sub3A_1577 : vector<16xf32>
    %add3A_1579 = arith.addf %add3A_1565, %mul3A_1578 : vector<16xf32>
    %lt3A_1580 = arith.constant 2.500000e-01 : f32
    %lt3A_1581 = vector.broadcast %lt3A_1580 : f32 to vector<16xf32>
    %lt3A_1582 = arith.cmpf olt, %add3A_1572, %lt3A_1581 : vector<16xf32>
    %add3A_1583 = arith.constant 208 : i32
    %add3A_1584 = vector.broadcast %add3A_1583 : i32 to vector<16xi32>
    %add3A_1585 = arith.addi %add3A_1584, %iota3A : vector<16xi32>
    %lt3A_1586 = arith.constant 250 : i32
    %lt3A_1587 = vector.broadcast %lt3A_1586 : i32 to vector<16xi32>
    %lt3A_1588 = arith.cmpi slt, %add3A_1585, %lt3A_1587 : vector<16xi32>
    %and3A_1589 = arith.andi %lt3A_1582, %lt3A_1588 : vector<16xi1>
    %bitcast3A_1590 = vector.bitcast %add3A_1579 : vector<16xf32> to vector<16xi32>
    %shift_right_arithmetic3A_1591 = arith.constant 1 : i32
    %shift_right_arithmetic3A_1592 = vector.broadcast %shift_right_arithmetic3A_1591 : i32 to vector<16xi32>
    %shift_right_arithmetic3A_1593 = arith.shrsi %bitcast3A_1590, %shift_right_arithmetic3A_1592 : vector<16xi32>
    %add3A_1594 = arith.constant 532487669 : i32
    %add3A_1595 = vector.broadcast %add3A_1594 : i32 to vector<16xi32>
    %add3A_1596 = arith.addi %shift_right_arithmetic3A_1593, %add3A_1595 : vector<16xi32>
    %bitcast3A_1597 = vector.bitcast %add3A_1596 : vector<16xi32> to vector<16xf32>
    %div3A_1598 = arith.divf %add3A_1579, %bitcast3A_1597 : vector<16xf32>
    %add3A_1599 = arith.addf %bitcast3A_1597, %div3A_1598 : vector<16xf32>
    %mul3A_1600 = arith.constant 5.000000e-01 : f32
    %mul3A_1601 = vector.broadcast %mul3A_1600 : f32 to vector<16xf32>
    %mul3A_1602 = arith.mulf %mul3A_1601, %add3A_1599 : vector<16xf32>
    %div3A_1603 = arith.divf %add3A_1579, %mul3A_1602 : vector<16xf32>
    %add3A_1604 = arith.addf %mul3A_1602, %div3A_1603 : vector<16xf32>
    %mul3A_1605 = arith.constant 5.000000e-01 : f32
    %mul3A_1606 = vector.broadcast %mul3A_1605 : f32 to vector<16xf32>
    %mul3A_1607 = arith.mulf %mul3A_1606, %add3A_1604 : vector<16xf32>
    %div3A_1608 = arith.divf %add3A_1579, %mul3A_1607 : vector<16xf32>
    %add3A_1609 = arith.addf %mul3A_1607, %div3A_1608 : vector<16xf32>
    %mul3A_1610 = arith.constant 5.000000e-01 : f32
    %mul3A_1611 = vector.broadcast %mul3A_1610 : f32 to vector<16xf32>
    %mul3A_1612 = arith.mulf %mul3A_1611, %add3A_1609 : vector<16xf32>
    %jit3A_1613 = arith.constant 0.000000e+00 : f32
    %broadcast_in_dim3A_1614 = vector.broadcast %jit3A_1613 : f32 to vector<16xf32>
    %select_n3A_1615 = arith.select %and3A_1589, %mul3A_1612, %broadcast_in_dim3A_1614 : vector<16xi1>, vector<16xf32>
    %add3A_1616 = arith.addf %add3A_1527, %select_n3A_1615 : vector<16xf32>
    %jit3A_1617 = arith.constant 1.000000e+00 : f32
    %jit3A_1618 = arith.constant 0.000000e+00 : f32
    %broadcast_in_dim3A_1619 = vector.broadcast %jit3A_1617 : f32 to vector<16xf32>
    %broadcast_in_dim3A_1620 = vector.broadcast %jit3A_1618 : f32 to vector<16xf32>
    %select_n3A_1621 = arith.select %and3A_1589, %broadcast_in_dim3A_1619, %broadcast_in_dim3A_1620 : vector<16xi1>, vector<16xf32>
    %add3A_1622 = arith.addf %add3A_1533, %select_n3A_1621 : vector<16xf32>
    %broadcast_in_dim3A_1623 = arith.constant 0.000000e+00 : f32
    %broadcast_in_dim3A_1624 = vector.broadcast %broadcast_in_dim3A_1623 : f32 to vector<16xf32>
    %broadcast_in_dim3A_1625 = arith.constant 0.000000e+00 : f32
    %broadcast_in_dim3A_1626 = vector.broadcast %broadcast_in_dim3A_1625 : f32 to vector<16xf32>
    %get3A_1627 = arith.constant 224 : index
    %get3A_1628 = tpu.vector_load %arg9[%get3A_1627] {strides = array<i32>} : memref<768xf32, #tpu.memory_space<vmem>>, vector<16xf32>,
    %get3A_1629 = arith.constant 224 : index
    %get3A_1630 = tpu.vector_load %arg10[%get3A_1629] {strides = array<i32>} : memref<768xf32, #tpu.memory_space<vmem>>, vector<16xf32>,
    %sub3A_1631 = arith.subf %get3A_1628, %get3A_1630 : vector<16xf32>
    %mul3A_1632 = arith.mulf %sub3A_1631, %sub3A_1631 : vector<16xf32>
    %add3A_1633 = arith.addf %broadcast_in_dim3A_1624, %mul3A_1632 : vector<16xf32>
    %get3A_1634 = arith.constant 224 : index
    %get3A_1635 = tpu.vector_load %arg11[%get3A_1634] {strides = array<i32>} : memref<768xf32, #tpu.memory_space<vmem>>, vector<16xf32>,
    %get3A_1636 = arith.constant 224 : index
    %get3A_1637 = tpu.vector_load %arg12[%get3A_1636] {strides = array<i32>} : memref<768xf32, #tpu.memory_space<vmem>>, vector<16xf32>,
    %sub3A_1638 = arith.subf %get3A_1635, %get3A_1637 : vector<16xf32>
    %mul3A_1639 = arith.mulf %sub3A_1638, %sub3A_1638 : vector<16xf32>
    %add3A_1640 = arith.addf %broadcast_in_dim3A_1626, %mul3A_1639 : vector<16xf32>
    %get3A_1641 = arith.constant 480 : index
    %get3A_1642 = tpu.vector_load %arg9[%get3A_1641] {strides = array<i32>} : memref<768xf32, #tpu.memory_space<vmem>>, vector<16xf32>,
    %get3A_1643 = arith.constant 480 : index
    %get3A_1644 = tpu.vector_load %arg10[%get3A_1643] {strides = array<i32>} : memref<768xf32, #tpu.memory_space<vmem>>, vector<16xf32>,
    %sub3A_1645 = arith.subf %get3A_1642, %get3A_1644 : vector<16xf32>
    %mul3A_1646 = arith.mulf %sub3A_1645, %sub3A_1645 : vector<16xf32>
    %add3A_1647 = arith.addf %add3A_1633, %mul3A_1646 : vector<16xf32>
    %get3A_1648 = arith.constant 480 : index
    %get3A_1649 = tpu.vector_load %arg11[%get3A_1648] {strides = array<i32>} : memref<768xf32, #tpu.memory_space<vmem>>, vector<16xf32>,
    %get3A_1650 = arith.constant 480 : index
    %get3A_1651 = tpu.vector_load %arg12[%get3A_1650] {strides = array<i32>} : memref<768xf32, #tpu.memory_space<vmem>>, vector<16xf32>,
    %sub3A_1652 = arith.subf %get3A_1649, %get3A_1651 : vector<16xf32>
    %mul3A_1653 = arith.mulf %sub3A_1652, %sub3A_1652 : vector<16xf32>
    %add3A_1654 = arith.addf %add3A_1640, %mul3A_1653 : vector<16xf32>
    %get3A_1655 = arith.constant 736 : index
    %get3A_1656 = tpu.vector_load %arg9[%get3A_1655] {strides = array<i32>} : memref<768xf32, #tpu.memory_space<vmem>>, vector<16xf32>,
    %get3A_1657 = arith.constant 736 : index
    %get3A_1658 = tpu.vector_load %arg10[%get3A_1657] {strides = array<i32>} : memref<768xf32, #tpu.memory_space<vmem>>, vector<16xf32>,
    %sub3A_1659 = arith.subf %get3A_1656, %get3A_1658 : vector<16xf32>
    %mul3A_1660 = arith.mulf %sub3A_1659, %sub3A_1659 : vector<16xf32>
    %add3A_1661 = arith.addf %add3A_1647, %mul3A_1660 : vector<16xf32>
    %get3A_1662 = arith.constant 736 : index
    %get3A_1663 = tpu.vector_load %arg11[%get3A_1662] {strides = array<i32>} : memref<768xf32, #tpu.memory_space<vmem>>, vector<16xf32>,
    %get3A_1664 = arith.constant 736 : index
    %get3A_1665 = tpu.vector_load %arg12[%get3A_1664] {strides = array<i32>} : memref<768xf32, #tpu.memory_space<vmem>>, vector<16xf32>,
    %sub3A_1666 = arith.subf %get3A_1663, %get3A_1665 : vector<16xf32>
    %mul3A_1667 = arith.mulf %sub3A_1666, %sub3A_1666 : vector<16xf32>
    %add3A_1668 = arith.addf %add3A_1654, %mul3A_1667 : vector<16xf32>
    %lt3A_1669 = arith.constant 2.500000e-01 : f32
    %lt3A_1670 = vector.broadcast %lt3A_1669 : f32 to vector<16xf32>
    %lt3A_1671 = arith.cmpf olt, %add3A_1661, %lt3A_1670 : vector<16xf32>
    %add3A_1672 = arith.constant 224 : i32
    %add3A_1673 = vector.broadcast %add3A_1672 : i32 to vector<16xi32>
    %add3A_1674 = arith.addi %add3A_1673, %iota3A : vector<16xi32>
    %lt3A_1675 = arith.constant 250 : i32
    %lt3A_1676 = vector.broadcast %lt3A_1675 : i32 to vector<16xi32>
    %lt3A_1677 = arith.cmpi slt, %add3A_1674, %lt3A_1676 : vector<16xi32>
    %and3A_1678 = arith.andi %lt3A_1671, %lt3A_1677 : vector<16xi1>
    %bitcast3A_1679 = vector.bitcast %add3A_1668 : vector<16xf32> to vector<16xi32>
    %shift_right_arithmetic3A_1680 = arith.constant 1 : i32
    %shift_right_arithmetic3A_1681 = vector.broadcast %shift_right_arithmetic3A_1680 : i32 to vector<16xi32>
    %shift_right_arithmetic3A_1682 = arith.shrsi %bitcast3A_1679, %shift_right_arithmetic3A_1681 : vector<16xi32>
    %add3A_1683 = arith.constant 532487669 : i32
    %add3A_1684 = vector.broadcast %add3A_1683 : i32 to vector<16xi32>
    %add3A_1685 = arith.addi %shift_right_arithmetic3A_1682, %add3A_1684 : vector<16xi32>
    %bitcast3A_1686 = vector.bitcast %add3A_1685 : vector<16xi32> to vector<16xf32>
    %div3A_1687 = arith.divf %add3A_1668, %bitcast3A_1686 : vector<16xf32>
    %add3A_1688 = arith.addf %bitcast3A_1686, %div3A_1687 : vector<16xf32>
    %mul3A_1689 = arith.constant 5.000000e-01 : f32
    %mul3A_1690 = vector.broadcast %mul3A_1689 : f32 to vector<16xf32>
    %mul3A_1691 = arith.mulf %mul3A_1690, %add3A_1688 : vector<16xf32>
    %div3A_1692 = arith.divf %add3A_1668, %mul3A_1691 : vector<16xf32>
    %add3A_1693 = arith.addf %mul3A_1691, %div3A_1692 : vector<16xf32>
    %mul3A_1694 = arith.constant 5.000000e-01 : f32
    %mul3A_1695 = vector.broadcast %mul3A_1694 : f32 to vector<16xf32>
    %mul3A_1696 = arith.mulf %mul3A_1695, %add3A_1693 : vector<16xf32>
    %div3A_1697 = arith.divf %add3A_1668, %mul3A_1696 : vector<16xf32>
    %add3A_1698 = arith.addf %mul3A_1696, %div3A_1697 : vector<16xf32>
    %mul3A_1699 = arith.constant 5.000000e-01 : f32
    %mul3A_1700 = vector.broadcast %mul3A_1699 : f32 to vector<16xf32>
    %mul3A_1701 = arith.mulf %mul3A_1700, %add3A_1698 : vector<16xf32>
    %jit3A_1702 = arith.constant 0.000000e+00 : f32
    %broadcast_in_dim3A_1703 = vector.broadcast %jit3A_1702 : f32 to vector<16xf32>
    %select_n3A_1704 = arith.select %and3A_1678, %mul3A_1701, %broadcast_in_dim3A_1703 : vector<16xi1>, vector<16xf32>
    %add3A_1705 = arith.addf %add3A_1616, %select_n3A_1704 : vector<16xf32>
    %jit3A_1706 = arith.constant 1.000000e+00 : f32
    %jit3A_1707 = arith.constant 0.000000e+00 : f32
    %broadcast_in_dim3A_1708 = vector.broadcast %jit3A_1706 : f32 to vector<16xf32>
    %broadcast_in_dim3A_1709 = vector.broadcast %jit3A_1707 : f32 to vector<16xf32>
    %select_n3A_1710 = arith.select %and3A_1678, %broadcast_in_dim3A_1708, %broadcast_in_dim3A_1709 : vector<16xi1>, vector<16xf32>
    %add3A_1711 = arith.addf %add3A_1622, %select_n3A_1710 : vector<16xf32>
    %broadcast_in_dim3A_1712 = arith.constant 0.000000e+00 : f32
    %broadcast_in_dim3A_1713 = vector.broadcast %broadcast_in_dim3A_1712 : f32 to vector<16xf32>
    %broadcast_in_dim3A_1714 = arith.constant 0.000000e+00 : f32
    %broadcast_in_dim3A_1715 = vector.broadcast %broadcast_in_dim3A_1714 : f32 to vector<16xf32>
    %get3A_1716 = arith.constant 240 : index
    %get3A_1717 = tpu.vector_load %arg9[%get3A_1716] {strides = array<i32>} : memref<768xf32, #tpu.memory_space<vmem>>, vector<16xf32>,
    %get3A_1718 = arith.constant 240 : index
    %get3A_1719 = tpu.vector_load %arg10[%get3A_1718] {strides = array<i32>} : memref<768xf32, #tpu.memory_space<vmem>>, vector<16xf32>,
    %sub3A_1720 = arith.subf %get3A_1717, %get3A_1719 : vector<16xf32>
    %mul3A_1721 = arith.mulf %sub3A_1720, %sub3A_1720 : vector<16xf32>
    %add3A_1722 = arith.addf %broadcast_in_dim3A_1713, %mul3A_1721 : vector<16xf32>
    %get3A_1723 = arith.constant 240 : index
    %get3A_1724 = tpu.vector_load %arg11[%get3A_1723] {strides = array<i32>} : memref<768xf32, #tpu.memory_space<vmem>>, vector<16xf32>,
    %get3A_1725 = arith.constant 240 : index
    %get3A_1726 = tpu.vector_load %arg12[%get3A_1725] {strides = array<i32>} : memref<768xf32, #tpu.memory_space<vmem>>, vector<16xf32>,
    %sub3A_1727 = arith.subf %get3A_1724, %get3A_1726 : vector<16xf32>
    %mul3A_1728 = arith.mulf %sub3A_1727, %sub3A_1727 : vector<16xf32>
    %add3A_1729 = arith.addf %broadcast_in_dim3A_1715, %mul3A_1728 : vector<16xf32>
    %get3A_1730 = arith.constant 496 : index
    %get3A_1731 = tpu.vector_load %arg9[%get3A_1730] {strides = array<i32>} : memref<768xf32, #tpu.memory_space<vmem>>, vector<16xf32>,
    %get3A_1732 = arith.constant 496 : index
    %get3A_1733 = tpu.vector_load %arg10[%get3A_1732] {strides = array<i32>} : memref<768xf32, #tpu.memory_space<vmem>>, vector<16xf32>,
    %sub3A_1734 = arith.subf %get3A_1731, %get3A_1733 : vector<16xf32>
    %mul3A_1735 = arith.mulf %sub3A_1734, %sub3A_1734 : vector<16xf32>
    %add3A_1736 = arith.addf %add3A_1722, %mul3A_1735 : vector<16xf32>
    %get3A_1737 = arith.constant 496 : index
    %get3A_1738 = tpu.vector_load %arg11[%get3A_1737] {strides = array<i32>} : memref<768xf32, #tpu.memory_space<vmem>>, vector<16xf32>,
    %get3A_1739 = arith.constant 496 : index
    %get3A_1740 = tpu.vector_load %arg12[%get3A_1739] {strides = array<i32>} : memref<768xf32, #tpu.memory_space<vmem>>, vector<16xf32>,
    %sub3A_1741 = arith.subf %get3A_1738, %get3A_1740 : vector<16xf32>
    %mul3A_1742 = arith.mulf %sub3A_1741, %sub3A_1741 : vector<16xf32>
    %add3A_1743 = arith.addf %add3A_1729, %mul3A_1742 : vector<16xf32>
    %get3A_1744 = arith.constant 752 : index
    %get3A_1745 = tpu.vector_load %arg9[%get3A_1744] {strides = array<i32>} : memref<768xf32, #tpu.memory_space<vmem>>, vector<16xf32>,
    %get3A_1746 = arith.constant 752 : index
    %get3A_1747 = tpu.vector_load %arg10[%get3A_1746] {strides = array<i32>} : memref<768xf32, #tpu.memory_space<vmem>>, vector<16xf32>,
    %sub3A_1748 = arith.subf %get3A_1745, %get3A_1747 : vector<16xf32>
    %mul3A_1749 = arith.mulf %sub3A_1748, %sub3A_1748 : vector<16xf32>
    %add3A_1750 = arith.addf %add3A_1736, %mul3A_1749 : vector<16xf32>
    %get3A_1751 = arith.constant 752 : index
    %get3A_1752 = tpu.vector_load %arg11[%get3A_1751] {strides = array<i32>} : memref<768xf32, #tpu.memory_space<vmem>>, vector<16xf32>,
    %get3A_1753 = arith.constant 752 : index
    %get3A_1754 = tpu.vector_load %arg12[%get3A_1753] {strides = array<i32>} : memref<768xf32, #tpu.memory_space<vmem>>, vector<16xf32>,
    %sub3A_1755 = arith.subf %get3A_1752, %get3A_1754 : vector<16xf32>
    %mul3A_1756 = arith.mulf %sub3A_1755, %sub3A_1755 : vector<16xf32>
    %add3A_1757 = arith.addf %add3A_1743, %mul3A_1756 : vector<16xf32>
    %lt3A_1758 = arith.constant 2.500000e-01 : f32
    %lt3A_1759 = vector.broadcast %lt3A_1758 : f32 to vector<16xf32>
    %lt3A_1760 = arith.cmpf olt, %add3A_1750, %lt3A_1759 : vector<16xf32>
    %add3A_1761 = arith.constant 240 : i32
    %add3A_1762 = vector.broadcast %add3A_1761 : i32 to vector<16xi32>
    %add3A_1763 = arith.addi %add3A_1762, %iota3A : vector<16xi32>
    %lt3A_1764 = arith.constant 250 : i32
    %lt3A_1765 = vector.broadcast %lt3A_1764 : i32 to vector<16xi32>
    %lt3A_1766 = arith.cmpi slt, %add3A_1763, %lt3A_1765 : vector<16xi32>
    %and3A_1767 = arith.andi %lt3A_1760, %lt3A_1766 : vector<16xi1>
    %bitcast3A_1768 = vector.bitcast %add3A_1757 : vector<16xf32> to vector<16xi32>
    %shift_right_arithmetic3A_1769 = arith.constant 1 : i32
    %shift_right_arithmetic3A_1770 = vector.broadcast %shift_right_arithmetic3A_1769 : i32 to vector<16xi32>
    %shift_right_arithmetic3A_1771 = arith.shrsi %bitcast3A_1768, %shift_right_arithmetic3A_1770 : vector<16xi32>
    %add3A_1772 = arith.constant 532487669 : i32
    %add3A_1773 = vector.broadcast %add3A_1772 : i32 to vector<16xi32>
    %add3A_1774 = arith.addi %shift_right_arithmetic3A_1771, %add3A_1773 : vector<16xi32>
    %bitcast3A_1775 = vector.bitcast %add3A_1774 : vector<16xi32> to vector<16xf32>
    %div3A_1776 = arith.divf %add3A_1757, %bitcast3A_1775 : vector<16xf32>
    %add3A_1777 = arith.addf %bitcast3A_1775, %div3A_1776 : vector<16xf32>
    %mul3A_1778 = arith.constant 5.000000e-01 : f32
    %mul3A_1779 = vector.broadcast %mul3A_1778 : f32 to vector<16xf32>
    %mul3A_1780 = arith.mulf %mul3A_1779, %add3A_1777 : vector<16xf32>
    %div3A_1781 = arith.divf %add3A_1757, %mul3A_1780 : vector<16xf32>
    %add3A_1782 = arith.addf %mul3A_1780, %div3A_1781 : vector<16xf32>
    %mul3A_1783 = arith.constant 5.000000e-01 : f32
    %mul3A_1784 = vector.broadcast %mul3A_1783 : f32 to vector<16xf32>
    %mul3A_1785 = arith.mulf %mul3A_1784, %add3A_1782 : vector<16xf32>
    %div3A_1786 = arith.divf %add3A_1757, %mul3A_1785 : vector<16xf32>
    %add3A_1787 = arith.addf %mul3A_1785, %div3A_1786 : vector<16xf32>
    %mul3A_1788 = arith.constant 5.000000e-01 : f32
    %mul3A_1789 = vector.broadcast %mul3A_1788 : f32 to vector<16xf32>
    %mul3A_1790 = arith.mulf %mul3A_1789, %add3A_1787 : vector<16xf32>
    %jit3A_1791 = arith.constant 0.000000e+00 : f32
    %broadcast_in_dim3A_1792 = vector.broadcast %jit3A_1791 : f32 to vector<16xf32>
    %select_n3A_1793 = arith.select %and3A_1767, %mul3A_1790, %broadcast_in_dim3A_1792 : vector<16xi1>, vector<16xf32>
    %add3A_1794 = arith.addf %add3A_1705, %select_n3A_1793 : vector<16xf32>
    %jit3A_1795 = arith.constant 1.000000e+00 : f32
    %jit3A_1796 = arith.constant 0.000000e+00 : f32
    %broadcast_in_dim3A_1797 = vector.broadcast %jit3A_1795 : f32 to vector<16xf32>
    %broadcast_in_dim3A_1798 = vector.broadcast %jit3A_1796 : f32 to vector<16xf32>
    %select_n3A_1799 = arith.select %and3A_1767, %broadcast_in_dim3A_1797, %broadcast_in_dim3A_1798 : vector<16xi1>, vector<16xf32>
    %add3A_1800 = arith.addf %add3A_1711, %select_n3A_1799 : vector<16xf32>
    %reduce_sum3A = arith.constant true
    %reduce_sum3A_1801 = vector.broadcast %reduce_sum3A : i1 to vector<16xi1>
    %reduce_sum3A_1802 = tpu.scan <sum>, %add3A_1794 masked %reduce_sum3A_1801 : vector<16xf32>, vector<16xi1> -> vector<16xf32>
    %reduce_sum3A_1803 = vector.extract %reduce_sum3A_1802[15] : f32 from vector<16xf32>
    %reduce_sum3A_1804 = arith.constant true
    %reduce_sum3A_1805 = vector.broadcast %reduce_sum3A_1804 : i1 to vector<16xi1>
    %reduce_sum3A_1806 = tpu.scan <sum>, %add3A_1800 masked %reduce_sum3A_1805 : vector<16xf32>, vector<16xi1> -> vector<16xf32>
    %reduce_sum3A_1807 = vector.extract %reduce_sum3A_1806[15] : f32 from vector<16xf32>
    %eq3A = arith.constant 0 : i32
    %eq3A_1808 = vector.broadcast %eq3A : i32 to vector<16xi32>
    %eq3A_1809 = arith.cmpi eq, %iota3A, %eq3A_1808 : vector<16xi32>
    %eq3A_1810 = arith.constant 1 : i32
    %eq3A_1811 = vector.broadcast %eq3A_1810 : i32 to vector<16xi32>
    %eq3A_1812 = arith.cmpi eq, %iota3A, %eq3A_1811 : vector<16xi32>
    %jit3A_1813 = arith.constant 0.000000e+00 : f32
    %broadcast_in_dim3A_1814 = vector.broadcast %reduce_sum3A_1807 : f32 to vector<16xf32>
    %broadcast_in_dim3A_1815 = vector.broadcast %jit3A_1813 : f32 to vector<16xf32>
    %select_n3A_1816 = arith.select %eq3A_1812, %broadcast_in_dim3A_1814, %broadcast_in_dim3A_1815 : vector<16xi1>, vector<16xf32>
    %broadcast_in_dim3A_1817 = vector.broadcast %reduce_sum3A_1803 : f32 to vector<16xf32>
    %select_n3A_1818 = arith.select %eq3A_1809, %broadcast_in_dim3A_1817, %select_n3A_1816 : vector<16xi1>, vector<16xf32>
    %swap3A = arith.constant 0 : index
    %swap3A_1819 = tpu.vector_load %arg13[%swap3A] {strides = array<i32>} : memref<16xf32, #tpu.memory_space<vmem>>, vector<16xf32>,
    tpu.vector_store %arg13[%swap3A], %select_n3A_1818 {strides = array<i32>} : memref<16xf32, #tpu.memory_space<vmem>>, vector<16xf32>,
    "tpu.region"() ({
      %run_scoped3A = tpu.sem_alloc : memref<!tpu.dma_semaphore, #tpu.memory_space<semaphore_mem>>
      %dma_start3A_1820 = arith.constant 0 : i32
      %dma_start3A_1821 = tpu.memref_slice %arg6[%add3A, %dma_start3A_1820] : memref<32x16xf32, #tpu.memory_space<hbm>> -> memref<1x16xf32, #tpu.memory_space<hbm>>
      %dma_start3A_1822 = tpu.memref_squeeze %dma_start3A_1821 : memref<1x16xf32, #tpu.memory_space<hbm>> -> memref<16xf32, #tpu.memory_space<hbm>>
      %dma_start3A_1823 = arith.constant 0 : i32
      %dma_start3A_1824 = tpu.memref_slice %arg6[%add3A, %dma_start3A_1823] : memref<32x16xf32, #tpu.memory_space<hbm>> -> memref<1x16xf32, #tpu.memory_space<hbm>>
      %dma_start3A_1825 = tpu.memref_squeeze %dma_start3A_1824 : memref<1x16xf32, #tpu.memory_space<hbm>> -> memref<16xf32, #tpu.memory_space<hbm>>
      tpu.enqueue_dma source(%arg13 : memref<16xf32, #tpu.memory_space<vmem>>) target(%dma_start3A_1825 : memref<16xf32, #tpu.memory_space<hbm>>) target_semaphore(%run_scoped3A : memref<!tpu.dma_semaphore, #tpu.memory_space<semaphore_mem>>)
      %dma_wait3A_1826 = arith.constant 0 : i32
      %dma_wait3A_1827 = tpu.memref_slice %arg6[%add3A, %dma_wait3A_1826] : memref<32x16xf32, #tpu.memory_space<hbm>> -> memref<1x16xf32, #tpu.memory_space<hbm>>
      %dma_wait3A_1828 = tpu.memref_squeeze %dma_wait3A_1827 : memref<1x16xf32, #tpu.memory_space<hbm>> -> memref<16xf32, #tpu.memory_space<hbm>>
      %dma_wait3A_1829 = arith.constant 0 : i32
      %dma_wait3A_1830 = tpu.memref_slice %arg6[%add3A, %dma_wait3A_1829] : memref<32x16xf32, #tpu.memory_space<hbm>> -> memref<1x16xf32, #tpu.memory_space<hbm>>
      %dma_wait3A_1831 = tpu.memref_squeeze %dma_wait3A_1830 : memref<1x16xf32, #tpu.memory_space<hbm>> -> memref<16xf32, #tpu.memory_space<hbm>>
      tpu.wait_dma2 semaphore(%run_scoped3A : memref<!tpu.dma_semaphore, #tpu.memory_space<semaphore_mem>>) src(%arg13 : memref<16xf32, #tpu.memory_space<vmem>>) dst(%dma_wait3A_1831 : memref<16xf32, #tpu.memory_space<hbm>>)
      tpu.yield
    }) : () -> ()
    return
  }
}

</mosaic_0001>

<sc_bundles>
// kernel: _cluster_loss_impl.3.cloned.1.call-start
scs
__scs_entry_jumppad:
0x0: {  	(pc) =	sbr.rel $0x88, $3  }
0x1: {  	(tag) =	ssettag $0x0;
	lr =	simm.s32 $0x1  }
0x2: {  	[smem:$0x3F9F] =	sst lr;
	_ =	strace $0xD0000000  }
0x3: {  	_ = 	snop  }
0x4: {  	_ = 	snop  }
0x5: {  	_ = 	snop  }
0x6: {  	_ = 	snop  }
0x7: {  	_ = 	snop  }
__scs_overlays_trampoline_lowered:
0x8: {  	[smem:$0x3FAE] =	sst s0  }
0x9: {  	[smem:$0x3FAF] =	sst s1  }
0xa: {  	[smem:$0x3FB0] =	sst s2  }
0xb: {  	[smem:$0x3FB1] =	sst s3  }
0xc: {  	[smem:$0x3FB2] =	sst s4  }
0xd: {  	[smem:$0x3FB3] =	sst s5  }
0xe: {  	[smem:$0x3FB4] =	sst s6  }
0xf: {  	[smem:$0x3FB5] =	sst s7  }
0x10: {  	[smem:$0x3FB6] =	sst s8  }
0x11: {  	[smem:$0x3FB7] =	sst s9;
	s0 =	simm.s32 @!p0 $0x0  }
0x12: {  	s1 =	sld [smem:$0x3F9D];
	s0 =	simm.s32 @p0 $0x1  }
0x13: {  	[smem:$0x3FB8] =	sst s0;
	s0 =	simm.s32 @!p1 $0x0  }
0x14: {  	s2 =	sld [smem:$0x3F9C];
	s0 =	simm.s32 @p1 $0x1  }
0x15: {  	[smem:$0x3FB9] =	sst s0;
	s0 =	simm.s32 @!p2 $0x0  }
0x16: {  	s3 =	sld [smem:$0x3FDB];
	s0 =	simm.s32 @p2 $0x1  }
0x17: {  	s4 =	simm.s32 $0x1BF5;
	[smem:$0x3FBB] =	sst s0  }
0x18: {  	s0 =	sld [smem:$0x3F9E];
	_ =	swait.ge [sflag:s4], $0x0  }
0x19: {  	s7 =	sld [smem:$0x3F9F]  }
0x1a: {  	s8 =	sadd.s32 $0xFFFFE003, lr  }
0x1b: {  	s9 =	sadd.s32 $0xFFFFFEF7, lr;
	s5 =	simm.s32 $0xFFFFFFFF;
	p2 =	slt.u32 s8, $0xFFFFF086  }
0x1c: {  	p1 =	slt.u32 s9, $0xF7A;
	s5 =	simm.s32 @!p2 $0x0  }
0x1d: {  	s5 =	simm.s32 @p1 $0x1;
	p0 =	seq.s32 s7, s2  }
0x1e: {  	s7 =	smul.u32 @!p0 $0xF7A, s2;
	p2 =	seq.s32 @!p0 s5, $0x0  }
0x1f: {  	s9 =	smul.u32 $0xF7A, s1;
	s8 =	simm.s32 @!p0 $0x1BF5;
	p2 =	por !p2, p0  }
0x20: {  	[sflag:s8] =	ssyncset.s32 @!p0 $0xFFFFF086;
	s6 =	sadd.s32 @!p0 s3, s7;
	s7 =	simm.s32 @!p0 $0x108  }
0x21: {  	s3 =	sadd.s32 s3, s9;
	s6 =	sadd.s32 @!p0 $0x88, s6;
	s7 =	simm.s32 @p2 $0x1082  }
0x22: {  	[simem:s7], [sflag:s8] =	dma.local @!p0 [hbm:s6], $0xF7A  }
0x23: {  	s9 =	sor.u32 $0xD0000000, s2;
	s6 =	simm.s32 $0x108;
	_ =	swait.ge @!p0 [sflag:s8], $0x0  }
0x24: {  	s3 =	sadd.s32 $0x88, s3;
	s6 =	simm.s32 @!p1 $0x1082;
	[sflag:s4] =	ssyncset.s32 $0xFFFFF086  }
0x25: {  	[simem:s6], [sflag:s4] =	dma.local [hbm:s3], $0xF7A  }
0x26: {  	[smem:$0x3F9F] =	sst s1;
	(tag) =	ssettag s2;
	_ =	strace s9  }
0x27: {  	s1 =	sld [smem:$0x3FAF]  }
0x28: {  	s2 =	sld [smem:$0x3FB0]  }
0x29: {  	s4 =	sld [smem:$0x3FB2]  }
0x2a: {  	p0 =	seq.s32 s5, $0x0;
	s5 =	sld [smem:$0x3FB3]  }
0x2b: {  	s6 =	sld [smem:$0x3FB4]  }
0x2c: {  	s7 =	sld [smem:$0x3FB5]  }
0x2d: {  	s3 =	simm.s32 $0x108;
	s8 =	sld [smem:$0x3FB6]  }
0x2e: {  	s3 =	simm.s32 @!p0 $0x1082;
	s9 =	sld [smem:$0x3FB7]  }
0x2f: {  	lr =	sadd.s32 s0, s3;
	s0 =	sld [smem:$0x3FAE]  }
0x30: {  	s3 =	sld [smem:$0x3FB1]  }
0x31: {  	[smem:$0x3FBA] =	sst s10  }
0x32: {  	s10 =	sld [smem:$0x3FB8];
	_ =	sdelay $0x3  }
0x33: {  	p0 =	seq.s32 s10, $0x1;
	s10 =	sld [smem:$0x3FBA];
	_ =	sdelay $0x3  }
0x34: {  	[smem:$0x3FBA] =	sst s10  }
0x35: {  	s10 =	sld [smem:$0x3FB9];
	_ =	sdelay $0x3  }
0x36: {  	p1 =	seq.s32 s10, $0x1;
	s10 =	sld [smem:$0x3FBA];
	_ =	sdelay $0x3  }
0x37: {  	[smem:$0x3FBA] =	sst s10  }
0x38: {  	s10 =	sld [smem:$0x3FBB]  }
0x39: {  	_ = 	snop;
	(pc) =	sbr.ind lr, $3  }
0x3a: {  	_ = 	snop  }
0x3b: {  	_ = 	snop  }
0x3c: {  	p2 =	seq.s32 s10, $0x1;
	s10 =	sld [smem:$0x3FBA]  }
0x3d: {  	_ =	shalt  }
0x3e: {  	_ =	shalt  }
0x3f: {  	_ =	shalt  }
0x40: {  	_ =	shalt  }
0x41: {  	_ =	shalt  }
0x42: {  	_ =	shalt  }
0x43: {  	_ =	shalt  }
0x44: {  	_ =	shalt  }
0x45: {  	_ =	shalt  }
0x46: {  	_ =	shalt  }
0x47: {  	_ =	shalt  }
0x48: {  	_ =	shalt  }
0x49: {  	_ =	shalt  }
0x4a: {  	_ =	shalt  }
0x4b: {  	_ =	shalt  }
0x4c: {  	_ =	shalt  }
0x4d: {  	_ =	shalt  }
0x4e: {  	_ =	shalt  }
0x4f: {  	_ =	shalt  }
0x50: {  	_ =	shalt  }
0x51: {  	_ =	shalt  }
0x52: {  	_ =	shalt  }
0x53: {  	_ =	shalt  }
0x54: {  	_ =	shalt  }
0x55: {  	_ =	shalt  }
0x56: {  	_ =	shalt  }
0x57: {  	_ =	shalt  }
0x58: {  	_ =	shalt  }
0x59: {  	_ =	shalt  }
0x5a: {  	_ =	shalt  }
0x5b: {  	_ =	shalt  }
0x5c: {  	_ =	shalt  }
0x5d: {  	_ =	shalt  }
0x5e: {  	_ =	shalt  }
0x5f: {  	_ =	shalt  }
0x60: {  	_ =	shalt  }
0x61: {  	_ =	shalt  }
0x62: {  	_ =	shalt  }
0x63: {  	_ =	shalt  }
0x64: {  	_ =	shalt  }
0x65: {  	_ =	shalt  }
0x66: {  	_ =	shalt  }
0x67: {  	_ =	shalt  }
0x68: {  	_ =	shalt  }
0x69: {  	_ =	shalt  }
0x6a: {  	_ =	shalt  }
0x6b: {  	_ =	shalt  }
0x6c: {  	_ =	shalt  }
0x6d: {  	_ =	shalt  }
0x6e: {  	_ =	shalt  }
0x6f: {  	_ =	shalt  }
0x70: {  	_ =	shalt  }
0x71: {  	_ =	shalt  }
0x72: {  	_ =	shalt  }
0x73: {  	_ =	shalt  }
0x74: {  	_ =	shalt  }
0x75: {  	_ =	shalt  }
0x76: {  	_ =	shalt  }
0x77: {  	_ =	shalt  }
0x78: {  	_ =	shalt  }
0x79: {  	_ =	shalt  }
0x7a: {  	_ =	shalt  }
0x7b: {  	_ =	shalt  }
0x7c: {  	_ =	shalt  }
0x7d: {  	_ =	shalt  }
0x7e: {  	_ =	shalt  }
0x7f: {  	_ =	shalt  }
0x80: {  	_ =	shalt  }
0x81: {  	_ =	shalt  }
0x82: {  	_ =	shalt  }
0x83: {  	_ =	shalt  }
0x84: {  	_ =	shalt  }
0x85: {  	_ =	shalt  }
0x86: {  	_ =	shalt  }
0x87: {  	_ =	shalt  }
.Lfunc_end0:
.L_simem_size_0:
called_computation_lowered:
.L_overlay_start_0:
0x88: {  	s2 =	sld [smem:$0x3FD9]  }
0x89: {  	s3 =	sld [smem:$0x3FFE];
	_ =	sdelay $0x1  }
0x8a: {  	s1 =	srdreg.scid  }
0x8b: {  	s0 =	sand.u32 $0x1, s1  }
0x8c: {  	s16 =	sshll.u32 s0, $0xA;
	s2 =	sadd.s32 s3, s2  }
0x8d: {  	s2 =	sadd.s32 s2, s16  }
0x8e: {  	[smem:$0x3FC6] =	sst s2  }
0x8f: {  	_ = 	snop  }
0x90: {  	(tm) =	ssettm $0x1  }
0x91: {  	s17 =	sld [smem:$0x3FFB];
	_ =	sdelay $0x3  }
0x92: {  	_ =	strace s17  }
0x93: {  	s2 =	sld [smem:$0x3FFC];
	_ =	sdelay $0x3  }
0x94: {  	_ =	strace s2  }
0x95: {  	s2 =	sld [smem:$0x3FFD];
	_ =	sdelay $0x3  }
0x96: {  	_ =	strace s2  }
0x97: {  	_ =	strace $0x8FFFFFFF  }
0x98: {  	s18 =	sld [smem:$0x3FDB];
	_ =	sdelay $0x1  }
0x99: {  	s19 =	simm.s32 $_scs_section_size  }
0x9a: {  	s4 =	simm.s32 $_size__tile_overlayer_lowered;
	s5 =	simm.s32 $_tile_overlayer_lowered  }
0x9b: {  	s22 =	simm.s32 $0x1BFF;
	s21 =	sshll.u32 s5, $0x1;
	s2 =	sadd.s32 s19, s18  }
0x9c: {  	s6 =	simm.s32 $0x0;
	s20 =	sshll.u32 s4, $0x1;
	s4 =	sadd.s32 s21, s2  }
0x9d: {  	[timem:s6], [sflag:s22] =	dma.local [hbm:s4], s20  }
0x9e: {  	_ =	swait.ge [sflag:s22], s20  }
0x9f: {  	s3 =	ssub.s32 $0x0, s20;
	[sflag:s22] =	ssyncset.done $0x0  }
0xa0: {  	[sflag:s22] =	ssyncadd.s32 s3;
	_ =	sdelay $0x1  }
0xa1: {  	s23 =	simm.s32 $0x1B8B  }
0xa2: {  	_ =	swait.ge [sflag:s23], $0x1  }
0xa3: {  	[sflag:s23] =	ssyncset.done $0x0  }
0xa4: {  	s25 =	simm.s32 $0x1B8E;
	s24 =	sld [smem:$0x3FFE];
	[sflag:s23] =	ssyncadd.s32 $0xFFFFFFFF  }
0xa5: {  	s26 =	simm.s32 $execute0_lowered;
	[smem:$0x3FD2] =	sst s25  }
0xa6: {  	s4 =	sshll.u32 s26, $0x1;
	_ =	strace $0x80000046;
	[dreg:$0x1] =	wrdreg $0xFFFFFFFF  }
0xa7: {  	s28 =	simm.s32 $_size_execute0_lowered;
	s2 =	sadd.s32 s2, s4;
	[dreg:$0x0] =	wrdreg $0x0  }
0xa8: {  	s4 =	sshll.u32 s28, $0x1;
	[dreg:$0x2] =	wrdreg s2  }
0xa9: {  	[dreg:$0x3] =	wrdreg s4  }
0xaa: {  	[dreg:$0x4] =	wrdreg $0xC0  }
0xab: {  	_ =	task [dreg:s6], $0x5FFFF  }
0xac: {  	[dreg:$0x1] =	wrdreg $0xFFFFFFFF  }
0xad: {  	[dreg:$0x0] =	wrdreg $0x60  }
0xae: {  	[dreg:$0x2] =	wrdreg s24  }
0xaf: {  	[dreg:$0x3] =	wrdreg $0x9  }
0xb0: {  	_ =	task.clear_ibuf [dreg:s6], $0x4FFFF;
	_ =	strace $0x90000046  }
0xb1: {  	s29 =	simm.s32 $0x9;
	_ =	strace $0x80000048  }
0xb2: {  	_ =	swait.ge [sflag:s29], $0x1  }
0xb3: {  	[sflag:s29] =	ssyncadd.s32 $0xFFFFFFFF  }
0xb4: {  	_ =	strace $0x90000048  }
0xb5: {  	_ =	sfence  }
0xb6: {  	s30 =	sld [smem:$0x0];
	_ =	sdelay $0x2  }
0xb7: {  	s31 =	sshll.u32 s1, $0xD;
	s1 =	sshrl.u32 s1, $0x2  }
0xb8: {  	s3 =	sand.u32 $0x4000, s31;
	s1 =	sadd.s32 s1, s30  }
0xb9: {  	s0 =	sor.u32 s3, s0;
	s1 =	sshll.u32 s1, $0x11  }
0xba: {  	s0 =	sor.u32 s1, s0  }
0xbb: {  	s0 =	sadd.s32 $0x8F2B, s0  }
0xbc: {  	[sflag:s0] =	ssyncadd.remote.s32 $0x1  }
0xbd: {  	_ =	sfence.sel $0xFFFF  }
0xbe: {  	[dreg:$0x0] =	wrdreg $0xFFFFFFFF;
	(pc) =	sbr.abs _section_cstart, $3  }
0xbf: {  	[dreg:$0x1] =	wrdreg $0xFFFFFFFF  }
0xc0: {  	_ =	task.clear_ibuf [dreg:s6], $0x2FFFF;
	_ =	strace $0x9FFFFFFF  }
0xc1: {  	(tm) =	ssettm $0x7FFFFFFF  }
tec
execute0_lowered:
.L_overlay_start_1:
0x0: {  	(tag) =	ssettag $0x1  }
0x1: {  	s1 =	srdreg.scid  }
0x2: {  	s0 =	stileid.u32;
	s2 =	rddreg [dreg:$0x0];
	s3 =	simm.s32 $0x0  }
0x3: {  	s14 =	simm.s32 $0x800;
	s15 =	simm.s32 $0xB00;
	s16 =	simm.s32 $0xE00  }
0x4: {  	s18 =	simm.s32 $0x1100;
	s19 =	simm.s32 $0x880;
	[smem:$0x7FF] =	sst s3  }
0x5: {  	s20 =	simm.s32 $0xB80;
	_ =	strace $0x80000047;
	[dreg:$0x5] =	wrdreg s14  }
0x6: {  	s21 =	simm.s32 $0xE80;
	s7 =	simm.s32 $0x400;
	[dreg:$0x6] =	wrdreg s15  }
0x7: {  	s22 =	simm.s32 $0x1180;
	s8 =	simm.s32 $0x80;
	[dreg:$0x7] =	wrdreg s16  }
0x8: {  	s23 =	simm.s32 $0x900;
	s9 =	simm.s32 $0x480;
	[dreg:$0x8] =	wrdreg s18  }
0x9: {  	s24 =	simm.s32 $0xC00;
	s10 =	simm.s32 $0x100;
	[dreg:$0x9] =	wrdreg s19  }
0xa: {  	s25 =	simm.s32 $0xF00;
	s11 =	simm.s32 $0x500;
	[dreg:$0xa] =	wrdreg s20  }
0xb: {  	s26 =	simm.s32 $0x1200;
	s12 =	simm.s32 $0x180;
	[dreg:$0xb] =	wrdreg s21  }
0xc: {  	s28 =	simm.s32 $0xD80;
	s29 =	simm.s32 $0x1080;
	[dreg:$0xc] =	wrdreg s22  }
0xd: {  	s30 =	simm.s32 $0x1380;
	s31 =	simm.s32 $0x1;
	[dreg:$0xd] =	wrdreg s23  }
0xe: {  	s1 =	sand.u32 $0x1, s1;
	s4 =	sshll.u32 s0, $0x8;
	[dreg:$0xe] =	wrdreg s24  }
0xf: {  	s5 =	sshll.u32 s1, $0x7;
	s1 =	ssub.s32 $0x2, s1;
	[dreg:$0xf] =	wrdreg s25  }
0x10: {  	[dreg:$0x10] =	wrdreg s26;
	s14 =	simm.s32 $0x580;
	s15 =	simm.s32 $0xC80  }
0x11: {  	s16 =	simm.s32 $0xF80;
	s18 =	simm.s32 $0x200;
	s19 =	simm.s32 $0xA00  }
0x12: {  	s20 =	simm.s32 $0x600;
	s21 =	simm.s32 $0xD00;
	s22 =	simm.s32 $0x1000  }
0x13: {  	s23 =	simm.s32 $0x1300;
	s24 =	simm.s32 $0x280;
	s4 =	sor.u32 s5, s4  }
0x14: {  	s25 =	simm.s32 $0xA80;
	s26 =	simm.s32 $0x680;
	s5 =	sadd.s32 s4, s2  }
0x15: {  	s17 =	sshrl.u32 s1, $0x1;
	s4 =	sshrl.u32 s4, $0x3;
	s6 =	sadd.s32 $0x181000, s5  }
0x16: {  	s1 =	ssub.s32 s1, s17;
	s5 =	sadd.s32 $0x180000, s5;
	[dreg:$0x2] =	wrdreg s6  }
0x17: {  	s17 =	simm.s32 $0x1280;
	s4 =	sadd.s32 s4, s2;
	[dreg:$0x3] =	wrdreg s5  }
0x18: {  	v0 =	vimm.f32 $0.0e+00;
	vm0 =	vmmov $0x3ff;
	vm1 =	vcmask $0x2700;
	s4 =	sadd.s32 $0x182000, s4;
	s5 =	smax.u32 s1, $0x1;
	s6 =	simm.s32 $0x2  }
0x19: {  	vm2 =	vcmask $0x3F04;
	v1 =	vsel vm1, $0x3F800000, v0;
	vm1 =	vcmask $0x704;
	s1 =	simm.s32 $0x1400;
	[dreg:$0x4] =	wrdreg s4;
	s4 =	sadd.s32 $0xC0000, s2  }
.LBB2_1:
0x1a: {  	s0 =	rddreg [dreg:$0x2]  }
0x1b: {  	[tilespmem:s3], [sflag:$0x2] =	stream.linear.gather [hbm4b:s0+s3], $0x300, $0x38;
	[tilespmem:$0x1480] =	vst v63  }
0x1c: {  	_ =	swait.ge [sflag:s6], $0x300  }
0x1d: {  	[sflag:s6] =	ssyncset.done $0x0  }
0x1e: {  	s13 =	rddreg [dreg:$0x3];
	[sflag:s6] =	ssyncadd.s32 $0xFFFFFD00  }
0x1f: {  	[tilespmem:s7], [sflag:$0x2] =	stream.linear.gather [hbm4b:s13+s3], $0x300, $0x38;
	[tilespmem:$0x1480] =	vst v63  }
0x20: {  	_ =	swait.ge [sflag:s6], $0x300  }
0x21: {  	[sflag:s6] =	ssyncset.done $0x0  }
0x22: {  	s0 =	rddreg [dreg:$0x5];
	[sflag:s6] =	ssyncadd.s32 $0xFFFFFD00  }
0x23: {  	[tilespmem:s0], [sflag:$0x1] =	stream.indirect.gather [hbm4b:s4+s8], $0x1, s3, s8, $0xb8;
	[tilespmem:$0x1480] =	vst v63  }
0x24: {  	s13 =	rddreg [dreg:$0x6]  }
0x25: {  	[tilespmem:s13], [sflag:$0x1] =	stream.indirect.gather [hbm4b:s4+s8], $0x1, s7, s8, $0xb8;
	[tilespmem:$0x1480] =	vst v63  }
0x26: {  	s0 =	rddreg [dreg:$0x7]  }
0x27: {  	[tilespmem:s0], [sflag:$0x1] =	stream.indirect.gather [hbm4b:s2+s8], $0x1, s3, s8, $0xb8;
	[tilespmem:$0x1480] =	vst v63  }
0x28: {  	s13 =	rddreg [dreg:$0x8]  }
0x29: {  	[tilespmem:s13], [sflag:$0x1] =	stream.indirect.gather [hbm4b:s2+s8], $0x1, s7, s8, $0xb8;
	[tilespmem:$0x1480] =	vst v63  }
0x2a: {  	s0 =	rddreg [dreg:$0x9]  }
0x2b: {  	[tilespmem:s0], [sflag:$0x1] =	stream.indirect.gather [hbm4b:s4+s8], $0x1, s8, s8, $0xb8;
	[tilespmem:$0x1480] =	vst v63  }
0x2c: {  	s13 =	rddreg [dreg:$0xa]  }
0x2d: {  	[tilespmem:s13], [sflag:$0x1] =	stream.indirect.gather [hbm4b:s4+s8], $0x1, s9, s8, $0xb8;
	[tilespmem:$0x1480] =	vst v63  }
0x2e: {  	s0 =	rddreg [dreg:$0xb]  }
0x2f: {  	[tilespmem:s0], [sflag:$0x1] =	stream.indirect.gather [hbm4b:s2+s8], $0x1, s8, s8, $0xb8;
	[tilespmem:$0x1480] =	vst v63  }
0x30: {  	s13 =	rddreg [dreg:$0xc]  }
0x31: {  	[tilespmem:s13], [sflag:$0x1] =	stream.indirect.gather [hbm4b:s2+s8], $0x1, s9, s8, $0xb8;
	[tilespmem:$0x1480] =	vst v63  }
0x32: {  	s0 =	rddreg [dreg:$0xd]  }
0x33: {  	[tilespmem:s0], [sflag:$0x1] =	stream.indirect.gather [hbm4b:s4+s8], $0x1, s10, s8, $0xb8;
	[tilespmem:$0x1480] =	vst v63  }
0x34: {  	s13 =	rddreg [dreg:$0xe]  }
0x35: {  	[tilespmem:s13], [sflag:$0x1] =	stream.indirect.gather [hbm4b:s4+s8], $0x1, s11, s8, $0xb8;
	[tilespmem:$0x1480] =	vst v63  }
0x36: {  	s0 =	rddreg [dreg:$0xf]  }
0x37: {  	[tilespmem:s0], [sflag:$0x1] =	stream.indirect.gather [hbm4b:s2+s8], $0x1, s10, s8, $0xb8;
	[tilespmem:$0x1480] =	vst v63  }
0x38: {  	s13 =	rddreg [dreg:$0x10]  }
0x39: {  	[tilespmem:s13], [sflag:$0x1] =	stream.indirect.gather [hbm4b:s2+s8], $0x1, s11, s8, $0xb8;
	[tilespmem:$0x1480] =	vst v63  }
0x3a: {  	s13 =	simm.s32 $0x980  }
0x3b: {  	[tilespmem:s13], [sflag:$0x1] =	stream.indirect.gather [hbm4b:s4+s8], $0x1, s12, s8, $0xb8;
	[tilespmem:$0x1480] =	vst v63  }
0x3c: {  	_ = 	snop  }
0x3d: {  	[tilespmem:s15], [sflag:$0x1] =	stream.indirect.gather [hbm4b:s4+s8], $0x1, s14, s8, $0xb8;
	[tilespmem:$0x1480] =	vst v63  }
0x3e: {  	_ = 	snop  }
0x3f: {  	[tilespmem:s16], [sflag:$0x1] =	stream.indirect.gather [hbm4b:s2+s8], $0x1, s12, s8, $0xb8;
	[tilespmem:$0x1480] =	vst v63  }
0x40: {  	_ = 	snop  }
0x41: {  	[tilespmem:s17], [sflag:$0x1] =	stream.indirect.gather [hbm4b:s2+s8], $0x1, s14, s8, $0xb8;
	[tilespmem:$0x1480] =	vst v63  }
0x42: {  	_ = 	snop  }
0x43: {  	[tilespmem:s19], [sflag:$0x1] =	stream.indirect.gather [hbm4b:s4+s8], $0x1, s18, s8, $0xb8;
	[tilespmem:$0x1480] =	vst v63  }
0x44: {  	_ = 	snop  }
0x45: {  	[tilespmem:s21], [sflag:$0x1] =	stream.indirect.gather [hbm4b:s4+s8], $0x1, s20, s8, $0xb8;
	[tilespmem:$0x1480] =	vst v63  }
0x46: {  	_ = 	snop  }
0x47: {  	[tilespmem:s22], [sflag:$0x1] =	stream.indirect.gather [hbm4b:s2+s8], $0x1, s18, s8, $0xb8;
	[tilespmem:$0x1480] =	vst v63  }
0x48: {  	_ = 	snop  }
0x49: {  	[tilespmem:s23], [sflag:$0x1] =	stream.indirect.gather [hbm4b:s2+s8], $0x1, s20, s8, $0xb8;
	[tilespmem:$0x1480] =	vst v63  }
0x4a: {  	_ = 	snop  }
0x4b: {  	[tilespmem:s25], [sflag:$0x1] =	stream.indirect.gather [hbm4b:s4+s8], $0x1, s24, s8, $0xb8;
	[tilespmem:$0x1480] =	vst v63  }
0x4c: {  	_ = 	snop  }
0x4d: {  	[tilespmem:s28], [sflag:$0x1] =	stream.indirect.gather [hbm4b:s4+s8], $0x1, s26, s8, $0xb8;
	[tilespmem:$0x1480] =	vst v63  }
0x4e: {  	_ = 	snop  }
0x4f: {  	[tilespmem:s29], [sflag:$0x1] =	stream.indirect.gather [hbm4b:s2+s8], $0x1, s24, s8, $0xb8;
	[tilespmem:$0x1480] =	vst v63  }
0x50: {  	_ = 	snop  }
0x51: {  	[tilespmem:s30], [sflag:$0x1] =	stream.indirect.gather [hbm4b:s2+s8], $0x1, s26, s8, $0xb8;
	[tilespmem:$0x1480] =	vst v63  }
0x52: {  	_ =	swait.ge [sflag:s31], $0x80  }
0x53: {  	[sflag:s31] =	ssyncset.done $0x0  }
0x54: {  	[sflag:s31] =	ssyncadd.s32 $0xFFFFFF80  }
0x55: {  	_ =	swait.ge [sflag:s31], $0x80  }
0x56: {  	[sflag:s31] =	ssyncset.done $0x0  }
0x57: {  	[sflag:s31] =	ssyncadd.s32 $0xFFFFFF80  }
0x58: {  	_ =	swait.ge [sflag:s31], $0x80  }
0x59: {  	[sflag:s31] =	ssyncset.done $0x0  }
0x5a: {  	[sflag:s31] =	ssyncadd.s32 $0xFFFFFF80  }
0x5b: {  	_ =	swait.ge [sflag:s31], $0x80  }
0x5c: {  	[sflag:s31] =	ssyncset.done $0x0  }
0x5d: {  	[sflag:s31] =	ssyncadd.s32 $0xFFFFFF80  }
0x5e: {  	_ =	swait.ge [sflag:s31], $0x80  }
0x5f: {  	[sflag:s31] =	ssyncset.done $0x0  }
0x60: {  	[sflag:s31] =	ssyncadd.s32 $0xFFFFFF80  }
0x61: {  	_ =	swait.ge [sflag:s31], $0x80  }
0x62: {  	[sflag:s31] =	ssyncset.done $0x0  }
0x63: {  	[sflag:s31] =	ssyncadd.s32 $0xFFFFFF80  }
0x64: {  	_ =	swait.ge [sflag:s31], $0x80  }
0x65: {  	[sflag:s31] =	ssyncset.done $0x0  }
0x66: {  	[sflag:s31] =	ssyncadd.s32 $0xFFFFFF80  }
0x67: {  	_ =	swait.ge [sflag:s31], $0x80  }
0x68: {  	[sflag:s31] =	ssyncset.done $0x0  }
0x69: {  	[sflag:s31] =	ssyncadd.s32 $0xFFFFFF80  }
0x6a: {  	_ =	swait.ge [sflag:s31], $0x80  }
0x6b: {  	[sflag:s31] =	ssyncset.done $0x0  }
0x6c: {  	[sflag:s31] =	ssyncadd.s32 $0xFFFFFF80  }
0x6d: {  	_ =	swait.ge [sflag:s31], $0x80  }
0x6e: {  	[sflag:s31] =	ssyncset.done $0x0  }
0x6f: {  	[sflag:s31] =	ssyncadd.s32 $0xFFFFFF80  }
0x70: {  	_ =	swait.ge [sflag:s31], $0x80  }
0x71: {  	[sflag:s31] =	ssyncset.done $0x0  }
0x72: {  	[sflag:s31] =	ssyncadd.s32 $0xFFFFFF80  }
0x73: {  	_ =	swait.ge [sflag:s31], $0x80  }
0x74: {  	[sflag:s31] =	ssyncset.done $0x0  }
0x75: {  	[sflag:s31] =	ssyncadd.s32 $0xFFFFFF80  }
0x76: {  	_ =	swait.ge [sflag:s31], $0x80  }
0x77: {  	[sflag:s31] =	ssyncset.done $0x0  }
0x78: {  	[sflag:s31] =	ssyncadd.s32 $0xFFFFFF80  }
0x79: {  	_ =	swait.ge [sflag:s31], $0x80  }
0x7a: {  	[sflag:s31] =	ssyncset.done $0x0  }
0x7b: {  	[sflag:s31] =	ssyncadd.s32 $0xFFFFFF80  }
0x7c: {  	_ =	swait.ge [sflag:s31], $0x80  }
0x7d: {  	[sflag:s31] =	ssyncset.done $0x0  }
0x7e: {  	[sflag:s31] =	ssyncadd.s32 $0xFFFFFF80  }
0x7f: {  	_ =	swait.ge [sflag:s31], $0x80  }
0x80: {  	[sflag:s31] =	ssyncset.done $0x0  }
0x81: {  	[sflag:s31] =	ssyncadd.s32 $0xFFFFFF80  }
0x82: {  	_ =	swait.ge [sflag:s31], $0x80  }
0x83: {  	[sflag:s31] =	ssyncset.done $0x0  }
0x84: {  	[sflag:s31] =	ssyncadd.s32 $0xFFFFFF80  }
0x85: {  	_ =	swait.ge [sflag:s31], $0x80  }
0x86: {  	[sflag:s31] =	ssyncset.done $0x0  }
0x87: {  	[sflag:s31] =	ssyncadd.s32 $0xFFFFFF80  }
0x88: {  	_ =	swait.ge [sflag:s31], $0x80  }
0x89: {  	[sflag:s31] =	ssyncset.done $0x0  }
0x8a: {  	[sflag:s31] =	ssyncadd.s32 $0xFFFFFF80  }
0x8b: {  	_ =	swait.ge [sflag:s31], $0x80  }
0x8c: {  	[sflag:s31] =	ssyncset.done $0x0  }
0x8d: {  	[sflag:s31] =	ssyncadd.s32 $0xFFFFFF80  }
0x8e: {  	_ =	swait.ge [sflag:s31], $0x80  }
0x8f: {  	[sflag:s31] =	ssyncset.done $0x0  }
0x90: {  	[sflag:s31] =	ssyncadd.s32 $0xFFFFFF80  }
0x91: {  	_ =	swait.ge [sflag:s31], $0x80  }
0x92: {  	[sflag:s31] =	ssyncset.done $0x0  }
0x93: {  	[sflag:s31] =	ssyncadd.s32 $0xFFFFFF80  }
0x94: {  	_ =	swait.ge [sflag:s31], $0x80  }
0x95: {  	[sflag:s31] =	ssyncset.done $0x0  }
0x96: {  	[sflag:s31] =	ssyncadd.s32 $0xFFFFFF80  }
0x97: {  	_ =	swait.ge [sflag:s31], $0x80  }
0x98: {  	[sflag:s31] =	ssyncset.done $0x0  }
0x99: {  	[sflag:s31] =	ssyncadd.s32 $0xFFFFFF80  }
0x9a: {  	v2 =	vld [tilespmem:$0xE00]  }
0x9b: {  	v3 =	vld [tilespmem:$0x1100]  }
0x9c: {  	v4 =	vld [tilespmem:$0xF00]  }
0x9d: {  	v5 =	vld [tilespmem:$0x1200]  }
0x9e: {  	v6 =	vld [tilespmem:$0x1000]  }
0x9f: {  	v7 =	vld [tilespmem:$0x1300];
	_ =	sdelay $0x2  }
0xa0: {  	v2 =	vsub.f32 v2, v3;
	v3 =	vsub.f32 v4, v5;
	_ =	sdelay $0x1  }
0xa1: {  	v18 =	vsub.f32 v6, v7;
	v2 =	vmul.f32 v2, v2;
	v3 =	vmul.f32 v3, v3;
	_ =	sdelay $0x1  }
0xa2: {  	v2 =	vadd.f32 v3, v2;
	v3 =	vmul.f32 v18, v18;
	_ =	sdelay $0x1  }
0xa3: {  	v2 =	vadd.f32 v3, v2;
	_ =	sdelay $0x1  }
0xa4: {  	v3 =	vshra.s32 v2, $0x1  }
0xa5: {  	v3 =	vadd.s32 $0x1FBD1DF5, v3  }
0xa6: {  	(erf) = vrcp.f32 v3;
	_ =	sdelay $0x8  }
0xa7: {  	v19 =	vpop (erf)  }
0xa8: {  	v4 =	vmul.f32 v19, v2;
	_ =	sdelay $0x1  }
0xa9: {  	v3 =	vadd.f32 v3, v4;
	_ =	sdelay $0x1  }
0xaa: {  	v3 =	vmul.f32 $5.000000000e-01, v3  }
0xab: {  	v20 =	vld [tilespmem:$0xE10]  }
0xac: {  	v21 =	vld [tilespmem:$0x1110];
	(erf) = vrcp.f32 v3  }
0xad: {  	v22 =	vld [tilespmem:$0xF10]  }
0xae: {  	v23 =	vld [tilespmem:$0x1210]  }
0xaf: {  	v8 =	vld [tilespmem:$0x1010]  }
0xb0: {  	v9 =	vld [tilespmem:$0x1310];
	_ =	sdelay $0x2  }
0xb1: {  	v24 =	vsub.f32 v22, v23;
	v4 =	vsub.f32 v20, v21;
	_ =	sdelay $0x1  }
0xb2: {  	v26 =	vsub.f32 v8, v9;
	v5 =	vmul.f32 v24, v24;
	v4 =	vmul.f32 v4, v4;
	v25 =	vpop (erf)  }
0xb3: {  	v6 =	vmul.f32 v25, v2  }
0xb4: {  	v27 =	vmul.f32 v26, v26;
	v4 =	vadd.f32 v5, v4  }
0xb5: {  	v3 =	vadd.f32 v6, v3  }
0xb6: {  	v9 =	vadd.f32 v27, v4  }
0xb7: {  	v14 =	vmul.f32 $5.000000000e-01, v3  }
0xb8: {  	v3 =	vshra.s32 v9, $0x1  }
0xb9: {  	v3 =	vadd.s32 $0x1FBD1DF5, v3;
	(erf) = vrcp.f32 v14  }
0xba: {  	(erf) = vrcp.f32 v3;
	_ =	sdelay $0x7  }
0xbb: {  	v22 =	vpop (erf)  }
0xbc: {  	v28 =	vpop (erf)  }
0xbd: {  	v4 =	vmul.f32 v28, v9;
	_ =	sdelay $0x1  }
0xbe: {  	v3 =	vadd.f32 v3, v4;
	_ =	sdelay $0x1  }
0xbf: {  	v3 =	vmul.f32 $5.000000000e-01, v3  }
0xc0: {  	v29 =	vld [tilespmem:$0xE20]  }
0xc1: {  	v30 =	vld [tilespmem:$0x1120];
	(erf) = vrcp.f32 v3  }
0xc2: {  	v31 =	vld [tilespmem:$0xF20]  }
0xc3: {  	v32 =	vld [tilespmem:$0x1220]  }
0xc4: {  	v33 =	vld [tilespmem:$0x1020]  }
0xc5: {  	v10 =	vld [tilespmem:$0x1320];
	_ =	sdelay $0x2  }
0xc6: {  	v34 =	vsub.f32 v31, v32;
	v4 =	vsub.f32 v29, v30;
	_ =	sdelay $0x1  }
0xc7: {  	v36 =	vsub.f32 v33, v10;
	v5 =	vmul.f32 v34, v34;
	v4 =	vmul.f32 v4, v4;
	v35 =	vpop (erf)  }
0xc8: {  	v6 =	vmul.f32 v35, v9  }
0xc9: {  	v37 =	vmul.f32 v36, v36;
	v4 =	vadd.f32 v5, v4  }
0xca: {  	v6 =	vadd.f32 v6, v3  }
0xcb: {  	v3 =	vadd.f32 v37, v4  }
0xcc: {  	v27 =	vmul.f32 $5.000000000e-01, v6  }
0xcd: {  	v4 =	vshra.s32 v3, $0x1  }
0xce: {  	v4 =	vadd.s32 $0x1FBD1DF5, v4;
	(erf) = vrcp.f32 v27  }
0xcf: {  	(erf) = vrcp.f32 v4;
	_ =	sdelay $0x7  }
0xd0: {  	v35 =	vpop (erf)  }
0xd1: {  	v38 =	vpop (erf)  }
0xd2: {  	v5 =	vmul.f32 v38, v3;
	_ =	sdelay $0x1  }
0xd3: {  	v4 =	vadd.f32 v4, v5;
	_ =	sdelay $0x1  }
0xd4: {  	v4 =	vmul.f32 $5.000000000e-01, v4  }
0xd5: {  	v39 =	vld [tilespmem:$0xE30]  }
0xd6: {  	v40 =	vld [tilespmem:$0x1130];
	(erf) = vrcp.f32 v4  }
0xd7: {  	v41 =	vld [tilespmem:$0xF30]  }
0xd8: {  	v42 =	vld [tilespmem:$0x1230]  }
0xd9: {  	v43 =	vld [tilespmem:$0x1030]  }
0xda: {  	v11 =	vld [tilespmem:$0x1330];
	_ =	sdelay $0x2  }
0xdb: {  	v44 =	vsub.f32 v41, v42;
	v5 =	vsub.f32 v39, v40;
	_ =	sdelay $0x1  }
0xdc: {  	v46 =	vsub.f32 v43, v11;
	v6 =	vmul.f32 v44, v44;
	v5 =	vmul.f32 v5, v5;
	v45 =	vpop (erf)  }
0xdd: {  	v7 =	vmul.f32 v45, v3  }
0xde: {  	v47 =	vmul.f32 v46, v46;
	v5 =	vadd.f32 v6, v5  }
0xdf: {  	v4 =	vadd.f32 v7, v4  }
0xe0: {  	v11 =	vadd.f32 v47, v5  }
0xe1: {  	v16 =	vmul.f32 $5.000000000e-01, v4  }
0xe2: {  	v48 =	vshra.s32 v11, $0x1  }
0xe3: {  	v4 =	vadd.s32 $0x1FBD1DF5, v48;
	(erf) = vrcp.f32 v16  }
0xe4: {  	(erf) = vrcp.f32 v4;
	_ =	sdelay $0x7  }
0xe5: {  	v26 =	vpop (erf)  }
0xe6: {  	v49 =	vpop (erf)  }
0xe7: {  	v5 =	vmul.f32 v49, v11;
	_ =	sdelay $0x1  }
0xe8: {  	v4 =	vadd.f32 v4, v5;
	_ =	sdelay $0x1  }
0xe9: {  	v4 =	vmul.f32 $5.000000000e-01, v4  }
0xea: {  	v50 =	vld [tilespmem:$0xE40]  }
0xeb: {  	v51 =	vld [tilespmem:$0x1140];
	(erf) = vrcp.f32 v4  }
0xec: {  	v52 =	vld [tilespmem:$0xF40]  }
0xed: {  	v53 =	vld [tilespmem:$0x1240]  }
0xee: {  	v54 =	vld [tilespmem:$0x1040]  }
0xef: {  	v12 =	vld [tilespmem:$0x1340];
	_ =	sdelay $0x2  }
0xf0: {  	v55 =	vsub.f32 v52, v53;
	v5 =	vsub.f32 v50, v51;
	_ =	sdelay $0x1  }
0xf1: {  	v57 =	vsub.f32 v54, v12;
	v6 =	vmul.f32 v55, v55;
	v5 =	vmul.f32 v5, v5;
	v56 =	vpop (erf)  }
0xf2: {  	v7 =	vmul.f32 v56, v11  }
0xf3: {  	v58 =	vmul.f32 v57, v57;
	v5 =	vadd.f32 v6, v5  }
0xf4: {  	v7 =	vadd.f32 v7, v4  }
0xf5: {  	v4 =	vadd.f32 v58, v5  }
0xf6: {  	v23 =	vmul.f32 $5.000000000e-01, v7  }
0xf7: {  	v5 =	vshra.s32 v4, $0x1  }
0xf8: {  	v5 =	vadd.s32 $0x1FBD1DF5, v5;
	(erf) = vrcp.f32 v23  }
0xf9: {  	(erf) = vrcp.f32 v5;
	_ =	sdelay $0x7  }
0xfa: {  	v37 =	vpop (erf)  }
0xfb: {  	v59 =	vpop (erf)  }
0xfc: {  	v6 =	vmul.f32 v59, v4;
	_ =	sdelay $0x1  }
0xfd: {  	v5 =	vadd.f32 v5, v6;
	_ =	sdelay $0x1  }
0xfe: {  	v5 =	vmul.f32 $5.000000000e-01, v5  }
0xff: {  	v60 =	vld [tilespmem:$0xE50]  }
0x100: {  	v61 =	vld [tilespmem:$0x1150];
	(erf) = vrcp.f32 v5  }
0x101: {  	v62 =	vld [tilespmem:$0xF50]  }
0x102: {  	v63 =	vld [tilespmem:$0x1250]  }
0x103: {  	v17 =	vld [tilespmem:$0x1050]  }
0x104: {  	v13 =	vld [tilespmem:$0x1350];
	_ =	sdelay $0x2  }
0x105: {  	v18 =	vsub.f32 v62, v63;
	v6 =	vsub.f32 v60, v61;
	_ =	sdelay $0x1  }
0x106: {  	v20 =	vsub.f32 v17, v13;
	v7 =	vmul.f32 v18, v18;
	v6 =	vmul.f32 v6, v6;
	v19 =	vpop (erf)  }
0x107: {  	v8 =	vmul.f32 v19, v4  }
0x108: {  	v21 =	vmul.f32 v20, v20;
	v6 =	vadd.f32 v7, v6  }
0x109: {  	v5 =	vadd.f32 v8, v5  }
0x10a: {  	v12 =	vadd.f32 v21, v6  }
0x10b: {  	v15 =	vmul.f32 $5.000000000e-01, v5  }
0x10c: {  	v24 =	vshra.s32 v12, $0x1  }
0x10d: {  	v5 =	vadd.s32 $0x1FBD1DF5, v24;
	(erf) = vrcp.f32 v15  }
0x10e: {  	(erf) = vrcp.f32 v5;
	_ =	sdelay $0x7  }
0x10f: {  	v30 =	vpop (erf)  }
0x110: {  	v25 =	vpop (erf)  }
0x111: {  	v6 =	vmul.f32 v25, v12;
	_ =	sdelay $0x1  }
0x112: {  	v5 =	vadd.f32 v5, v6;
	_ =	sdelay $0x1  }
0x113: {  	v5 =	vmul.f32 $5.000000000e-01, v5  }
0x114: {  	v31 =	vld [tilespmem:$0xF60]  }
0x115: {  	v32 =	vld [tilespmem:$0x1260];
	(erf) = vrcp.f32 v5  }
0x116: {  	v28 =	vld [tilespmem:$0xE60]  }
0x117: {  	v29 =	vld [tilespmem:$0x1160]  }
0x118: {  	v33 =	vld [tilespmem:$0x1060]  }
0x119: {  	v17 =	vld [tilespmem:$0x1360];
	_ =	sdelay $0x2  }
0x11a: {  	v34 =	vsub.f32 v31, v32;
	v6 =	vsub.f32 v28, v29;
	_ =	sdelay $0x1  }
0x11b: {  	v38 =	vsub.f32 v33, v17;
	v7 =	vmul.f32 v34, v34;
	v6 =	vmul.f32 v6, v6;
	v36 =	vpop (erf)  }
0x11c: {  	v8 =	vmul.f32 v36, v12  }
0x11d: {  	v39 =	vmul.f32 v38, v38;
	v6 =	vadd.f32 v7, v6  }
0x11e: {  	v5 =	vadd.f32 v8, v5  }
0x11f: {  	v6 =	vadd.f32 v39, v6  }
0x120: {  	v28 =	vmul.f32 $5.000000000e-01, v5  }
0x121: {  	v40 =	vshra.s32 v6, $0x1  }
0x122: {  	v5 =	vadd.s32 $0x1FBD1DF5, v40;
	(erf) = vrcp.f32 v28  }
0x123: {  	(erf) = vrcp.f32 v5;
	_ =	sdelay $0x7  }
0x124: {  	v38 =	vpop (erf)  }
0x125: {  	v41 =	vpop (erf)  }
0x126: {  	v7 =	vmul.f32 v41, v6;
	_ =	sdelay $0x1  }
0x127: {  	v5 =	vadd.f32 v5, v7;
	_ =	sdelay $0x1  }
0x128: {  	v5 =	vmul.f32 $5.000000000e-01, v5  }
0x129: {  	v42 =	vld [tilespmem:$0xE70]  }
0x12a: {  	v43 =	vld [tilespmem:$0x1170];
	(erf) = vrcp.f32 v5  }
0x12b: {  	v44 =	vld [tilespmem:$0xF70]  }
0x12c: {  	v45 =	vld [tilespmem:$0x1270]  }
0x12d: {  	v46 =	vld [tilespmem:$0x1070]  }
0x12e: {  	v18 =	vld [tilespmem:$0x1370];
	_ =	sdelay $0x2  }
0x12f: {  	v47 =	vsub.f32 v44, v45;
	v7 =	vsub.f32 v42, v43;
	_ =	sdelay $0x1  }
0x130: {  	v49 =	vsub.f32 v46, v18;
	v8 =	vmul.f32 v47, v47;
	v7 =	vmul.f32 v7, v7;
	v48 =	vpop (erf)  }
0x131: {  	v10 =	vmul.f32 v48, v6  }
0x132: {  	v50 =	vmul.f32 v49, v49;
	v7 =	vadd.f32 v8, v7  }
0x133: {  	v5 =	vadd.f32 v10, v5  }
0x134: {  	v7 =	vadd.f32 v50, v7  }
0x135: {  	v25 =	vmul.f32 $5.000000000e-01, v5  }
0x136: {  	v51 =	vshra.s32 v7, $0x1  }
0x137: {  	v5 =	vadd.s32 $0x1FBD1DF5, v51;
	(erf) = vrcp.f32 v25  }
0x138: {  	(erf) = vrcp.f32 v5;
	_ =	sdelay $0x7  }
0x139: {  	v32 =	vpop (erf)  }
0x13a: {  	v52 =	vpop (erf)  }
0x13b: {  	v8 =	vmul.f32 v52, v7;
	_ =	sdelay $0x1  }
0x13c: {  	v5 =	vadd.f32 v5, v8;
	_ =	sdelay $0x1  }
0x13d: {  	v5 =	vmul.f32 $5.000000000e-01, v5  }
0x13e: {  	v53 =	vld [tilespmem:$0xE80]  }
0x13f: {  	v54 =	vld [tilespmem:$0x1180];
	(erf) = vrcp.f32 v5  }
0x140: {  	v55 =	vld [tilespmem:$0xF80]  }
0x141: {  	v56 =	vld [tilespmem:$0x1280]  }
0x142: {  	v57 =	vld [tilespmem:$0x1080]  }
0x143: {  	v19 =	vld [tilespmem:$0x1380];
	_ =	sdelay $0x2  }
0x144: {  	v58 =	vsub.f32 v55, v56;
	v8 =	vsub.f32 v53, v54;
	_ =	sdelay $0x1  }
0x145: {  	v60 =	vsub.f32 v57, v19;
	v10 =	vmul.f32 v58, v58;
	v8 =	vmul.f32 v8, v8;
	v59 =	vpop (erf)  }
0x146: {  	v13 =	vmul.f32 v59, v7  }
0x147: {  	v61 =	vmul.f32 v60, v60;
	v8 =	vadd.f32 v10, v8  }
0x148: {  	v13 =	vadd.f32 v13, v5  }
0x149: {  	v5 =	vadd.f32 v61, v8  }
0x14a: {  	v20 =	vmul.f32 $5.000000000e-01, v13  }
0x14b: {  	v8 =	vshra.s32 v5, $0x1  }
0x14c: {  	v8 =	vadd.s32 $0x1FBD1DF5, v8;
	(erf) = vrcp.f32 v20  }
0x14d: {  	(erf) = vrcp.f32 v8;
	_ =	sdelay $0x7  }
0x14e: {  	v33 =	vpop (erf)  }
0x14f: {  	v62 =	vpop (erf)  }
0x150: {  	v10 =	vmul.f32 v62, v5;
	_ =	sdelay $0x1  }
0x151: {  	v8 =	vadd.f32 v8, v10;
	_ =	sdelay $0x1  }
0x152: {  	v8 =	vmul.f32 $5.000000000e-01, v8  }
0x153: {  	v63 =	vld [tilespmem:$0xE90]  }
0x154: {  	v31 =	vld [tilespmem:$0x1290];
	(erf) = vrcp.f32 v8  }
0x155: {  	v24 =	vld [tilespmem:$0x1190]  }
0x156: {  	v29 =	vld [tilespmem:$0xF90]  }
0x157: {  	v34 =	vld [tilespmem:$0x1090]  }
0x158: {  	v21 =	vld [tilespmem:$0x1390];
	_ =	sdelay $0x2  }
0x159: {  	v36 =	vsub.f32 v29, v31;
	v10 =	vsub.f32 v63, v24;
	_ =	sdelay $0x1  }
0x15a: {  	v40 =	vsub.f32 v34, v21;
	v13 =	vmul.f32 v36, v36;
	v10 =	vmul.f32 v10, v10;
	v39 =	vpop (erf)  }
0x15b: {  	v17 =	vmul.f32 v39, v5  }
0x15c: {  	v41 =	vmul.f32 v40, v40;
	v10 =	vadd.f32 v13, v10  }
0x15d: {  	v8 =	vadd.f32 v17, v8  }
0x15e: {  	v13 =	vadd.f32 v41, v10  }
0x15f: {  	v19 =	vmul.f32 $5.000000000e-01, v8  }
0x160: {  	v42 =	vshra.s32 v13, $0x1  }
0x161: {  	v8 =	vadd.s32 $0x1FBD1DF5, v42;
	(erf) = vrcp.f32 v19  }
0x162: {  	(erf) = vrcp.f32 v8;
	_ =	sdelay $0x7  }
0x163: {  	v31 =	vpop (erf)  }
0x164: {  	v43 =	vpop (erf)  }
0x165: {  	v10 =	vmul.f32 v43, v13;
	_ =	sdelay $0x1  }
0x166: {  	v8 =	vadd.f32 v8, v10;
	_ =	sdelay $0x1  }
0x167: {  	v8 =	vmul.f32 $5.000000000e-01, v8  }
0x168: {  	v44 =	vld [tilespmem:$0xEA0]  }
0x169: {  	v45 =	vld [tilespmem:$0x11A0];
	(erf) = vrcp.f32 v8  }
0x16a: {  	v46 =	vld [tilespmem:$0xFA0]  }
0x16b: {  	v47 =	vld [tilespmem:$0x12A0]  }
0x16c: {  	v29 =	vld [tilespmem:$0x13A0]  }
0x16d: {  	v24 =	vld [tilespmem:$0x10A0];
	_ =	sdelay $0x2  }
0x16e: {  	v48 =	vsub.f32 v46, v47;
	v10 =	vsub.f32 v44, v45;
	_ =	sdelay $0x1  }
0x16f: {  	v50 =	vsub.f32 v24, v29;
	v17 =	vmul.f32 v48, v48;
	v10 =	vmul.f32 v10, v10;
	v49 =	vpop (erf)  }
0x170: {  	v18 =	vmul.f32 v49, v13  }
0x171: {  	v51 =	vmul.f32 v50, v50;
	v10 =	vadd.f32 v17, v10  }
0x172: {  	v18 =	vadd.f32 v18, v8  }
0x173: {  	v8 =	vadd.f32 v51, v10  }
0x174: {  	v29 =	vmul.f32 $5.000000000e-01, v18  }
0x175: {  	v10 =	vshra.s32 v8, $0x1  }
0x176: {  	v10 =	vadd.s32 $0x1FBD1DF5, v10;
	(erf) = vrcp.f32 v29  }
0x177: {  	(erf) = vrcp.f32 v10;
	_ =	sdelay $0x7  }
0x178: {  	v40 =	vpop (erf)  }
0x179: {  	v52 =	vpop (erf)  }
0x17a: {  	v17 =	vmul.f32 v52, v8;
	_ =	sdelay $0x1  }
0x17b: {  	v10 =	vadd.f32 v10, v17;
	_ =	sdelay $0x1  }
0x17c: {  	v10 =	vmul.f32 $5.000000000e-01, v10  }
0x17d: {  	v55 =	vld [tilespmem:$0xFB0]  }
0x17e: {  	v56 =	vld [tilespmem:$0x12B0];
	(erf) = vrcp.f32 v10  }
0x17f: {  	v53 =	vld [tilespmem:$0xEB0]  }
0x180: {  	v54 =	vld [tilespmem:$0x11B0]  }
0x181: {  	v34 =	vld [tilespmem:$0x10B0]  }
0x182: {  	v36 =	vld [tilespmem:$0x13B0];
	_ =	sdelay $0x2  }
0x183: {  	v57 =	vsub.f32 v55, v56;
	v17 =	vsub.f32 v53, v54;
	_ =	sdelay $0x1  }
0x184: {  	v59 =	vsub.f32 v34, v36;
	v18 =	vmul.f32 v57, v57;
	v17 =	vmul.f32 v17, v17;
	v58 =	vpop (erf)  }
0x185: {  	v21 =	vmul.f32 v58, v8  }
0x186: {  	v60 =	vmul.f32 v59, v59;
	v17 =	vadd.f32 v18, v17  }
0x187: {  	v21 =	vadd.f32 v21, v10  }
0x188: {  	v10 =	vadd.f32 v60, v17  }
0x189: {  	v21 =	vmul.f32 $5.000000000e-01, v21  }
0x18a: {  	v17 =	vshra.s32 v10, $0x1  }
0x18b: {  	v17 =	vadd.s32 $0x1FBD1DF5, v17;
	(erf) = vrcp.f32 v21  }
0x18c: {  	(erf) = vrcp.f32 v17;
	_ =	sdelay $0x7  }
0x18d: {  	v34 =	vpop (erf)  }
0x18e: {  	v61 =	vpop (erf)  }
0x18f: {  	v18 =	vmul.f32 v61, v10;
	_ =	sdelay $0x1  }
0x190: {  	v17 =	vadd.f32 v17, v18;
	_ =	sdelay $0x1  }
0x191: {  	v17 =	vmul.f32 $5.000000000e-01, v17  }
0x192: {  	v62 =	vld [tilespmem:$0xEC0]  }
0x193: {  	v63 =	vld [tilespmem:$0x11C0];
	(erf) = vrcp.f32 v17  }
0x194: {  	v39 =	vld [tilespmem:$0x12C0]  }
0x195: {  	v45 =	vld [tilespmem:$0xFC0]  }
0x196: {  	v41 =	vld [tilespmem:$0x10C0]  }
0x197: {  	v42 =	vld [tilespmem:$0x13C0];
	_ =	sdelay $0x2  }
0x198: {  	v46 =	vsub.f32 v45, v39;
	v18 =	vsub.f32 v62, v63;
	_ =	sdelay $0x1  }
0x199: {  	v48 =	vsub.f32 v41, v42;
	v24 =	vmul.f32 v46, v46;
	v18 =	vmul.f32 v18, v18;
	v47 =	vpop (erf)  }
0x19a: {  	v36 =	vmul.f32 v47, v10  }
0x19b: {  	v49 =	vmul.f32 v48, v48;
	v18 =	vadd.f32 v24, v18  }
0x19c: {  	v17 =	vadd.f32 v36, v17  }
0x19d: {  	v18 =	vadd.f32 v49, v18  }
0x19e: {  	v24 =	vmul.f32 $5.000000000e-01, v17  }
0x19f: {  	v50 =	vshra.s32 v18, $0x1  }
0x1a0: {  	v17 =	vadd.s32 $0x1FBD1DF5, v50;
	(erf) = vrcp.f32 v24  }
0x1a1: {  	(erf) = vrcp.f32 v17;
	_ =	sdelay $0x7  }
0x1a2: {  	v36 =	vpop (erf)  }
0x1a3: {  	v51 =	vpop (erf)  }
0x1a4: {  	v39 =	vmul.f32 v51, v18;
	_ =	sdelay $0x1  }
0x1a5: {  	v17 =	vadd.f32 v17, v39;
	_ =	sdelay $0x1  }
0x1a6: {  	v17 =	vmul.f32 $5.000000000e-01, v17  }
0x1a7: {  	v43 =	vld [tilespmem:$0x12D0]  }
0x1a8: {  	v52 =	vld [tilespmem:$0xED0];
	(erf) = vrcp.f32 v17  }
0x1a9: {  	v53 =	vld [tilespmem:$0x11D0]  }
0x1aa: {  	v54 =	vld [tilespmem:$0xFD0]  }
0x1ab: {  	v44 =	vld [tilespmem:$0x10D0]  }
0x1ac: {  	v45 =	vld [tilespmem:$0x13D0];
	_ =	sdelay $0x1  }
0x1ad: {  	v30 =	vmul.f32 v30, v4  }
0x1ae: {  	v2 =	vmul.f32 v22, v2;
	v22 =	vld [tilespmem:$0x930];
	v55 =	vsub.f32 v54, v43;
	v39 =	vsub.f32 v52, v53  }
0x1af: {  	v15 =	vadd.f32 v30, v15;
	v30 =	vld [tilespmem:$0x970];
	v12 =	vmul.f32 v38, v12  }
0x1b0: {  	v38 =	vld [tilespmem:$0xC70];
	v57 =	vsub.f32 v44, v45;
	v41 =	vmul.f32 v55, v55;
	v39 =	vmul.f32 v39, v39;
	v56 =	vpop (erf)  }
0x1b1: {  	v2 =	vadd.f32 v2, v14;
	v14 =	vld [tilespmem:$0x11E0];
	v3 =	vmul.f32 v26, v3;
	v42 =	vmul.f32 v56, v18  }
0x1b2: {  	v26 =	vld [tilespmem:$0x850];
	v11 =	vmul.f32 v37, v11;
	v59 =	vmul.f32 v57, v57;
	v39 =	vadd.f32 v41, v39  }
0x1b3: {  	v37 =	vld [tilespmem:$0x950];
	v42 =	vadd.f32 v42, v17  }
0x1b4: {  	v11 =	vadd.f32 v11, v23;
	v23 =	vld [tilespmem:$0xA50];
	v17 =	vadd.f32 v59, v39  }
0x1b5: {  	v30 =	vsub.f32 v30, v38;
	v38 =	vld [tilespmem:$0xBB0];
	v39 =	vmul.f32 $5.000000000e-01, v42  }
0x1b6: {  	v48 =	vld [tilespmem:$0x810];
	v46 =	vshra.s32 v17, $0x1  }
0x1b7: {  	v44 =	vld [tilespmem:$0xB20];
	v46 =	vadd.s32 $0x1FBD1DF5, v46;
	(erf) = vrcp.f32 v39  }
0x1b8: {  	v13 =	vmul.f32 v40, v13;
	v40 =	vld [tilespmem:$0x9B0];
	(erf) = vrcp.f32 v46  }
0x1b9: {  	v54 =	vld [tilespmem:$0x820]  }
0x1ba: {  	v58 =	vld [tilespmem:$0x800]  }
0x1bb: {  	v60 =	vld [tilespmem:$0xB00]  }
0x1bc: {  	v61 =	vld [tilespmem:$0x900]  }
0x1bd: {  	v62 =	vld [tilespmem:$0xC00]  }
0x1be: {  	v55 =	vld [tilespmem:$0x920]  }
0x1bf: {  	v49 =	vld [tilespmem:$0xB10]  }
0x1c0: {  	v50 =	vld [tilespmem:$0x910];
	v41 =	vpop (erf)  }
0x1c1: {  	v51 =	vld [tilespmem:$0xC10];
	v57 =	vpop (erf)  }
0x1c2: {  	v43 =	vsub.f32 v58, v60;
	v63 =	vld [tilespmem:$0xA00];
	v45 =	vsub.f32 v61, v62;
	v57 =	vmul.f32 v57, v17  }
0x1c3: {  	v47 =	vld [tilespmem:$0xD00]  }
0x1c4: {  	v43 =	vmul.f32 v43, v43;
	v45 =	vmul.f32 v45, v45;
	v52 =	vld [tilespmem:$0xA10];
	v60 =	vadd.f32 v46, v57  }
0x1c5: {  	v48 =	vsub.f32 v48, v49;
	v53 =	vld [tilespmem:$0xD10]  }
0x1c6: {  	v43 =	vadd.f32 v45, v43;
	v61 =	vsub.f32 v50, v51;
	v56 =	vld [tilespmem:$0xC20];
	v45 =	vmul.f32 $5.000000000e-01, v60  }
0x1c7: {  	v58 =	vld [tilespmem:$0xA20];
	v62 =	vmul.f32 v48, v48  }
0x1c8: {  	v51 =	vld [tilespmem:$0xEE0];
	v42 =	vsub.f32 v63, v47;
	v63 =	vmul.f32 v61, v61;
	(erf) = vrcp.f32 v45  }
0x1c9: {  	v2 =	vmul.f32 $5.000000000e-01, v2;
	v61 =	vld [tilespmem:$0xFE0]  }
0x1ca: {  	v9 =	vmul.f32 v35, v9;
	v47 =	vadd.f32 v63, v62;
	v62 =	vld [tilespmem:$0x12E0];
	v57 =	vsub.f32 v52, v53  }
0x1cb: {  	v55 =	vsub.f32 v55, v56;
	v56 =	vld [tilespmem:$0x13E0];
	v42 =	vmul.f32 v42, v42  }
0x1cc: {  	v2 =	vadd.f32 $0.0e+00, v2;
	v9 =	vadd.f32 v9, v27;
	v63 =	vld [tilespmem:$0x10E0];
	v60 =	vmul.f32 v57, v57  }
0x1cd: {  	v54 =	vsub.f32 v54, v44;
	v50 =	vld [tilespmem:$0xB30];
	v42 =	vadd.f32 v42, v43  }
0x1ce: {  	v9 =	vmul.f32 $5.000000000e-01, v9;
	v14 =	vsub.f32 v51, v14;
	v59 =	vld [tilespmem:$0xD20];
	v47 =	vadd.f32 v60, v47  }
0x1cf: {  	v8 =	vmul.f32 v34, v8;
	vm3 =	vlt.f32 v42, $2.500000000e-01;
	v35 =	vsub.f32 v61, v62;
	v46 =	vld [tilespmem:$0x830]  }
0x1d0: {  	v34 =	vld [tilespmem:$0xBE0];
	v14 =	vmul.f32 v14, v14;
	v2 =	vnsel vm3, $0x0, v2;
	vm4 =	vlt.f32 v47, $2.500000000e-01  }
0x1d1: {  	v49 =	vld [tilespmem:$0xB40];
	v27 =	vsub.f32 v63, v56;
	v35 =	vmul.f32 v35, v35;
	v9 =	vnsel vm4, $0x0, v9;
	v62 =	vpop (erf)  }
0x1d2: {  	v44 =	vmul.f32 v55, v55;
	v57 =	vld [tilespmem:$0xC30];
	v9 =	vadd.f32 v9, v2;
	v2 =	vmul.f32 v62, v17  }
0x1d3: {  	v58 =	vsub.f32 v58, v59;
	v59 =	vld [tilespmem:$0xA30];
	v27 =	vmul.f32 v27, v27;
	v14 =	vadd.f32 v35, v14  }
0x1d4: {  	v43 =	vld [tilespmem:$0xB50];
	v42 =	vmul.f32 v54, v54;
	v48 =	vsub.f32 v46, v50;
	v50 =	vadd.f32 v2, v45  }
0x1d5: {  	v54 =	vadd.f32 v3, v16;
	v63 =	vld [tilespmem:$0xC40];
	v2 =	vadd.f32 v27, v14  }
0x1d6: {  	v61 =	vmul.f32 v58, v58;
	v42 =	vadd.f32 v44, v42;
	v60 =	vld [tilespmem:$0xD30];
	v3 =	vmul.f32 $5.000000000e-01, v50  }
0x1d7: {  	v44 =	vld [tilespmem:$0x840];
	v22 =	vsub.f32 v22, v57;
	v57 =	vshra.s32 v2, $0x1  }
0x1d8: {  	v42 =	vadd.f32 v61, v42;
	v61 =	vld [tilespmem:$0xD50];
	v47 =	vadd.s32 $0x1FBD1DF5, v57;
	(erf) = vrcp.f32 v3  }
0x1d9: {  	v35 =	vld [tilespmem:$0x8B0];
	(erf) = vrcp.f32 v47  }
0x1da: {  	v53 =	vld [tilespmem:$0x940]  }
0x1db: {  	v52 =	vld [tilespmem:$0xB60];
	v55 =	vmul.f32 v48, v48;
	v22 =	vmul.f32 v22, v22;
	v56 =	vsub.f32 v59, v60  }
0x1dc: {  	v46 =	vld [tilespmem:$0xD40]  }
0x1dd: {  	v16 =	vadd.f32 v22, v55;
	v58 =	vmul.f32 v56, v56;
	v55 =	vld [tilespmem:$0xC60]  }
0x1de: {  	v56 =	vld [tilespmem:$0xA60]  }
0x1df: {  	v11 =	vmul.f32 $5.000000000e-01, v11;
	v60 =	vsel vm4, $0x3F800000, v0;
	v16 =	vadd.f32 v58, v16;
	v58 =	vld [tilespmem:$0xD60]  }
0x1e0: {  	v63 =	vsub.f32 v53, v63;
	v59 =	vsel vm3, $0x3F800000, v0;
	v62 =	vsub.f32 v44, v49;
	v44 =	vld [tilespmem:$0x860]  }
0x1e1: {  	v15 =	vmul.f32 $5.000000000e-01, v15;
	v26 =	vsub.f32 v26, v43;
	v48 =	vadd.f32 v60, v59;
	v49 =	vld [tilespmem:$0x11F0];
	v4 =	vpop (erf)  }
0x1e2: {  	vm10 =	vlt.f32 v16, $2.500000000e-01;
	v16 =	vmul.f32 v63, v63;
	v45 =	vld [tilespmem:$0xA40];
	v14 =	vmul.f32 $5.000000000e-01, v54;
	v60 =	vpop (erf)  }
0x1e3: {  	vm3 =	vlt.f32 v42, $2.500000000e-01;
	v27 =	vld [tilespmem:$0xC50];
	v42 =	vmul.f32 v62, v62;
	v43 =	vmul.f32 v60, v2  }
0x1e4: {  	v12 =	vadd.f32 v12, v28;
	v53 =	vsel vm3, $0x3F800000, v0;
	v22 =	vsub.f32 v23, v61;
	v54 =	vld [tilespmem:$0x960]  }
0x1e5: {  	v14 =	vnsel vm3, $0x0, v14;
	v16 =	vadd.f32 v16, v42;
	v42 =	vld [tilespmem:$0xB70];
	v61 =	vadd.f32 v47, v43  }
0x1e6: {  	v6 =	vmul.f32 v32, v6;
	v9 =	vadd.f32 v14, v9;
	v14 =	vadd.f32 v53, v48;
	v48 =	vld [tilespmem:$0xEF0]  }
0x1e7: {  	v12 =	vmul.f32 $5.000000000e-01, v12;
	v63 =	vsub.f32 v44, v52;
	v52 =	vld [tilespmem:$0xFF0];
	v23 =	vmul.f32 $5.000000000e-01, v61  }
0x1e8: {  	v6 =	vadd.f32 v6, v25;
	v7 =	vmul.f32 v33, v7;
	v44 =	vld [tilespmem:$0xD80];
	v45 =	vsub.f32 v45, v46  }
0x1e9: {  	v11 =	vnsel vm10, $0x0, v11;
	v27 =	vsub.f32 v37, v27;
	v37 =	vld [tilespmem:$0x870];
	(erf) = vrcp.f32 v23  }
0x1ea: {  	v9 =	vadd.f32 v11, v9;
	v11 =	vsub.f32 v56, v58;
	v58 =	vld [tilespmem:$0x880];
	v57 =	vmul.f32 v45, v45  }
0x1eb: {  	v26 =	vmul.f32 v26, v26;
	v27 =	vmul.f32 v27, v27;
	v47 =	vsub.f32 v54, v55;
	v54 =	vld [tilespmem:$0x12F0]  }
0x1ec: {  	v20 =	vadd.f32 v7, v20;
	v5 =	vmul.f32 v31, v5;
	v16 =	vadd.f32 v57, v16;
	v57 =	vld [tilespmem:$0x13F0]  }
0x1ed: {  	v22 =	vmul.f32 v22, v22;
	v59 =	vsel vm10, $0x3F800000, v0;
	v62 =	vadd.f32 v27, v26;
	v55 =	vld [tilespmem:$0x10F0]  }
0x1ee: {  	v30 =	vmul.f32 v30, v30;
	v5 =	vadd.f32 v5, v19;
	v14 =	vadd.f32 v59, v14;
	v59 =	vld [tilespmem:$0xB80]  }
0x1ef: {  	v50 =	vmul.f32 v63, v63;
	v63 =	vld [tilespmem:$0xC80];
	vm3 =	vlt.f32 v16, $2.500000000e-01;
	v16 =	vadd.f32 v22, v62  }
0x1f0: {  	v20 =	vmul.f32 $5.000000000e-01, v20;
	v45 =	vld [tilespmem:$0x890];
	v22 =	vsub.f32 v48, v49;
	v60 =	vsub.f32 v52, v54  }
0x1f1: {  	v5 =	vmul.f32 $5.000000000e-01, v5;
	v8 =	vadd.f32 v8, v21;
	v26 =	vld [tilespmem:$0xA70];
	vm11 =	vlt.f32 v16, $2.500000000e-01  }
0x1f2: {  	v27 =	vld [tilespmem:$0xD70];
	v22 =	vmul.f32 v22, v22;
	v16 =	vsub.f32 v55, v57;
	v25 =	vmul.f32 v60, v60;
	v43 =	vpop (erf)  }
0x1f3: {  	v8 =	vmul.f32 $5.000000000e-01, v8;
	v62 =	vsub.f32 v37, v42;
	v42 =	vld [tilespmem:$0xA80];
	v32 =	vmul.f32 v43, v2  }
0x1f4: {  	v48 =	vld [tilespmem:$0x990];
	v53 =	vsel vm3, $0x3F800000, v0;
	v16 =	vmul.f32 v16, v16;
	v22 =	vadd.f32 v25, v22  }
0x1f5: {  	v10 =	vmul.f32 v36, v10;
	v14 =	vadd.f32 v53, v14;
	v53 =	vld [tilespmem:$0xD90];
	v23 =	vadd.f32 v32, v23  }
0x1f6: {  	v46 =	vmul.f32 $5.000000000e-01, v6;
	v51 =	vmul.f32 v47, v47;
	v61 =	vld [tilespmem:$0x980];
	v6 =	vadd.f32 v16, v22  }
0x1f7: {  	v10 =	vadd.f32 v10, v24;
	v15 =	vnsel vm3, $0x0, v15;
	v47 =	vld [tilespmem:$0xB90];
	v7 =	vmul.f32 $5.000000000e-01, v23  }
0x1f8: {  	v9 =	vadd.f32 v15, v9;
	v15 =	vadd.f32 v51, v50;
	v50 =	vld [tilespmem:$0xC90];
	v52 =	vshra.s32 v6, $0x1  }
0x1f9: {  	v12 =	vnsel vm11, $0x0, v12;
	v51 =	vld [tilespmem:$0xA90];
	v23 =	vadd.s32 $0x1FBD1DF5, v52;
	(erf) = vrcp.f32 v7  }
0x1fa: {  	v56 =	vsel vm11, $0x3F800000, v0;
	v26 =	vsub.f32 v26, v27;
	v55 =	vld [tilespmem:$0x8A0];
	(erf) = vrcp.f32 v23  }
0x1fb: {  	v11 =	vmul.f32 v11, v11;
	v9 =	vadd.f32 v12, v9;
	v12 =	vadd.f32 v56, v14;
	v57 =	vld [tilespmem:$0xBA0]  }
0x1fc: {  	v4 =	vmul.f32 v4, v17;
	v54 =	vsub.f32 v58, v59;
	v58 =	vld [tilespmem:$0x9A0];
	v59 =	vsub.f32 v42, v44  }
0x1fd: {  	v10 =	vmul.f32 $5.000000000e-01, v10;
	v42 =	vadd.f32 v13, v29;
	v29 =	vld [tilespmem:$0xDD0];
	v11 =	vadd.f32 v11, v15  }
0x1fe: {  	v18 =	vmul.f32 v41, v18;
	v3 =	vadd.f32 v4, v3;
	v28 =	vsub.f32 v61, v63;
	v61 =	vld [tilespmem:$0xCA0]  }
0x1ff: {  	v26 =	vmul.f32 v26, v26;
	v63 =	vld [tilespmem:$0xDA0];
	vm3 =	vlt.f32 v11, $2.500000000e-01;
	v11 =	vmul.f32 v62, v62  }
0x200: {  	v3 =	vmul.f32 $5.000000000e-01, v3;
	v62 =	vld [tilespmem:$0xAA0];
	v49 =	vnsel vm3, $0x0, v46;
	v25 =	vsub.f32 v45, v47  }
0x201: {  	v56 =	vsel vm3, $0x3F800000, v0;
	v45 =	vld [tilespmem:$0xAB0];
	v11 =	vadd.f32 v30, v11;
	v9 =	vadd.f32 v49, v9  }
0x202: {  	v60 =	vmul.f32 v28, v28;
	v12 =	vadd.f32 v56, v12;
	v47 =	vsub.f32 v55, v57;
	v55 =	vld [tilespmem:$0xAC0];
	v31 =	vpop (erf)  }
0x203: {  	v46 =	vmul.f32 $5.000000000e-01, v42;
	v22 =	vsub.f32 v48, v50;
	v16 =	vsub.f32 v51, v53;
	v48 =	vld [tilespmem:$0xDB0];
	v44 =	vpop (erf)  }
0x204: {  	v25 =	vmul.f32 v25, v25;
	v50 =	vld [tilespmem:$0x8C0];
	v11 =	vadd.f32 v26, v11;
	v27 =	vmul.f32 v44, v6  }
0x205: {  	v51 =	vld [tilespmem:$0xBC0];
	v15 =	vsub.f32 v58, v61;
	v22 =	vmul.f32 v22, v22;
	v16 =	vmul.f32 v16, v16  }
0x206: {  	v58 =	vld [tilespmem:$0xDC0];
	v19 =	vsub.f32 v62, v63;
	vm12 =	vlt.f32 v11, $2.500000000e-01;
	v23 =	vadd.f32 v23, v27  }
0x207: {  	v28 =	vld [tilespmem:$0xAD0];
	v11 =	vmul.f32 v54, v54;
	v20 =	vnsel vm12, $0x0, v20;
	v37 =	vsel vm12, $0x3F800000, v0  }
0x208: {  	v61 =	vld [tilespmem:$0x9D0];
	v22 =	vadd.f32 v22, v25;
	v9 =	vadd.f32 v20, v9;
	v23 =	vmul.f32 $5.000000000e-01, v23  }
0x209: {  	v43 =	vld [tilespmem:$0xCB0];
	v11 =	vadd.f32 v60, v11;
	v20 =	vmul.f32 v59, v59;
	v12 =	vadd.f32 v37, v12  }
0x20a: {  	v63 =	vld [tilespmem:$0xCD0];
	v14 =	vsub.f32 v45, v48;
	v62 =	vsub.f32 v50, v51;
	(erf) = vrcp.f32 v23  }
0x20b: {  	v53 =	vld [tilespmem:$0x9C0];
	v57 =	vmul.f32 v19, v19;
	v16 =	vadd.f32 v16, v22;
	v19 =	vsub.f32 v55, v58  }
0x20c: {  	v15 =	vmul.f32 v15, v15;
	v54 =	vld [tilespmem:$0xCC0];
	v22 =	vsub.f32 v28, v29;
	v11 =	vadd.f32 v20, v11  }
0x20d: {  	v32 =	vld [tilespmem:$0x8E0];
	v52 =	vmul.f32 v47, v47;
	v20 =	vsub.f32 v35, v38;
	v14 =	vmul.f32 v14, v14  }
0x20e: {  	v42 =	vld [tilespmem:$0xAE0];
	vm13 =	vlt.f32 v16, $2.500000000e-01;
	v13 =	vsub.f32 v40, v43;
	v33 =	vmul.f32 v19, v19  }
0x20f: {  	v59 =	vld [tilespmem:$0x8D0];
	v40 =	vadd.f32 v18, v39;
	v16 =	vsub.f32 v61, v63;
	v22 =	vmul.f32 v22, v22  }
0x210: {  	v60 =	vld [tilespmem:$0xBD0];
	vm3 =	vlt.f32 v11, $2.500000000e-01;
	v56 =	vsel vm13, $0x3F800000, v0;
	v20 =	vmul.f32 v20, v20  }
0x211: {  	v50 =	vld [tilespmem:$0xCF0];
	v11 =	vsub.f32 v53, v54;
	v5 =	vnsel vm3, $0x0, v5;
	v13 =	vmul.f32 v13, v13  }
0x212: {  	v43 =	vld [tilespmem:$0xDE0];
	v49 =	vsel vm3, $0x3F800000, v0;
	v55 =	vsub.f32 v32, v34;
	v5 =	vadd.f32 v5, v9  }
0x213: {  	v12 =	vadd.f32 v49, v12;
	v9 =	vnsel vm13, $0x0, v46;
	v49 =	vld [tilespmem:$0x9F0];
	v13 =	vadd.f32 v13, v20;
	v35 =	vpop (erf)  }
0x214: {  	v5 =	vadd.f32 v9, v5;
	v9 =	vadd.f32 v15, v52;
	v19 =	vmul.f32 v35, v6  }
0x215: {  	v11 =	vmul.f32 v11, v11;
	v12 =	vadd.f32 v56, v12;
	v15 =	vsub.f32 v59, v60  }
0x216: {  	v46 =	vmul.f32 v16, v16;
	v30 =	vadd.f32 v14, v13;
	v41 =	vadd.f32 v19, v23  }
0x217: {  	v37 =	vld [tilespmem:$0x9E0];
	v4 =	vmul.f32 v55, v55;
	v9 =	vadd.f32 v57, v9;
	v57 =	vsub.f32 v42, v43  }
0x218: {  	v38 =	vld [tilespmem:$0xCE0];
	v45 =	vmul.f32 v15, v15;
	v56 =	vsub.f32 v49, v50;
	v18 =	vmul.f32 $5.000000000e-01, v41  }
0x219: {  	v47 =	vld [tilespmem:$0xBF0];
	vm3 =	vlt.f32 v9, $2.500000000e-01;
	v9 =	vmul.f32 v62, v62;
	v58 =	vmul.f32 v57, v57  }
0x21a: {  	v54 =	vld [tilespmem:$0xDF0];
	v8 =	vnsel vm3, $0x0, v8;
	v36 =	vsel vm3, $0x3F800000, v0;
	(erf) = vrcp.f32 v18  }
0x21b: {  	vm3 =	vlt.f32 v30, $2.500000000e-01;
	v5 =	vadd.f32 v8, v5;
	v9 =	vadd.f32 v11, v9;
	v44 =	vld [tilespmem:$0x8F0]  }
0x21c: {  	v52 =	vld [tilespmem:$0xAF0];
	v12 =	vadd.f32 v36, v12;
	v10 =	vnsel vm3, $0x0, v10;
	v48 =	vsel vm3, $0x3F800000, v0  }
0x21d: {  	v11 =	vsub.f32 v37, v38;
	v2 =	vmul.f32 v31, v2;
	v9 =	vadd.f32 v33, v9  }
0x21e: {  	v13 =	vmul.f32 v56, v56;
	v5 =	vadd.f32 v10, v5;
	v12 =	vadd.f32 v48, v12  }
0x21f: {  	v11 =	vmul.f32 v11, v11;
	v2 =	vadd.f32 v2, v7;
	vm14 =	vlt.f32 v9, $2.500000000e-01  }
0x220: {  	v9 =	vadd.f32 v46, v45;
	v51 =	vsel vm14, $0x3F800000, v0;
	v10 =	vsub.f32 v44, v47  }
0x221: {  	v8 =	vmul.f32 $5.000000000e-01, v40;
	v53 =	vadd.f32 v51, v12;
	v12 =	vsub.f32 v52, v54  }
0x222: {  	v4 =	vadd.f32 v11, v4;
	v9 =	vadd.f32 v22, v9;
	v10 =	vmul.f32 v10, v10  }
0x223: {  	v2 =	vmul.f32 $5.000000000e-01, v2;
	v8 =	vnsel vm14, $0x0, v8;
	v12 =	vmul.f32 v12, v12;
	v59 =	vpop (erf)  }
0x224: {  	vm3 =	vlt.f32 v9, $2.500000000e-01;
	v10 =	vadd.f32 v13, v10;
	v6 =	vmul.f32 v59, v6  }
0x225: {  	v5 =	vadd.f32 v8, v5;
	v4 =	vadd.f32 v58, v4;
	v3 =	vnsel vm3, $0x0, v3  }
0x226: {  	v9 =	vsel vm3, $0x3F800000, v0;
	v60 =	vadd.f32 v12, v10;
	v6 =	vadd.f32 v6, v18  }
0x227: {  	vm3 =	vlt.f32 v4, $2.500000000e-01;
	v3 =	vadd.f32 v3, v5;
	v61 =	vadd.f32 v9, v53  }
0x228: {  	v2 =	vnsel vm3, $0x0, v2;
	vm15 =	vlt.f32 v60, $2.500000000e-01;
	v62 =	vmul.f32 $5.000000000e-01, v6  }
0x229: {  	v2 =	vadd.f32 v2, v3;
	v3 =	vsel vm3, $0x3F800000, v0;
	vm3 =	vmand vm15, vm0  }
0x22a: {  	v3 =	vadd.f32 v3, v61;
	v4 =	vnsel vm3, $0x0, v62  }
0x22b: {  	v63 =	vnsel vm15, $0x0, v1;
	v2 =	vadd.f32 v4, v2  }
0x22c: {  	v3 =	vadd.f32 v63, v3  }
0x22d: {  	(xrf2) =	vadd.scan.msk.f32 $0xffff, v2  }
0x22e: {  	(xrf2) =	vadd.scan.msk.f32 $0xffff, v3;
	_ =	sdelay $0x8  }
0x22f: {  	v2, _, _ =	vpop (xrf2)  }
0x230: {  	v3, _, _ =	vpop (xrf2)  }
0x231: {  	v3 =	vbroadcast v3, $0xF  }
0x232: {  	v2 =	vbroadcast v2, $0xF  }
0x233: {  	v3 =	vnsel vm1, $0x0, v3  }
0x234: {  	p0 =	sne.s32 s5, $0x1;
	v2 =	vsel vm2, v3, v2  }
.Ltmp0:
0x235: {  	s13 =	rddreg [dreg:$0x4];
	[tilespmem:$0x1400] =	vst v2;
	(pc) =	sbr.rel @p0 .LBB2_1-.Ltmp0, $4  }
0x236: {  	[hbm4b:s13+s3] =	stream.linear.scatter [tilespmem:s1], [sflag:$0x2], $0x80, $0x38;
	[tilespmem:$0x1480] =	vst v63  }
0x237: {  	_ =	swait.ge [sflag:s6], $0x80  }
0x238: {  	[sflag:s6] =	ssyncset.done $0x0  }
0x239: {  	s5 =	sadd.s32 $0xFFFFFFFF, s5;
	[sflag:s6] =	ssyncadd.s32 $0xFFFFFF80  }
0x23a: {  	_ =	sfence.sel $0x180000  }
0x23b: {  	[bflag:$0x0] =	sbarrier.arrive $0xFFFF  }
0x23c: {  	_ =	strace $0x90000047  }
0x23d: {  	s0 =	stileid.u32;
	[bflag:$0x2] =	sbarrier.arrive $0xFFFF  }
0x23e: {  	p0 =	sne.s32 s0, $0x0;
	s0 =	rddreg [dreg:$0x1]  }
0x23f: {  	s0 =	sadd.s32 @!p0 $0x100000, s0  }
0x240: {  	[sflag:s0] =	ssyncadd.tile.s32 @!p0 $0x1;
	_ =	shalt  }
.Lfunc_end2:
_tile_overlayer_lowered:
.L_overlay_start_2:
0x241: {  	(tag) =	ssettag $0x2  }
0x242: {  	s0 =	rddreg [dreg:$0x0];
	s2 =	stileid.u32  }
0x243: {  	s1 =	rddreg [dreg:$0x1];
	p0 =	sne.s32 s2, $0x0  }
0x244: {  	s3 =	rddreg [dreg:$0x2];
	[bflag:$0x3] =	sbarrier.arrive $0xFFFF;
	s2 =	simm.s32 @!p0 $0x1C02  }
0x245: {  	[timem:s3], [sflag:s2] =	dma.local @!p0 [hbm:s0], s1  }
0x246: {  	s0 =	simm.s32 @!p0 $0x2  }
0x247: {  	_ =	swait.ge @!p0 [sflag:s0], s1  }
0x248: {  	s1 =	ssub.s32 @!p0 $0x0, s1;
	[sflag:s0] =	ssyncset.done @!p0 $0x0  }
0x249: {  	[sflag:s0] =	ssyncadd.s32 @!p0 s1  }
0x24a: {  	[bflag:$0x3] =	sbarrier.arrive $0xFFFF  }
0x24b: {  	_ =	shalt  }

</sc_bundles>
